<compile_context>
chip_gen: v7x
topology: tpu7x:2x2x1
jax: 0.10.2.dev20260603
libtpu: 0.0.44.dev20260713+nightly
codegen_flags: <defaults>
</compile_context>

<pallas_src>
import functools

import jax
import jax.numpy as jnp
from jax import lax
from jax.experimental import pallas as pl
from jax.experimental.pallas import tpu as pltpu
from jax.experimental.pallas import tpu_sc as plsc

_VOCAB = 100000
_D = 50
_DP = 64
_B = 4096
_L = 50
_H = 200
_EPS = 1e-5

_NC, _NS = 2, 16
_NW = _NC * _NS
_ROWS_W = _B // _NW
_TOK_W = _ROWS_W * _L
_CH_TOK = 2 * _L
_N_CH = _ROWS_W // 2
_GRP_TOK = 4 * _CH_TOK
_N_GRP = _N_CH // 4
_SCH = 128
_N_SCH = _TOK_W // _SCH
_HSCH = _N_SCH // 2
_HTOK = _TOK_W // 2
_TILE = 2000
_NT = _VOCAB // 2 // _TILE


def _phalf(e, sfw, sfb):
    p = lax.dot_general(e, sfw, (((1,), (1,)), ((), ())),
                        preferred_element_type=jnp.float32) + sfb
    return [e, p, jnp.zeros((_TILE, _DP - _D - 2), jnp.float32)]


def _prep_body(e1_ref, e2_ref, sfw_ref, sfb_ref, out_ref):
    sfw = sfw_ref[...]
    sfb = sfb_ref[...]
    out_ref[...] = jnp.concatenate(
        _phalf(e1_ref[...], sfw, sfb) + _phalf(e2_ref[...], sfw, sfb),
        axis=1)


def _prep(embed, sf_W, sf_b):
    return pl.pallas_call(
        _prep_body,
        grid=(_NT,),
        in_specs=[
            pl.BlockSpec((_TILE, _D), lambda i: (i, 0)),
            pl.BlockSpec((_TILE, _D), lambda i: (i + _NT, 0)),
            pl.BlockSpec((2, _D), lambda i: (0, 0)),
            pl.BlockSpec((1, 2), lambda i: (0, 0)),
        ],
        out_specs=pl.BlockSpec((_TILE, 2 * _DP), lambda i: (i, 0)),
        out_shape=jax.ShapeDtypeStruct((_VOCAB // 2, 2 * _DP), jnp.float32),
    )(embed, embed, sf_W, sf_b.reshape(1, 2))


def _dense_body(xs_ref, lw_ref, lb_ref, g_ref, bb_ref, fw_ref, fb_ref,
                out_ref):
    y = lax.dot_general(xs_ref[...][:, :_D], lw_ref[...],
                        (((1,), (1,)), ((), ())),
                        preferred_element_type=jnp.float32)
    y = y * (1.0 / _L) + lb_ref[...]
    mu = jnp.mean(y, axis=0, keepdims=True)
    ctr = y - mu
    var = jnp.mean(ctr * ctr, axis=0, keepdims=True)
    yh = ctr * lax.rsqrt(var + _EPS) * g_ref[...] + bb_ref[...]
    out_ref[...] = lax.dot_general(yh, fw_ref[...],
                                   (((1,), (1,)), ((), ())),
                                   preferred_element_type=jnp.float32
                                   ) + fb_ref[...]


def _dense(xsum, lin_W, lin_b, bn_gamma, bn_beta, fc_W, fc_b):
    return pl.pallas_call(
        _dense_body,
        out_shape=jax.ShapeDtypeStruct((_B, 2), jnp.float32),
    )(xsum, lin_W, lin_b.reshape(1, _H), bn_gamma.reshape(1, _H),
      bn_beta.reshape(1, _H), fc_W, fc_b.reshape(1, 2))


_MESH = plsc.VectorSubcoreMesh(core_axis_name="c", subcore_axis_name="s",
                               num_cores=_NC, num_subcores=_NS)


@functools.partial(
    pl.kernel,
    out_type=jax.ShapeDtypeStruct((_B * _L // 16, 16), jnp.float32),
    mesh=_MESH,
    scratch_types=[
        pltpu.VMEM((_N_SCH, _SCH), jnp.int32),
        pltpu.VMEM((_N_SCH, _SCH), jnp.int32),
        pltpu.VMEM((_TOK_W, 8), jnp.float32),
        pltpu.VMEM((_TOK_W // 16, 16), jnp.float32),
        pltpu.SemaphoreType.DMA,
    ],
    compiler_params=pltpu.CompilerParams(use_tc_tiling_on_sc=False,
                                         needs_layout_passes=False),
)
def _sc_tgt(inpL, inpT, lex8, stgt_o, idxL, idxT, sb_t8, sb_pt, semT):
    wid = lax.axis_index("s") * _NC + lax.axis_index("c")
    lane = jnp.arange(16, dtype=jnp.int32)

    pltpu.sync_copy(inpL.at[wid], idxL)
    pltpu.sync_copy(inpT.at[wid], idxT)

    def _fire(c, carry):
        pltpu.async_copy(lex8.at[idxL.at[c]],
                         sb_t8.at[pl.ds(c * _SCH, _SCH)], semT)
        return carry
    lax.fori_loop(0, _N_SCH, _fire, 0)

    def _drain(c, carry):
        pltpu.make_async_copy(lex8.at[idxL.at[0]],
                              sb_t8.at[pl.ds(0, _SCH)], semT).wait()
        return carry
    lax.fori_loop(0, _N_SCH, _drain, 0)

    def _rt(j, carry):
        tv = idxT[j >> 3, pl.ds((16 * j) & 127, 16)]
        rows = 16 * j + lane
        v = plsc.load_gather(sb_t8, [rows, tv & 7])
        sb_pt[j, pl.ds(0, 16)] = v * 0.5 + 0.5
        return carry
    lax.fori_loop(0, _TOK_W // 16, _rt, 0)

    pltpu.sync_copy(sb_pt,
                    stgt_o.at[pl.ds(wid * (_TOK_W // 16), _TOK_W // 16)])


@functools.partial(
    pl.kernel,
    out_type=(jax.ShapeDtypeStruct((_B, _DP), jnp.float32),
              jax.ShapeDtypeStruct((_B * _L // 16, 16), jnp.float32),
              jax.ShapeDtypeStruct((_B * _L // 16, 16), jnp.float32)),
    mesh=_MESH,
    scratch_types=[
        pltpu.VMEM((_N_CH, _CH_TOK), jnp.int32),
        pltpu.VMEM((_GRP_TOK, _DP), jnp.float32),
        pltpu.VMEM((_GRP_TOK, _DP), jnp.float32),
        pltpu.VMEM((_TOK_W // 16, 16), jnp.float32),
        pltpu.VMEM((_TOK_W // 16, 16), jnp.float32),
        pltpu.VMEM((_ROWS_W, _DP), jnp.float32),
        pltpu.SemaphoreType.DMA,
        pltpu.SemaphoreType.DMA,
    ],
    compiler_params=pltpu.CompilerParams(use_tc_tiling_on_sc=False,
                                         needs_layout_passes=False),
)
def _sc_main(inpA, table,
             xsum_o, sp0_o, sp1_o,
             idxA, ebuf0, ebuf1, sb_p0, sb_p1,
             xacc, semP0, semP1):
    wid = lax.axis_index("s") * _NC + lax.axis_index("c")
    lane = jnp.arange(16, dtype=jnp.int32)

    pltpu.sync_copy(inpA.at[wid], idxA)

    def _issue_grp(gg, ebuf, sem):
        for u in range(4):
            pltpu.async_copy(
                table.at[idxA.at[(4 * gg + u) & (_N_CH - 1)]],
                ebuf.at[pl.ds(u * _CH_TOK, _CH_TOK)], sem)

    _issue_grp(0, ebuf0, semP0)
    _issue_grp(1, ebuf1, semP1)

    def _proc_grp(ebuf, gg):
        def _tok(r, carry):
            out = list(carry)
            for t in range(2):
                for row in range(8):
                    for k in range(_DP // 16):
                        v = ebuf[row * _L + 2 * r + t, pl.ds(k * 16, 16)]
                        out[row * 4 + k] = out[row * 4 + k] + v
            return tuple(out)
        acc = lax.fori_loop(
            0, _L // 2, _tok,
            tuple(jnp.zeros((16,), jnp.float32) for _ in range(32)))
        for row in range(8):
            for k in range(_DP // 16):
                xacc[8 * gg + row, pl.ds(k * 16, 16)] = acc[row * 4 + k]

        def _rp(q, carry):
            rows = 16 * q + lane
            v0 = plsc.load_gather(ebuf, [rows, jnp.full((16,), _D,
                                                        jnp.int32)])
            v1 = plsc.load_gather(ebuf, [rows, jnp.full((16,), _D + 1,
                                                        jnp.int32)])
            sb_p0[gg * (_GRP_TOK // 16) + q, pl.ds(0, 16)] = v0
            sb_p1[gg * (_GRP_TOK // 16) + q, pl.ds(0, 16)] = v1
            return carry
        lax.fori_loop(0, _GRP_TOK // 16, _rp, 0)

    def _pool(s, carry):
        gg0 = 2 * s
        pltpu.make_async_copy(table.at[idxA.at[0]], ebuf0, semP0).wait()
        _proc_grp(ebuf0, gg0)
        _issue_grp(gg0 + 2, ebuf0, semP0)
        pltpu.make_async_copy(table.at[idxA.at[0]], ebuf1, semP1).wait()
        _proc_grp(ebuf1, gg0 + 1)
        _issue_grp(gg0 + 3, ebuf1, semP1)
        return carry

    lax.fori_loop(0, _N_GRP // 2, _pool, 0)

    pltpu.make_async_copy(table.at[idxA.at[0]], ebuf0, semP0).wait()
    pltpu.make_async_copy(table.at[idxA.at[0]], ebuf1, semP1).wait()

    pltpu.sync_copy(xacc, xsum_o.at[pl.ds(wid * _ROWS_W, _ROWS_W)])
    pltpu.sync_copy(sb_p0, sp0_o.at[pl.ds(wid * (_TOK_W // 16),
                                          _TOK_W // 16)])
    pltpu.sync_copy(sb_p1, sp1_o.at[pl.ds(wid * (_TOK_W // 16),
                                          _TOK_W // 16)])


def kernel(inp, embed, lex, lin_W, lin_b, bn_gamma, bn_beta, fc_W, fc_b,
           sf_W, sf_b):
    slot = jnp.where(inp < _VOCAB // 2, inp * 2, inp * 2 - (_VOCAB - 1))
    inpA = slot.reshape(_NW, _N_CH, _CH_TOK)
    inpL = (inp >> 3).reshape(_NW, _N_SCH, _SCH)
    inpT = inp.reshape(_NW, _N_SCH, _SCH)
    packed = _prep(embed, sf_W, sf_b)
    table = packed.reshape(_VOCAB, _DP)
    lex8 = lex.reshape(_VOCAB // 8, 8)
    stgt = _sc_tgt(inpL, inpT, lex8)
    xsum, sp0, sp1 = _sc_main(inpA, table)
    output = _dense(xsum, lin_W, lin_b, bn_gamma, bn_beta, fc_W, fc_b)
    senti_output = jnp.stack(
        [sp0.reshape(_B * _L), sp1.reshape(_B * _L)], axis=-1)
    senti_target = stgt.reshape(_B * _L)
    return senti_output, senti_target, output

# --- scband reference (transcript-rebuilt; emitter-appended) ---
"""Pipeline reference for scband-senti-fast-text-44899588112390 (READ-ONLY COPY).

The authoritative reference and input builder live on the scoring server;
editing this copy changes nothing except your own understanding.
"""

import jax, jax.numpy as jnp
import numpy as np

VOCAB = 100000
D = 50
B = 4096
L = 50
H = 200
EPS = 1e-5

def setup_inputs(seed: int = 0):
    key = jax.random.key(seed)
    ks = jax.random.split(key, 8)
    inp = jax.random.randint(ks[0], (B, L), 0, VOCAB, dtype=jnp.int32)
    embed = jax.random.normal(ks[1], (VOCAB, D), dtype=jnp.float32) * 0.02
    lex = (jax.random.randint(ks[2], (VOCAB, 1), 0, 2).astype(jnp.float32) * 2.0 - 1.0)
    lin_W = jax.random.normal(ks[3], (H, D), dtype=jnp.float32) * 0.05
    lin_b = jnp.zeros((H,), jnp.float32)
    bn_gamma = jnp.ones((H,), jnp.float32)
    bn_beta = jnp.zeros((H,), jnp.float32)
    fc_W = jax.random.normal(ks[4], (2, H), dtype=jnp.float32) * 0.05
    fc_b = jnp.zeros((2,), jnp.float32)
    sf_W = jax.random.normal(ks[5], (2, D), dtype=jnp.float32) * 0.05
    sf_b = jnp.zeros((2,), jnp.float32)
    return {"inp": inp, "embed": embed, "lex": lex, "lin_W": lin_W, "lin_b": lin_b,
            "bn_gamma": bn_gamma, "bn_beta": bn_beta, "fc_W": fc_W, "fc_b": fc_b,
            "sf_W": sf_W, "sf_b": sf_b}

def reference(inp, embed, lex, lin_W, lin_b, bn_gamma, bn_beta, fc_W, fc_b, sf_W, sf_b):
    # embed lookup + mean pool (fastText-style)
    e = jnp.take(embed, inp, axis=0)            # [B, L, D]
    x = jnp.mean(e, axis=1)                      # [B, D]
    x = x @ lin_W.T + lin_b                      # [B, H]
    # BatchNorm1d, training mode (batch stats, biased variance)
    mu = jnp.mean(x, axis=0)
    var = jnp.var(x, axis=0)
    x = (x - mu) / jnp.sqrt(var + EPS) * bn_gamma + bn_beta
    output = x @ fc_W.T + fc_b                   # [B, 2]
    # sentiment lexicon branch
    indices = inp.reshape(-1)                    # [B*L]
    choices = jnp.take(lex, indices, axis=0).squeeze(-1)  # [B*L]
    nz = jnp.nonzero(choices, size=choices.shape[0])[0]
    indices2 = jnp.take(indices, nz)
    ch = jnp.take(choices, nz)
    masked_embed = jnp.take(embed, indices2, axis=0)       # [Nnz, D]
    senti_output = masked_embed @ sf_W.T + sf_b            # [Nnz, 2]
    senti_target = (ch.astype(jnp.int32) + 1).astype(jnp.float32) / 2.0
    return senti_output, senti_target, output

if __name__ == "__main__":
    import jax
    _d = setup_inputs()
    print(jax.jit(kernel)(*tuple(_d.values())))

</pallas_src>

<mosaic_0001>
#map = affine_map<(d0, d1) -> (0, 0, 0)>
#map1 = affine_map<(d0, d1) -> (0, 0)>
module attributes {stable_mosaic.version = 14 : i64} {
  func.func @_sc_main(%arg0: i32, %arg1: i32, %arg2: memref<32x64x100xi32, #tpu.memory_space<hbm>>, %arg3: memref<100000x64xf32, #tpu.memory_space<hbm>>, %arg4: memref<4096x64xf32, #tpu.memory_space<hbm>>, %arg5: memref<12800x16xf32, #tpu.memory_space<hbm>>, %arg6: memref<12800x16xf32, #tpu.memory_space<hbm>>, %arg7: memref<64x100xi32, #tpu.memory_space<vmem>>, %arg8: memref<400x64xf32, #tpu.memory_space<vmem>>, %arg9: memref<400x64xf32, #tpu.memory_space<vmem>>, %arg10: memref<400x16xf32, #tpu.memory_space<vmem>>, %arg11: memref<400x16xf32, #tpu.memory_space<vmem>>, %arg12: memref<128x64xf32, #tpu.memory_space<vmem>>, %arg13: memref<!tpu.dma_semaphore, #tpu.memory_space<semaphore_mem>>, %arg14: memref<!tpu.dma_semaphore, #tpu.memory_space<semaphore_mem>>) attributes {dimension_semantics = [#tpu.dimension_semantics<core_parallel>, #tpu.dimension_semantics<subcore_parallel>], iteration_bounds = array<i64: 2, 16>, scalar_prefetch = 0 : i64, scratch_operands = 8 : i64, tpu.core_type = #tpu.core_type<sc_vector_subcore>, window_params = [{transform_indices = #map}, {transform_indices = #map1}, {transform_indices = #map1}, {transform_indices = #map1}, {transform_indices = #map1}]} {
    %mul3A = arith.constant 2 : i32
    %mul3A_0 = arith.muli %arg1, %mul3A : i32
    %add3A = arith.addi %mul3A_0, %arg0 : i32
    %iota3A = tpu.iota {dimensions = array<i32: 0>} : vector<16xi32>
    "tpu.region"() ({
      %run_scoped3A = tpu.sem_alloc : memref<!tpu.dma_semaphore, #tpu.memory_space<semaphore_mem>>
      %dma_start3A_104 = arith.constant 0 : i32
      %dma_start3A_105 = arith.constant 0 : i32
      %dma_start3A_106 = tpu.memref_slice %arg2[%add3A, %dma_start3A_104, %dma_start3A_105] : memref<32x64x100xi32, #tpu.memory_space<hbm>> -> memref<1x64x100xi32, #tpu.memory_space<hbm>>
      %dma_start3A_107 = tpu.memref_squeeze %dma_start3A_106 : memref<1x64x100xi32, #tpu.memory_space<hbm>> -> memref<64x100xi32, #tpu.memory_space<hbm>>
      %dma_start3A_108 = arith.constant 0 : i32
      %dma_start3A_109 = arith.constant 0 : i32
      %dma_start3A_110 = tpu.memref_slice %arg2[%add3A, %dma_start3A_108, %dma_start3A_109] : memref<32x64x100xi32, #tpu.memory_space<hbm>> -> memref<1x64x100xi32, #tpu.memory_space<hbm>>
      %dma_start3A_111 = tpu.memref_squeeze %dma_start3A_110 : memref<1x64x100xi32, #tpu.memory_space<hbm>> -> memref<64x100xi32, #tpu.memory_space<hbm>>
      tpu.enqueue_dma source(%dma_start3A_111 : memref<64x100xi32, #tpu.memory_space<hbm>>) target(%arg7 : memref<64x100xi32, #tpu.memory_space<vmem>>) target_semaphore(%run_scoped3A : memref<!tpu.dma_semaphore, #tpu.memory_space<semaphore_mem>>)
      %dma_wait3A_112 = arith.constant 0 : i32
      %dma_wait3A_113 = arith.constant 0 : i32
      %dma_wait3A_114 = tpu.memref_slice %arg2[%add3A, %dma_wait3A_112, %dma_wait3A_113] : memref<32x64x100xi32, #tpu.memory_space<hbm>> -> memref<1x64x100xi32, #tpu.memory_space<hbm>>
      %dma_wait3A_115 = tpu.memref_squeeze %dma_wait3A_114 : memref<1x64x100xi32, #tpu.memory_space<hbm>> -> memref<64x100xi32, #tpu.memory_space<hbm>>
      %dma_wait3A_116 = arith.constant 0 : i32
      %dma_wait3A_117 = arith.constant 0 : i32
      %dma_wait3A_118 = tpu.memref_slice %arg2[%add3A, %dma_wait3A_116, %dma_wait3A_117] : memref<32x64x100xi32, #tpu.memory_space<hbm>> -> memref<1x64x100xi32, #tpu.memory_space<hbm>>
      %dma_wait3A_119 = tpu.memref_squeeze %dma_wait3A_118 : memref<1x64x100xi32, #tpu.memory_space<hbm>> -> memref<64x100xi32, #tpu.memory_space<hbm>>
      tpu.wait_dma2 semaphore(%run_scoped3A : memref<!tpu.dma_semaphore, #tpu.memory_space<semaphore_mem>>) src(%dma_wait3A_119 : memref<64x100xi32, #tpu.memory_space<hbm>>) dst(%arg7 : memref<64x100xi32, #tpu.memory_space<vmem>>)
      tpu.yield
    }) : () -> ()
    %dma_start3A = arith.constant 0 : i32
    %dma_start3A_1 = arith.constant 0 : i32
    %dma_start3A_2 = arith.constant 0 : i32
    %dma_start3A_3 = tpu.memref_slice %arg8[%dma_start3A_1, %dma_start3A_2] : memref<400x64xf32, #tpu.memory_space<vmem>> -> memref<100x64xf32, #tpu.memory_space<vmem>>
    %dma_start3A_4 = arith.constant 0 : i32
    %dma_start3A_5 = tpu.memref_slice %arg7[%dma_start3A, %dma_start3A_4] : memref<64x100xi32, #tpu.memory_space<vmem>> -> memref<1x100xi32, #tpu.memory_space<vmem>>
    %dma_start3A_6 = tpu.memref_squeeze %dma_start3A_5 : memref<1x100xi32, #tpu.memory_space<vmem>> -> memref<100xi32, #tpu.memory_space<vmem>>
    %dma_start3A_7 = arith.constant 0 : i32
    %dma_start3A_8 = arith.constant 0 : i32
    %dma_start3A_9 = tpu.memref_slice %arg3[%dma_start3A_7, %dma_start3A_8] : memref<100000x64xf32, #tpu.memory_space<hbm>> -> memref<100000x64xf32, #tpu.memory_space<hbm>>
    tpu.enqueue_indirect_dma source(%dma_start3A_9 : memref<100000x64xf32, #tpu.memory_space<hbm>>) target(%dma_start3A_3 : memref<100x64xf32, #tpu.memory_space<vmem>>) offsets(%dma_start3A_6 : memref<100xi32, #tpu.memory_space<vmem>>) semaphore(%arg13 : memref<!tpu.dma_semaphore, #tpu.memory_space<semaphore_mem>>)
    %dma_start3A_10 = arith.constant 1 : i32
    %dma_start3A_11 = arith.constant 100 : i32
    %dma_start3A_12 = arith.constant 0 : i32
    %dma_start3A_13 = tpu.memref_slice %arg8[%dma_start3A_11, %dma_start3A_12] : memref<400x64xf32, #tpu.memory_space<vmem>> -> memref<100x64xf32, #tpu.memory_space<vmem>>
    %dma_start3A_14 = arith.constant 0 : i32
    %dma_start3A_15 = tpu.memref_slice %arg7[%dma_start3A_10, %dma_start3A_14] : memref<64x100xi32, #tpu.memory_space<vmem>> -> memref<1x100xi32, #tpu.memory_space<vmem>>
    %dma_start3A_16 = tpu.memref_squeeze %dma_start3A_15 : memref<1x100xi32, #tpu.memory_space<vmem>> -> memref<100xi32, #tpu.memory_space<vmem>>
    %dma_start3A_17 = arith.constant 0 : i32
    %dma_start3A_18 = arith.constant 0 : i32
    %dma_start3A_19 = tpu.memref_slice %arg3[%dma_start3A_17, %dma_start3A_18] : memref<100000x64xf32, #tpu.memory_space<hbm>> -> memref<100000x64xf32, #tpu.memory_space<hbm>>
    tpu.enqueue_indirect_dma source(%dma_start3A_19 : memref<100000x64xf32, #tpu.memory_space<hbm>>) target(%dma_start3A_13 : memref<100x64xf32, #tpu.memory_space<vmem>>) offsets(%dma_start3A_16 : memref<100xi32, #tpu.memory_space<vmem>>) semaphore(%arg13 : memref<!tpu.dma_semaphore, #tpu.memory_space<semaphore_mem>>)
    %dma_start3A_20 = arith.constant 2 : i32
    %dma_start3A_21 = arith.constant 200 : i32
    %dma_start3A_22 = arith.constant 0 : i32
    %dma_start3A_23 = tpu.memref_slice %arg8[%dma_start3A_21, %dma_start3A_22] : memref<400x64xf32, #tpu.memory_space<vmem>> -> memref<100x64xf32, #tpu.memory_space<vmem>>
    %dma_start3A_24 = arith.constant 0 : i32
    %dma_start3A_25 = tpu.memref_slice %arg7[%dma_start3A_20, %dma_start3A_24] : memref<64x100xi32, #tpu.memory_space<vmem>> -> memref<1x100xi32, #tpu.memory_space<vmem>>
    %dma_start3A_26 = tpu.memref_squeeze %dma_start3A_25 : memref<1x100xi32, #tpu.memory_space<vmem>> -> memref<100xi32, #tpu.memory_space<vmem>>
    %dma_start3A_27 = arith.constant 0 : i32
    %dma_start3A_28 = arith.constant 0 : i32
    %dma_start3A_29 = tpu.memref_slice %arg3[%dma_start3A_27, %dma_start3A_28] : memref<100000x64xf32, #tpu.memory_space<hbm>> -> memref<100000x64xf32, #tpu.memory_space<hbm>>
    tpu.enqueue_indirect_dma source(%dma_start3A_29 : memref<100000x64xf32, #tpu.memory_space<hbm>>) target(%dma_start3A_23 : memref<100x64xf32, #tpu.memory_space<vmem>>) offsets(%dma_start3A_26 : memref<100xi32, #tpu.memory_space<vmem>>) semaphore(%arg13 : memref<!tpu.dma_semaphore, #tpu.memory_space<semaphore_mem>>)
    %dma_start3A_30 = arith.constant 3 : i32
    %dma_start3A_31 = arith.constant 300 : i32
    %dma_start3A_32 = arith.constant 0 : i32
    %dma_start3A_33 = tpu.memref_slice %arg8[%dma_start3A_31, %dma_start3A_32] : memref<400x64xf32, #tpu.memory_space<vmem>> -> memref<100x64xf32, #tpu.memory_space<vmem>>
    %dma_start3A_34 = arith.constant 0 : i32
    %dma_start3A_35 = tpu.memref_slice %arg7[%dma_start3A_30, %dma_start3A_34] : memref<64x100xi32, #tpu.memory_space<vmem>> -> memref<1x100xi32, #tpu.memory_space<vmem>>
    %dma_start3A_36 = tpu.memref_squeeze %dma_start3A_35 : memref<1x100xi32, #tpu.memory_space<vmem>> -> memref<100xi32, #tpu.memory_space<vmem>>
    %dma_start3A_37 = arith.constant 0 : i32
    %dma_start3A_38 = arith.constant 0 : i32
    %dma_start3A_39 = tpu.memref_slice %arg3[%dma_start3A_37, %dma_start3A_38] : memref<100000x64xf32, #tpu.memory_space<hbm>> -> memref<100000x64xf32, #tpu.memory_space<hbm>>
    tpu.enqueue_indirect_dma source(%dma_start3A_39 : memref<100000x64xf32, #tpu.memory_space<hbm>>) target(%dma_start3A_33 : memref<100x64xf32, #tpu.memory_space<vmem>>) offsets(%dma_start3A_36 : memref<100xi32, #tpu.memory_space<vmem>>) semaphore(%arg13 : memref<!tpu.dma_semaphore, #tpu.memory_space<semaphore_mem>>)
    %dma_start3A_40 = arith.constant 4 : i32
    %dma_start3A_41 = arith.constant 0 : i32
    %dma_start3A_42 = arith.constant 0 : i32
    %dma_start3A_43 = tpu.memref_slice %arg9[%dma_start3A_41, %dma_start3A_42] : memref<400x64xf32, #tpu.memory_space<vmem>> -> memref<100x64xf32, #tpu.memory_space<vmem>>
    %dma_start3A_44 = arith.constant 0 : i32
    %dma_start3A_45 = tpu.memref_slice %arg7[%dma_start3A_40, %dma_start3A_44] : memref<64x100xi32, #tpu.memory_space<vmem>> -> memref<1x100xi32, #tpu.memory_space<vmem>>
    %dma_start3A_46 = tpu.memref_squeeze %dma_start3A_45 : memref<1x100xi32, #tpu.memory_space<vmem>> -> memref<100xi32, #tpu.memory_space<vmem>>
    %dma_start3A_47 = arith.constant 0 : i32
    %dma_start3A_48 = arith.constant 0 : i32
    %dma_start3A_49 = tpu.memref_slice %arg3[%dma_start3A_47, %dma_start3A_48] : memref<100000x64xf32, #tpu.memory_space<hbm>> -> memref<100000x64xf32, #tpu.memory_space<hbm>>
    tpu.enqueue_indirect_dma source(%dma_start3A_49 : memref<100000x64xf32, #tpu.memory_space<hbm>>) target(%dma_start3A_43 : memref<100x64xf32, #tpu.memory_space<vmem>>) offsets(%dma_start3A_46 : memref<100xi32, #tpu.memory_space<vmem>>) semaphore(%arg14 : memref<!tpu.dma_semaphore, #tpu.memory_space<semaphore_mem>>)
    %dma_start3A_50 = arith.constant 5 : i32
    %dma_start3A_51 = arith.constant 100 : i32
    %dma_start3A_52 = arith.constant 0 : i32
    %dma_start3A_53 = tpu.memref_slice %arg9[%dma_start3A_51, %dma_start3A_52] : memref<400x64xf32, #tpu.memory_space<vmem>> -> memref<100x64xf32, #tpu.memory_space<vmem>>
    %dma_start3A_54 = arith.constant 0 : i32
    %dma_start3A_55 = tpu.memref_slice %arg7[%dma_start3A_50, %dma_start3A_54] : memref<64x100xi32, #tpu.memory_space<vmem>> -> memref<1x100xi32, #tpu.memory_space<vmem>>
    %dma_start3A_56 = tpu.memref_squeeze %dma_start3A_55 : memref<1x100xi32, #tpu.memory_space<vmem>> -> memref<100xi32, #tpu.memory_space<vmem>>
    %dma_start3A_57 = arith.constant 0 : i32
    %dma_start3A_58 = arith.constant 0 : i32
    %dma_start3A_59 = tpu.memref_slice %arg3[%dma_start3A_57, %dma_start3A_58] : memref<100000x64xf32, #tpu.memory_space<hbm>> -> memref<100000x64xf32, #tpu.memory_space<hbm>>
    tpu.enqueue_indirect_dma source(%dma_start3A_59 : memref<100000x64xf32, #tpu.memory_space<hbm>>) target(%dma_start3A_53 : memref<100x64xf32, #tpu.memory_space<vmem>>) offsets(%dma_start3A_56 : memref<100xi32, #tpu.memory_space<vmem>>) semaphore(%arg14 : memref<!tpu.dma_semaphore, #tpu.memory_space<semaphore_mem>>)
    %dma_start3A_60 = arith.constant 6 : i32
    %dma_start3A_61 = arith.constant 200 : i32
    %dma_start3A_62 = arith.constant 0 : i32
    %dma_start3A_63 = tpu.memref_slice %arg9[%dma_start3A_61, %dma_start3A_62] : memref<400x64xf32, #tpu.memory_space<vmem>> -> memref<100x64xf32, #tpu.memory_space<vmem>>
    %dma_start3A_64 = arith.constant 0 : i32
    %dma_start3A_65 = tpu.memref_slice %arg7[%dma_start3A_60, %dma_start3A_64] : memref<64x100xi32, #tpu.memory_space<vmem>> -> memref<1x100xi32, #tpu.memory_space<vmem>>
    %dma_start3A_66 = tpu.memref_squeeze %dma_start3A_65 : memref<1x100xi32, #tpu.memory_space<vmem>> -> memref<100xi32, #tpu.memory_space<vmem>>
    %dma_start3A_67 = arith.constant 0 : i32
    %dma_start3A_68 = arith.constant 0 : i32
    %dma_start3A_69 = tpu.memref_slice %arg3[%dma_start3A_67, %dma_start3A_68] : memref<100000x64xf32, #tpu.memory_space<hbm>> -> memref<100000x64xf32, #tpu.memory_space<hbm>>
    tpu.enqueue_indirect_dma source(%dma_start3A_69 : memref<100000x64xf32, #tpu.memory_space<hbm>>) target(%dma_start3A_63 : memref<100x64xf32, #tpu.memory_space<vmem>>) offsets(%dma_start3A_66 : memref<100xi32, #tpu.memory_space<vmem>>) semaphore(%arg14 : memref<!tpu.dma_semaphore, #tpu.memory_space<semaphore_mem>>)
    %dma_start3A_70 = arith.constant 7 : i32
    %dma_start3A_71 = arith.constant 300 : i32
    %dma_start3A_72 = arith.constant 0 : i32
    %dma_start3A_73 = tpu.memref_slice %arg9[%dma_start3A_71, %dma_start3A_72] : memref<400x64xf32, #tpu.memory_space<vmem>> -> memref<100x64xf32, #tpu.memory_space<vmem>>
    %dma_start3A_74 = arith.constant 0 : i32
    %dma_start3A_75 = tpu.memref_slice %arg7[%dma_start3A_70, %dma_start3A_74] : memref<64x100xi32, #tpu.memory_space<vmem>> -> memref<1x100xi32, #tpu.memory_space<vmem>>
    %dma_start3A_76 = tpu.memref_squeeze %dma_start3A_75 : memref<1x100xi32, #tpu.memory_space<vmem>> -> memref<100xi32, #tpu.memory_space<vmem>>
    %dma_start3A_77 = arith.constant 0 : i32
    %dma_start3A_78 = arith.constant 0 : i32
    %dma_start3A_79 = tpu.memref_slice %arg3[%dma_start3A_77, %dma_start3A_78] : memref<100000x64xf32, #tpu.memory_space<hbm>> -> memref<100000x64xf32, #tpu.memory_space<hbm>>
    tpu.enqueue_indirect_dma source(%dma_start3A_79 : memref<100000x64xf32, #tpu.memory_space<hbm>>) target(%dma_start3A_73 : memref<100x64xf32, #tpu.memory_space<vmem>>) offsets(%dma_start3A_76 : memref<100xi32, #tpu.memory_space<vmem>>) semaphore(%arg14 : memref<!tpu.dma_semaphore, #tpu.memory_space<semaphore_mem>>)
    %scan3A = arith.constant 0 : i32
    %scan3A_80 = arith.constant 0 : i32
    %scan3A_81 = arith.constant 8 : i32
    %scan3A_82 = arith.addi %scan3A_80, %scan3A_81 : i32
    %scan3A_83 = arith.constant 1 : i32
    scf.for %scan3A_104 = %scan3A_80 to %scan3A_82 step %scan3A_83  : i32 {
      %mul3A_105 = arith.constant 2 : i32
      %mul3A_106 = arith.muli %mul3A_105, %scan3A_104 : i32
      %dma_wait3A_107 = arith.constant 0 : i32
      %dma_wait3A_108 = arith.constant 0 : i32
      %dma_wait3A_109 = tpu.memref_slice %arg7[%dma_wait3A_107, %dma_wait3A_108] : memref<64x100xi32, #tpu.memory_space<vmem>> -> memref<1x100xi32, #tpu.memory_space<vmem>>
      %dma_wait3A_110 = tpu.memref_squeeze %dma_wait3A_109 : memref<1x100xi32, #tpu.memory_space<vmem>> -> memref<100xi32, #tpu.memory_space<vmem>>
      %dma_wait3A_111 = arith.constant 0 : i32
      %dma_wait3A_112 = arith.constant 0 : i32
      %dma_wait3A_113 = tpu.memref_slice %arg3[%dma_wait3A_111, %dma_wait3A_112] : memref<100000x64xf32, #tpu.memory_space<hbm>> -> memref<100000x64xf32, #tpu.memory_space<hbm>>
      tpu.wait_indirect_dma semaphore(%arg13 : memref<!tpu.dma_semaphore, #tpu.memory_space<semaphore_mem>>) src(%dma_wait3A_113 : memref<100000x64xf32, #tpu.memory_space<hbm>>) dst(%arg8 : memref<400x64xf32, #tpu.memory_space<vmem>>)
      %broadcast_in_dim3A = arith.constant 0.000000e+00 : f32
      %broadcast_in_dim3A_114 = vector.broadcast %broadcast_in_dim3A : f32 to vector<16xf32>
      %broadcast_in_dim3A_115 = arith.constant 0.000000e+00 : f32
      %broadcast_in_dim3A_116 = vector.broadcast %broadcast_in_dim3A_115 : f32 to vector<16xf32>
      %broadcast_in_dim3A_117 = arith.constant 0.000000e+00 : f32
      %broadcast_in_dim3A_118 = vector.broadcast %broadcast_in_dim3A_117 : f32 to vector<16xf32>
      %broadcast_in_dim3A_119 = arith.constant 0.000000e+00 : f32
      %broadcast_in_dim3A_120 = vector.broadcast %broadcast_in_dim3A_119 : f32 to vector<16xf32>
      %broadcast_in_dim3A_121 = arith.constant 0.000000e+00 : f32
      %broadcast_in_dim3A_122 = vector.broadcast %broadcast_in_dim3A_121 : f32 to vector<16xf32>
      %broadcast_in_dim3A_123 = arith.constant 0.000000e+00 : f32
      %broadcast_in_dim3A_124 = vector.broadcast %broadcast_in_dim3A_123 : f32 to vector<16xf32>
      %broadcast_in_dim3A_125 = arith.constant 0.000000e+00 : f32
      %broadcast_in_dim3A_126 = vector.broadcast %broadcast_in_dim3A_125 : f32 to vector<16xf32>
      %broadcast_in_dim3A_127 = arith.constant 0.000000e+00 : f32
      %broadcast_in_dim3A_128 = vector.broadcast %broadcast_in_dim3A_127 : f32 to vector<16xf32>
      %broadcast_in_dim3A_129 = arith.constant 0.000000e+00 : f32
      %broadcast_in_dim3A_130 = vector.broadcast %broadcast_in_dim3A_129 : f32 to vector<16xf32>
      %broadcast_in_dim3A_131 = arith.constant 0.000000e+00 : f32
      %broadcast_in_dim3A_132 = vector.broadcast %broadcast_in_dim3A_131 : f32 to vector<16xf32>
      %broadcast_in_dim3A_133 = arith.constant 0.000000e+00 : f32
      %broadcast_in_dim3A_134 = vector.broadcast %broadcast_in_dim3A_133 : f32 to vector<16xf32>
      %broadcast_in_dim3A_135 = arith.constant 0.000000e+00 : f32
      %broadcast_in_dim3A_136 = vector.broadcast %broadcast_in_dim3A_135 : f32 to vector<16xf32>
      %broadcast_in_dim3A_137 = arith.constant 0.000000e+00 : f32
      %broadcast_in_dim3A_138 = vector.broadcast %broadcast_in_dim3A_137 : f32 to vector<16xf32>
      %broadcast_in_dim3A_139 = arith.constant 0.000000e+00 : f32
      %broadcast_in_dim3A_140 = vector.broadcast %broadcast_in_dim3A_139 : f32 to vector<16xf32>
      %broadcast_in_dim3A_141 = arith.constant 0.000000e+00 : f32
      %broadcast_in_dim3A_142 = vector.broadcast %broadcast_in_dim3A_141 : f32 to vector<16xf32>
      %broadcast_in_dim3A_143 = arith.constant 0.000000e+00 : f32
      %broadcast_in_dim3A_144 = vector.broadcast %broadcast_in_dim3A_143 : f32 to vector<16xf32>
      %broadcast_in_dim3A_145 = arith.constant 0.000000e+00 : f32
      %broadcast_in_dim3A_146 = vector.broadcast %broadcast_in_dim3A_145 : f32 to vector<16xf32>
      %broadcast_in_dim3A_147 = arith.constant 0.000000e+00 : f32
      %broadcast_in_dim3A_148 = vector.broadcast %broadcast_in_dim3A_147 : f32 to vector<16xf32>
      %broadcast_in_dim3A_149 = arith.constant 0.000000e+00 : f32
      %broadcast_in_dim3A_150 = vector.broadcast %broadcast_in_dim3A_149 : f32 to vector<16xf32>
      %broadcast_in_dim3A_151 = arith.constant 0.000000e+00 : f32
      %broadcast_in_dim3A_152 = vector.broadcast %broadcast_in_dim3A_151 : f32 to vector<16xf32>
      %broadcast_in_dim3A_153 = arith.constant 0.000000e+00 : f32
      %broadcast_in_dim3A_154 = vector.broadcast %broadcast_in_dim3A_153 : f32 to vector<16xf32>
      %broadcast_in_dim3A_155 = arith.constant 0.000000e+00 : f32
      %broadcast_in_dim3A_156 = vector.broadcast %broadcast_in_dim3A_155 : f32 to vector<16xf32>
      %broadcast_in_dim3A_157 = arith.constant 0.000000e+00 : f32
      %broadcast_in_dim3A_158 = vector.broadcast %broadcast_in_dim3A_157 : f32 to vector<16xf32>
      %broadcast_in_dim3A_159 = arith.constant 0.000000e+00 : f32
      %broadcast_in_dim3A_160 = vector.broadcast %broadcast_in_dim3A_159 : f32 to vector<16xf32>
      %broadcast_in_dim3A_161 = arith.constant 0.000000e+00 : f32
      %broadcast_in_dim3A_162 = vector.broadcast %broadcast_in_dim3A_161 : f32 to vector<16xf32>
      %broadcast_in_dim3A_163 = arith.constant 0.000000e+00 : f32
      %broadcast_in_dim3A_164 = vector.broadcast %broadcast_in_dim3A_163 : f32 to vector<16xf32>
      %broadcast_in_dim3A_165 = arith.constant 0.000000e+00 : f32
      %broadcast_in_dim3A_166 = vector.broadcast %broadcast_in_dim3A_165 : f32 to vector<16xf32>
      %broadcast_in_dim3A_167 = arith.constant 0.000000e+00 : f32
      %broadcast_in_dim3A_168 = vector.broadcast %broadcast_in_dim3A_167 : f32 to vector<16xf32>
      %broadcast_in_dim3A_169 = arith.constant 0.000000e+00 : f32
      %broadcast_in_dim3A_170 = vector.broadcast %broadcast_in_dim3A_169 : f32 to vector<16xf32>
      %broadcast_in_dim3A_171 = arith.constant 0.000000e+00 : f32
      %broadcast_in_dim3A_172 = vector.broadcast %broadcast_in_dim3A_171 : f32 to vector<16xf32>
      %broadcast_in_dim3A_173 = arith.constant 0.000000e+00 : f32
      %broadcast_in_dim3A_174 = vector.broadcast %broadcast_in_dim3A_173 : f32 to vector<16xf32>
      %broadcast_in_dim3A_175 = arith.constant 0.000000e+00 : f32
      %broadcast_in_dim3A_176 = vector.broadcast %broadcast_in_dim3A_175 : f32 to vector<16xf32>
      %scan3A_177 = arith.constant 0 : i32
      %scan3A_178 = arith.constant 25 : i32
      %scan3A_179 = arith.addi %scan3A_177, %scan3A_178 : i32
      %scan3A_180 = arith.constant 1 : i32
      %scan3A_181:32 = scf.for %scan3A_844 = %scan3A_177 to %scan3A_179 step %scan3A_180 iter_args(%scan3A_845 = %broadcast_in_dim3A_114, %scan3A_846 = %broadcast_in_dim3A_116, %scan3A_847 = %broadcast_in_dim3A_118, %scan3A_848 = %broadcast_in_dim3A_120, %scan3A_849 = %broadcast_in_dim3A_122, %scan3A_850 = %broadcast_in_dim3A_124, %scan3A_851 = %broadcast_in_dim3A_126, %scan3A_852 = %broadcast_in_dim3A_128, %scan3A_853 = %broadcast_in_dim3A_130, %scan3A_854 = %broadcast_in_dim3A_132, %scan3A_855 = %broadcast_in_dim3A_134, %scan3A_856 = %broadcast_in_dim3A_136, %scan3A_857 = %broadcast_in_dim3A_138, %scan3A_858 = %broadcast_in_dim3A_140, %scan3A_859 = %broadcast_in_dim3A_142, %scan3A_860 = %broadcast_in_dim3A_144, %scan3A_861 = %broadcast_in_dim3A_146, %scan3A_862 = %broadcast_in_dim3A_148, %scan3A_863 = %broadcast_in_dim3A_150, %scan3A_864 = %broadcast_in_dim3A_152, %scan3A_865 = %broadcast_in_dim3A_154, %scan3A_866 = %broadcast_in_dim3A_156, %scan3A_867 = %broadcast_in_dim3A_158, %scan3A_868 = %broadcast_in_dim3A_160, %scan3A_869 = %broadcast_in_dim3A_162, %scan3A_870 = %broadcast_in_dim3A_164, %scan3A_871 = %broadcast_in_dim3A_166, %scan3A_872 = %broadcast_in_dim3A_168, %scan3A_873 = %broadcast_in_dim3A_170, %scan3A_874 = %broadcast_in_dim3A_172, %scan3A_875 = %broadcast_in_dim3A_174, %scan3A_876 = %broadcast_in_dim3A_176) -> (vector<16xf32>, vector<16xf32>, vector<16xf32>, vector<16xf32>, vector<16xf32>, vector<16xf32>, vector<16xf32>, vector<16xf32>, vector<16xf32>, vector<16xf32>, vector<16xf32>, vector<16xf32>, vector<16xf32>, vector<16xf32>, vector<16xf32>, vector<16xf32>, vector<16xf32>, vector<16xf32>, vector<16xf32>, vector<16xf32>, vector<16xf32>, vector<16xf32>, vector<16xf32>, vector<16xf32>, vector<16xf32>, vector<16xf32>, vector<16xf32>, vector<16xf32>, vector<16xf32>, vector<16xf32>, vector<16xf32>, vector<16xf32>)  : i32 {
        %mul3A_877 = arith.constant 2 : i32
        %mul3A_878 = arith.muli %mul3A_877, %scan3A_844 : i32
        %add3A_879 = arith.constant 0 : i32
        %add3A_880 = arith.addi %add3A_879, %mul3A_878 : i32
        %add3A_881 = arith.constant 0 : i32
        %add3A_882 = arith.addi %add3A_880, %add3A_881 : i32
        %get3A = arith.index_cast %add3A_882 : i32 to index
        %get3A_883 = arith.constant 0 : index
        %get3A_884 = tpu.vector_load %arg8[%get3A, %get3A_883] {strides = array<i32>} : memref<400x64xf32, #tpu.memory_space<vmem>>, vector<16xf32>,
        %add3A_885 = arith.addf %scan3A_845, %get3A_884 : vector<16xf32>
        %mul3A_886 = arith.constant 2 : i32
        %mul3A_887 = arith.muli %mul3A_886, %scan3A_844 : i32
        %add3A_888 = arith.constant 0 : i32
        %add3A_889 = arith.addi %add3A_888, %mul3A_887 : i32
        %add3A_890 = arith.constant 0 : i32
        %add3A_891 = arith.addi %add3A_889, %add3A_890 : i32
        %get3A_892 = arith.index_cast %add3A_891 : i32 to index
        %get3A_893 = arith.constant 16 : index
        %get3A_894 = tpu.vector_load %arg8[%get3A_892, %get3A_893] {strides = array<i32>} : memref<400x64xf32, #tpu.memory_space<vmem>>, vector<16xf32>,
        %add3A_895 = arith.addf %scan3A_846, %get3A_894 : vector<16xf32>
        %mul3A_896 = arith.constant 2 : i32
        %mul3A_897 = arith.muli %mul3A_896, %scan3A_844 : i32
        %add3A_898 = arith.constant 0 : i32
        %add3A_899 = arith.addi %add3A_898, %mul3A_897 : i32
        %add3A_900 = arith.constant 0 : i32
        %add3A_901 = arith.addi %add3A_899, %add3A_900 : i32
        %get3A_902 = arith.index_cast %add3A_901 : i32 to index
        %get3A_903 = arith.constant 32 : index
        %get3A_904 = tpu.vector_load %arg8[%get3A_902, %get3A_903] {strides = array<i32>} : memref<400x64xf32, #tpu.memory_space<vmem>>, vector<16xf32>,
        %add3A_905 = arith.addf %scan3A_847, %get3A_904 : vector<16xf32>
        %mul3A_906 = arith.constant 2 : i32
        %mul3A_907 = arith.muli %mul3A_906, %scan3A_844 : i32
        %add3A_908 = arith.constant 0 : i32
        %add3A_909 = arith.addi %add3A_908, %mul3A_907 : i32
        %add3A_910 = arith.constant 0 : i32
        %add3A_911 = arith.addi %add3A_909, %add3A_910 : i32
        %get3A_912 = arith.index_cast %add3A_911 : i32 to index
        %get3A_913 = arith.constant 48 : index
        %get3A_914 = tpu.vector_load %arg8[%get3A_912, %get3A_913] {strides = array<i32>} : memref<400x64xf32, #tpu.memory_space<vmem>>, vector<16xf32>,
        %add3A_915 = arith.addf %scan3A_848, %get3A_914 : vector<16xf32>
        %mul3A_916 = arith.constant 2 : i32
        %mul3A_917 = arith.muli %mul3A_916, %scan3A_844 : i32
        %add3A_918 = arith.constant 50 : i32
        %add3A_919 = arith.addi %add3A_918, %mul3A_917 : i32
        %add3A_920 = arith.constant 0 : i32
        %add3A_921 = arith.addi %add3A_919, %add3A_920 : i32
        %get3A_922 = arith.index_cast %add3A_921 : i32 to index
        %get3A_923 = arith.constant 0 : index
        %get3A_924 = tpu.vector_load %arg8[%get3A_922, %get3A_923] {strides = array<i32>} : memref<400x64xf32, #tpu.memory_space<vmem>>, vector<16xf32>,
        %add3A_925 = arith.addf %scan3A_849, %get3A_924 : vector<16xf32>
        %mul3A_926 = arith.constant 2 : i32
        %mul3A_927 = arith.muli %mul3A_926, %scan3A_844 : i32
        %add3A_928 = arith.constant 50 : i32
        %add3A_929 = arith.addi %add3A_928, %mul3A_927 : i32
        %add3A_930 = arith.constant 0 : i32
        %add3A_931 = arith.addi %add3A_929, %add3A_930 : i32
        %get3A_932 = arith.index_cast %add3A_931 : i32 to index
        %get3A_933 = arith.constant 16 : index
        %get3A_934 = tpu.vector_load %arg8[%get3A_932, %get3A_933] {strides = array<i32>} : memref<400x64xf32, #tpu.memory_space<vmem>>, vector<16xf32>,
        %add3A_935 = arith.addf %scan3A_850, %get3A_934 : vector<16xf32>
        %mul3A_936 = arith.constant 2 : i32
        %mul3A_937 = arith.muli %mul3A_936, %scan3A_844 : i32
        %add3A_938 = arith.constant 50 : i32
        %add3A_939 = arith.addi %add3A_938, %mul3A_937 : i32
        %add3A_940 = arith.constant 0 : i32
        %add3A_941 = arith.addi %add3A_939, %add3A_940 : i32
        %get3A_942 = arith.index_cast %add3A_941 : i32 to index
        %get3A_943 = arith.constant 32 : index
        %get3A_944 = tpu.vector_load %arg8[%get3A_942, %get3A_943] {strides = array<i32>} : memref<400x64xf32, #tpu.memory_space<vmem>>, vector<16xf32>,
        %add3A_945 = arith.addf %scan3A_851, %get3A_944 : vector<16xf32>
        %mul3A_946 = arith.constant 2 : i32
        %mul3A_947 = arith.muli %mul3A_946, %scan3A_844 : i32
        %add3A_948 = arith.constant 50 : i32
        %add3A_949 = arith.addi %add3A_948, %mul3A_947 : i32
        %add3A_950 = arith.constant 0 : i32
        %add3A_951 = arith.addi %add3A_949, %add3A_950 : i32
        %get3A_952 = arith.index_cast %add3A_951 : i32 to index
        %get3A_953 = arith.constant 48 : index
        %get3A_954 = tpu.vector_load %arg8[%get3A_952, %get3A_953] {strides = array<i32>} : memref<400x64xf32, #tpu.memory_space<vmem>>, vector<16xf32>,
        %add3A_955 = arith.addf %scan3A_852, %get3A_954 : vector<16xf32>
        %mul3A_956 = arith.constant 2 : i32
        %mul3A_957 = arith.muli %mul3A_956, %scan3A_844 : i32
        %add3A_958 = arith.constant 100 : i32
        %add3A_959 = arith.addi %add3A_958, %mul3A_957 : i32
        %add3A_960 = arith.constant 0 : i32
        %add3A_961 = arith.addi %add3A_959, %add3A_960 : i32
        %get3A_962 = arith.index_cast %add3A_961 : i32 to index
        %get3A_963 = arith.constant 0 : index
        %get3A_964 = tpu.vector_load %arg8[%get3A_962, %get3A_963] {strides = array<i32>} : memref<400x64xf32, #tpu.memory_space<vmem>>, vector<16xf32>,
        %add3A_965 = arith.addf %scan3A_853, %get3A_964 : vector<16xf32>
        %mul3A_966 = arith.constant 2 : i32
        %mul3A_967 = arith.muli %mul3A_966, %scan3A_844 : i32
        %add3A_968 = arith.constant 100 : i32
        %add3A_969 = arith.addi %add3A_968, %mul3A_967 : i32
        %add3A_970 = arith.constant 0 : i32
        %add3A_971 = arith.addi %add3A_969, %add3A_970 : i32
        %get3A_972 = arith.index_cast %add3A_971 : i32 to index
        %get3A_973 = arith.constant 16 : index
        %get3A_974 = tpu.vector_load %arg8[%get3A_972, %get3A_973] {strides = array<i32>} : memref<400x64xf32, #tpu.memory_space<vmem>>, vector<16xf32>,
        %add3A_975 = arith.addf %scan3A_854, %get3A_974 : vector<16xf32>
        %mul3A_976 = arith.constant 2 : i32
        %mul3A_977 = arith.muli %mul3A_976, %scan3A_844 : i32
        %add3A_978 = arith.constant 100 : i32
        %add3A_979 = arith.addi %add3A_978, %mul3A_977 : i32
        %add3A_980 = arith.constant 0 : i32
        %add3A_981 = arith.addi %add3A_979, %add3A_980 : i32
        %get3A_982 = arith.index_cast %add3A_981 : i32 to index
        %get3A_983 = arith.constant 32 : index
        %get3A_984 = tpu.vector_load %arg8[%get3A_982, %get3A_983] {strides = array<i32>} : memref<400x64xf32, #tpu.memory_space<vmem>>, vector<16xf32>,
        %add3A_985 = arith.addf %scan3A_855, %get3A_984 : vector<16xf32>
        %mul3A_986 = arith.constant 2 : i32
        %mul3A_987 = arith.muli %mul3A_986, %scan3A_844 : i32
        %add3A_988 = arith.constant 100 : i32
        %add3A_989 = arith.addi %add3A_988, %mul3A_987 : i32
        %add3A_990 = arith.constant 0 : i32
        %add3A_991 = arith.addi %add3A_989, %add3A_990 : i32
        %get3A_992 = arith.index_cast %add3A_991 : i32 to index
        %get3A_993 = arith.constant 48 : index
        %get3A_994 = tpu.vector_load %arg8[%get3A_992, %get3A_993] {strides = array<i32>} : memref<400x64xf32, #tpu.memory_space<vmem>>, vector<16xf32>,
        %add3A_995 = arith.addf %scan3A_856, %get3A_994 : vector<16xf32>
        %mul3A_996 = arith.constant 2 : i32
        %mul3A_997 = arith.muli %mul3A_996, %scan3A_844 : i32
        %add3A_998 = arith.constant 150 : i32
        %add3A_999 = arith.addi %add3A_998, %mul3A_997 : i32
        %add3A_1000 = arith.constant 0 : i32
        %add3A_1001 = arith.addi %add3A_999, %add3A_1000 : i32
        %get3A_1002 = arith.index_cast %add3A_1001 : i32 to index
        %get3A_1003 = arith.constant 0 : index
        %get3A_1004 = tpu.vector_load %arg8[%get3A_1002, %get3A_1003] {strides = array<i32>} : memref<400x64xf32, #tpu.memory_space<vmem>>, vector<16xf32>,
        %add3A_1005 = arith.addf %scan3A_857, %get3A_1004 : vector<16xf32>
        %mul3A_1006 = arith.constant 2 : i32
        %mul3A_1007 = arith.muli %mul3A_1006, %scan3A_844 : i32
        %add3A_1008 = arith.constant 150 : i32
        %add3A_1009 = arith.addi %add3A_1008, %mul3A_1007 : i32
        %add3A_1010 = arith.constant 0 : i32
        %add3A_1011 = arith.addi %add3A_1009, %add3A_1010 : i32
        %get3A_1012 = arith.index_cast %add3A_1011 : i32 to index
        %get3A_1013 = arith.constant 16 : index
        %get3A_1014 = tpu.vector_load %arg8[%get3A_1012, %get3A_1013] {strides = array<i32>} : memref<400x64xf32, #tpu.memory_space<vmem>>, vector<16xf32>,
        %add3A_1015 = arith.addf %scan3A_858, %get3A_1014 : vector<16xf32>
        %mul3A_1016 = arith.constant 2 : i32
        %mul3A_1017 = arith.muli %mul3A_1016, %scan3A_844 : i32
        %add3A_1018 = arith.constant 150 : i32
        %add3A_1019 = arith.addi %add3A_1018, %mul3A_1017 : i32
        %add3A_1020 = arith.constant 0 : i32
        %add3A_1021 = arith.addi %add3A_1019, %add3A_1020 : i32
        %get3A_1022 = arith.index_cast %add3A_1021 : i32 to index
        %get3A_1023 = arith.constant 32 : index
        %get3A_1024 = tpu.vector_load %arg8[%get3A_1022, %get3A_1023] {strides = array<i32>} : memref<400x64xf32, #tpu.memory_space<vmem>>, vector<16xf32>,
        %add3A_1025 = arith.addf %scan3A_859, %get3A_1024 : vector<16xf32>
        %mul3A_1026 = arith.constant 2 : i32
        %mul3A_1027 = arith.muli %mul3A_1026, %scan3A_844 : i32
        %add3A_1028 = arith.constant 150 : i32
        %add3A_1029 = arith.addi %add3A_1028, %mul3A_1027 : i32
        %add3A_1030 = arith.constant 0 : i32
        %add3A_1031 = arith.addi %add3A_1029, %add3A_1030 : i32
        %get3A_1032 = arith.index_cast %add3A_1031 : i32 to index
        %get3A_1033 = arith.constant 48 : index
        %get3A_1034 = tpu.vector_load %arg8[%get3A_1032, %get3A_1033] {strides = array<i32>} : memref<400x64xf32, #tpu.memory_space<vmem>>, vector<16xf32>,
        %add3A_1035 = arith.addf %scan3A_860, %get3A_1034 : vector<16xf32>
        %mul3A_1036 = arith.constant 2 : i32
        %mul3A_1037 = arith.muli %mul3A_1036, %scan3A_844 : i32
        %add3A_1038 = arith.constant 200 : i32
        %add3A_1039 = arith.addi %add3A_1038, %mul3A_1037 : i32
        %add3A_1040 = arith.constant 0 : i32
        %add3A_1041 = arith.addi %add3A_1039, %add3A_1040 : i32
        %get3A_1042 = arith.index_cast %add3A_1041 : i32 to index
        %get3A_1043 = arith.constant 0 : index
        %get3A_1044 = tpu.vector_load %arg8[%get3A_1042, %get3A_1043] {strides = array<i32>} : memref<400x64xf32, #tpu.memory_space<vmem>>, vector<16xf32>,
        %add3A_1045 = arith.addf %scan3A_861, %get3A_1044 : vector<16xf32>
        %mul3A_1046 = arith.constant 2 : i32
        %mul3A_1047 = arith.muli %mul3A_1046, %scan3A_844 : i32
        %add3A_1048 = arith.constant 200 : i32
        %add3A_1049 = arith.addi %add3A_1048, %mul3A_1047 : i32
        %add3A_1050 = arith.constant 0 : i32
        %add3A_1051 = arith.addi %add3A_1049, %add3A_1050 : i32
        %get3A_1052 = arith.index_cast %add3A_1051 : i32 to index
        %get3A_1053 = arith.constant 16 : index
        %get3A_1054 = tpu.vector_load %arg8[%get3A_1052, %get3A_1053] {strides = array<i32>} : memref<400x64xf32, #tpu.memory_space<vmem>>, vector<16xf32>,
        %add3A_1055 = arith.addf %scan3A_862, %get3A_1054 : vector<16xf32>
        %mul3A_1056 = arith.constant 2 : i32
        %mul3A_1057 = arith.muli %mul3A_1056, %scan3A_844 : i32
        %add3A_1058 = arith.constant 200 : i32
        %add3A_1059 = arith.addi %add3A_1058, %mul3A_1057 : i32
        %add3A_1060 = arith.constant 0 : i32
        %add3A_1061 = arith.addi %add3A_1059, %add3A_1060 : i32
        %get3A_1062 = arith.index_cast %add3A_1061 : i32 to index
        %get3A_1063 = arith.constant 32 : index
        %get3A_1064 = tpu.vector_load %arg8[%get3A_1062, %get3A_1063] {strides = array<i32>} : memref<400x64xf32, #tpu.memory_space<vmem>>, vector<16xf32>,
        %add3A_1065 = arith.addf %scan3A_863, %get3A_1064 : vector<16xf32>
        %mul3A_1066 = arith.constant 2 : i32
        %mul3A_1067 = arith.muli %mul3A_1066, %scan3A_844 : i32
        %add3A_1068 = arith.constant 200 : i32
        %add3A_1069 = arith.addi %add3A_1068, %mul3A_1067 : i32
        %add3A_1070 = arith.constant 0 : i32
        %add3A_1071 = arith.addi %add3A_1069, %add3A_1070 : i32
        %get3A_1072 = arith.index_cast %add3A_1071 : i32 to index
        %get3A_1073 = arith.constant 48 : index
        %get3A_1074 = tpu.vector_load %arg8[%get3A_1072, %get3A_1073] {strides = array<i32>} : memref<400x64xf32, #tpu.memory_space<vmem>>, vector<16xf32>,
        %add3A_1075 = arith.addf %scan3A_864, %get3A_1074 : vector<16xf32>
        %mul3A_1076 = arith.constant 2 : i32
        %mul3A_1077 = arith.muli %mul3A_1076, %scan3A_844 : i32
        %add3A_1078 = arith.constant 250 : i32
        %add3A_1079 = arith.addi %add3A_1078, %mul3A_1077 : i32
        %add3A_1080 = arith.constant 0 : i32
        %add3A_1081 = arith.addi %add3A_1079, %add3A_1080 : i32
        %get3A_1082 = arith.index_cast %add3A_1081 : i32 to index
        %get3A_1083 = arith.constant 0 : index
        %get3A_1084 = tpu.vector_load %arg8[%get3A_1082, %get3A_1083] {strides = array<i32>} : memref<400x64xf32, #tpu.memory_space<vmem>>, vector<16xf32>,
        %add3A_1085 = arith.addf %scan3A_865, %get3A_1084 : vector<16xf32>
        %mul3A_1086 = arith.constant 2 : i32
        %mul3A_1087 = arith.muli %mul3A_1086, %scan3A_844 : i32
        %add3A_1088 = arith.constant 250 : i32
        %add3A_1089 = arith.addi %add3A_1088, %mul3A_1087 : i32
        %add3A_1090 = arith.constant 0 : i32
        %add3A_1091 = arith.addi %add3A_1089, %add3A_1090 : i32
        %get3A_1092 = arith.index_cast %add3A_1091 : i32 to index
        %get3A_1093 = arith.constant 16 : index
        %get3A_1094 = tpu.vector_load %arg8[%get3A_1092, %get3A_1093] {strides = array<i32>} : memref<400x64xf32, #tpu.memory_space<vmem>>, vector<16xf32>,
        %add3A_1095 = arith.addf %scan3A_866, %get3A_1094 : vector<16xf32>
        %mul3A_1096 = arith.constant 2 : i32
        %mul3A_1097 = arith.muli %mul3A_1096, %scan3A_844 : i32
        %add3A_1098 = arith.constant 250 : i32
        %add3A_1099 = arith.addi %add3A_1098, %mul3A_1097 : i32
        %add3A_1100 = arith.constant 0 : i32
        %add3A_1101 = arith.addi %add3A_1099, %add3A_1100 : i32
        %get3A_1102 = arith.index_cast %add3A_1101 : i32 to index
        %get3A_1103 = arith.constant 32 : index
        %get3A_1104 = tpu.vector_load %arg8[%get3A_1102, %get3A_1103] {strides = array<i32>} : memref<400x64xf32, #tpu.memory_space<vmem>>, vector<16xf32>,
        %add3A_1105 = arith.addf %scan3A_867, %get3A_1104 : vector<16xf32>
        %mul3A_1106 = arith.constant 2 : i32
        %mul3A_1107 = arith.muli %mul3A_1106, %scan3A_844 : i32
        %add3A_1108 = arith.constant 250 : i32
        %add3A_1109 = arith.addi %add3A_1108, %mul3A_1107 : i32
        %add3A_1110 = arith.constant 0 : i32
        %add3A_1111 = arith.addi %add3A_1109, %add3A_1110 : i32
        %get3A_1112 = arith.index_cast %add3A_1111 : i32 to index
        %get3A_1113 = arith.constant 48 : index
        %get3A_1114 = tpu.vector_load %arg8[%get3A_1112, %get3A_1113] {strides = array<i32>} : memref<400x64xf32, #tpu.memory_space<vmem>>, vector<16xf32>,
        %add3A_1115 = arith.addf %scan3A_868, %get3A_1114 : vector<16xf32>
        %mul3A_1116 = arith.constant 2 : i32
        %mul3A_1117 = arith.muli %mul3A_1116, %scan3A_844 : i32
        %add3A_1118 = arith.constant 300 : i32
        %add3A_1119 = arith.addi %add3A_1118, %mul3A_1117 : i32
        %add3A_1120 = arith.constant 0 : i32
        %add3A_1121 = arith.addi %add3A_1119, %add3A_1120 : i32
        %get3A_1122 = arith.index_cast %add3A_1121 : i32 to index
        %get3A_1123 = arith.constant 0 : index
        %get3A_1124 = tpu.vector_load %arg8[%get3A_1122, %get3A_1123] {strides = array<i32>} : memref<400x64xf32, #tpu.memory_space<vmem>>, vector<16xf32>,
        %add3A_1125 = arith.addf %scan3A_869, %get3A_1124 : vector<16xf32>
        %mul3A_1126 = arith.constant 2 : i32
        %mul3A_1127 = arith.muli %mul3A_1126, %scan3A_844 : i32
        %add3A_1128 = arith.constant 300 : i32
        %add3A_1129 = arith.addi %add3A_1128, %mul3A_1127 : i32
        %add3A_1130 = arith.constant 0 : i32
        %add3A_1131 = arith.addi %add3A_1129, %add3A_1130 : i32
        %get3A_1132 = arith.index_cast %add3A_1131 : i32 to index
        %get3A_1133 = arith.constant 16 : index
        %get3A_1134 = tpu.vector_load %arg8[%get3A_1132, %get3A_1133] {strides = array<i32>} : memref<400x64xf32, #tpu.memory_space<vmem>>, vector<16xf32>,
        %add3A_1135 = arith.addf %scan3A_870, %get3A_1134 : vector<16xf32>
        %mul3A_1136 = arith.constant 2 : i32
        %mul3A_1137 = arith.muli %mul3A_1136, %scan3A_844 : i32
        %add3A_1138 = arith.constant 300 : i32
        %add3A_1139 = arith.addi %add3A_1138, %mul3A_1137 : i32
        %add3A_1140 = arith.constant 0 : i32
        %add3A_1141 = arith.addi %add3A_1139, %add3A_1140 : i32
        %get3A_1142 = arith.index_cast %add3A_1141 : i32 to index
        %get3A_1143 = arith.constant 32 : index
        %get3A_1144 = tpu.vector_load %arg8[%get3A_1142, %get3A_1143] {strides = array<i32>} : memref<400x64xf32, #tpu.memory_space<vmem>>, vector<16xf32>,
        %add3A_1145 = arith.addf %scan3A_871, %get3A_1144 : vector<16xf32>
        %mul3A_1146 = arith.constant 2 : i32
        %mul3A_1147 = arith.muli %mul3A_1146, %scan3A_844 : i32
        %add3A_1148 = arith.constant 300 : i32
        %add3A_1149 = arith.addi %add3A_1148, %mul3A_1147 : i32
        %add3A_1150 = arith.constant 0 : i32
        %add3A_1151 = arith.addi %add3A_1149, %add3A_1150 : i32
        %get3A_1152 = arith.index_cast %add3A_1151 : i32 to index
        %get3A_1153 = arith.constant 48 : index
        %get3A_1154 = tpu.vector_load %arg8[%get3A_1152, %get3A_1153] {strides = array<i32>} : memref<400x64xf32, #tpu.memory_space<vmem>>, vector<16xf32>,
        %add3A_1155 = arith.addf %scan3A_872, %get3A_1154 : vector<16xf32>
        %mul3A_1156 = arith.constant 2 : i32
        %mul3A_1157 = arith.muli %mul3A_1156, %scan3A_844 : i32
        %add3A_1158 = arith.constant 350 : i32
        %add3A_1159 = arith.addi %add3A_1158, %mul3A_1157 : i32
        %add3A_1160 = arith.constant 0 : i32
        %add3A_1161 = arith.addi %add3A_1159, %add3A_1160 : i32
        %get3A_1162 = arith.index_cast %add3A_1161 : i32 to index
        %get3A_1163 = arith.constant 0 : index
        %get3A_1164 = tpu.vector_load %arg8[%get3A_1162, %get3A_1163] {strides = array<i32>} : memref<400x64xf32, #tpu.memory_space<vmem>>, vector<16xf32>,
        %add3A_1165 = arith.addf %scan3A_873, %get3A_1164 : vector<16xf32>
        %mul3A_1166 = arith.constant 2 : i32
        %mul3A_1167 = arith.muli %mul3A_1166, %scan3A_844 : i32
        %add3A_1168 = arith.constant 350 : i32
        %add3A_1169 = arith.addi %add3A_1168, %mul3A_1167 : i32
        %add3A_1170 = arith.constant 0 : i32
        %add3A_1171 = arith.addi %add3A_1169, %add3A_1170 : i32
        %get3A_1172 = arith.index_cast %add3A_1171 : i32 to index
        %get3A_1173 = arith.constant 16 : index
        %get3A_1174 = tpu.vector_load %arg8[%get3A_1172, %get3A_1173] {strides = array<i32>} : memref<400x64xf32, #tpu.memory_space<vmem>>, vector<16xf32>,
        %add3A_1175 = arith.addf %scan3A_874, %get3A_1174 : vector<16xf32>
        %mul3A_1176 = arith.constant 2 : i32
        %mul3A_1177 = arith.muli %mul3A_1176, %scan3A_844 : i32
        %add3A_1178 = arith.constant 350 : i32
        %add3A_1179 = arith.addi %add3A_1178, %mul3A_1177 : i32
        %add3A_1180 = arith.constant 0 : i32
        %add3A_1181 = arith.addi %add3A_1179, %add3A_1180 : i32
        %get3A_1182 = arith.index_cast %add3A_1181 : i32 to index
        %get3A_1183 = arith.constant 32 : index
        %get3A_1184 = tpu.vector_load %arg8[%get3A_1182, %get3A_1183] {strides = array<i32>} : memref<400x64xf32, #tpu.memory_space<vmem>>, vector<16xf32>,
        %add3A_1185 = arith.addf %scan3A_875, %get3A_1184 : vector<16xf32>
        %mul3A_1186 = arith.constant 2 : i32
        %mul3A_1187 = arith.muli %mul3A_1186, %scan3A_844 : i32
        %add3A_1188 = arith.constant 350 : i32
        %add3A_1189 = arith.addi %add3A_1188, %mul3A_1187 : i32
        %add3A_1190 = arith.constant 0 : i32
        %add3A_1191 = arith.addi %add3A_1189, %add3A_1190 : i32
        %get3A_1192 = arith.index_cast %add3A_1191 : i32 to index
        %get3A_1193 = arith.constant 48 : index
        %get3A_1194 = tpu.vector_load %arg8[%get3A_1192, %get3A_1193] {strides = array<i32>} : memref<400x64xf32, #tpu.memory_space<vmem>>, vector<16xf32>,
        %add3A_1195 = arith.addf %scan3A_876, %get3A_1194 : vector<16xf32>
        %mul3A_1196 = arith.constant 2 : i32
        %mul3A_1197 = arith.muli %mul3A_1196, %scan3A_844 : i32
        %add3A_1198 = arith.constant 0 : i32
        %add3A_1199 = arith.addi %add3A_1198, %mul3A_1197 : i32
        %add3A_1200 = arith.constant 1 : i32
        %add3A_1201 = arith.addi %add3A_1199, %add3A_1200 : i32
        %get3A_1202 = arith.index_cast %add3A_1201 : i32 to index
        %get3A_1203 = arith.constant 0 : index
        %get3A_1204 = tpu.vector_load %arg8[%get3A_1202, %get3A_1203] {strides = array<i32>} : memref<400x64xf32, #tpu.memory_space<vmem>>, vector<16xf32>,
        %add3A_1205 = arith.addf %add3A_885, %get3A_1204 : vector<16xf32>
        %mul3A_1206 = arith.constant 2 : i32
        %mul3A_1207 = arith.muli %mul3A_1206, %scan3A_844 : i32
        %add3A_1208 = arith.constant 0 : i32
        %add3A_1209 = arith.addi %add3A_1208, %mul3A_1207 : i32
        %add3A_1210 = arith.constant 1 : i32
        %add3A_1211 = arith.addi %add3A_1209, %add3A_1210 : i32
        %get3A_1212 = arith.index_cast %add3A_1211 : i32 to index
        %get3A_1213 = arith.constant 16 : index
        %get3A_1214 = tpu.vector_load %arg8[%get3A_1212, %get3A_1213] {strides = array<i32>} : memref<400x64xf32, #tpu.memory_space<vmem>>, vector<16xf32>,
        %add3A_1215 = arith.addf %add3A_895, %get3A_1214 : vector<16xf32>
        %mul3A_1216 = arith.constant 2 : i32
        %mul3A_1217 = arith.muli %mul3A_1216, %scan3A_844 : i32
        %add3A_1218 = arith.constant 0 : i32
        %add3A_1219 = arith.addi %add3A_1218, %mul3A_1217 : i32
        %add3A_1220 = arith.constant 1 : i32
        %add3A_1221 = arith.addi %add3A_1219, %add3A_1220 : i32
        %get3A_1222 = arith.index_cast %add3A_1221 : i32 to index
        %get3A_1223 = arith.constant 32 : index
        %get3A_1224 = tpu.vector_load %arg8[%get3A_1222, %get3A_1223] {strides = array<i32>} : memref<400x64xf32, #tpu.memory_space<vmem>>, vector<16xf32>,
        %add3A_1225 = arith.addf %add3A_905, %get3A_1224 : vector<16xf32>
        %mul3A_1226 = arith.constant 2 : i32
        %mul3A_1227 = arith.muli %mul3A_1226, %scan3A_844 : i32
        %add3A_1228 = arith.constant 0 : i32
        %add3A_1229 = arith.addi %add3A_1228, %mul3A_1227 : i32
        %add3A_1230 = arith.constant 1 : i32
        %add3A_1231 = arith.addi %add3A_1229, %add3A_1230 : i32
        %get3A_1232 = arith.index_cast %add3A_1231 : i32 to index
        %get3A_1233 = arith.constant 48 : index
        %get3A_1234 = tpu.vector_load %arg8[%get3A_1232, %get3A_1233] {strides = array<i32>} : memref<400x64xf32, #tpu.memory_space<vmem>>, vector<16xf32>,
        %add3A_1235 = arith.addf %add3A_915, %get3A_1234 : vector<16xf32>
        %mul3A_1236 = arith.constant 2 : i32
        %mul3A_1237 = arith.muli %mul3A_1236, %scan3A_844 : i32
        %add3A_1238 = arith.constant 50 : i32
        %add3A_1239 = arith.addi %add3A_1238, %mul3A_1237 : i32
        %add3A_1240 = arith.constant 1 : i32
        %add3A_1241 = arith.addi %add3A_1239, %add3A_1240 : i32
        %get3A_1242 = arith.index_cast %add3A_1241 : i32 to index
        %get3A_1243 = arith.constant 0 : index
        %get3A_1244 = tpu.vector_load %arg8[%get3A_1242, %get3A_1243] {strides = array<i32>} : memref<400x64xf32, #tpu.memory_space<vmem>>, vector<16xf32>,
        %add3A_1245 = arith.addf %add3A_925, %get3A_1244 : vector<16xf32>
        %mul3A_1246 = arith.constant 2 : i32
        %mul3A_1247 = arith.muli %mul3A_1246, %scan3A_844 : i32
        %add3A_1248 = arith.constant 50 : i32
        %add3A_1249 = arith.addi %add3A_1248, %mul3A_1247 : i32
        %add3A_1250 = arith.constant 1 : i32
        %add3A_1251 = arith.addi %add3A_1249, %add3A_1250 : i32
        %get3A_1252 = arith.index_cast %add3A_1251 : i32 to index
        %get3A_1253 = arith.constant 16 : index
        %get3A_1254 = tpu.vector_load %arg8[%get3A_1252, %get3A_1253] {strides = array<i32>} : memref<400x64xf32, #tpu.memory_space<vmem>>, vector<16xf32>,
        %add3A_1255 = arith.addf %add3A_935, %get3A_1254 : vector<16xf32>
        %mul3A_1256 = arith.constant 2 : i32
        %mul3A_1257 = arith.muli %mul3A_1256, %scan3A_844 : i32
        %add3A_1258 = arith.constant 50 : i32
        %add3A_1259 = arith.addi %add3A_1258, %mul3A_1257 : i32
        %add3A_1260 = arith.constant 1 : i32
        %add3A_1261 = arith.addi %add3A_1259, %add3A_1260 : i32
        %get3A_1262 = arith.index_cast %add3A_1261 : i32 to index
        %get3A_1263 = arith.constant 32 : index
        %get3A_1264 = tpu.vector_load %arg8[%get3A_1262, %get3A_1263] {strides = array<i32>} : memref<400x64xf32, #tpu.memory_space<vmem>>, vector<16xf32>,
        %add3A_1265 = arith.addf %add3A_945, %get3A_1264 : vector<16xf32>
        %mul3A_1266 = arith.constant 2 : i32
        %mul3A_1267 = arith.muli %mul3A_1266, %scan3A_844 : i32
        %add3A_1268 = arith.constant 50 : i32
        %add3A_1269 = arith.addi %add3A_1268, %mul3A_1267 : i32
        %add3A_1270 = arith.constant 1 : i32
        %add3A_1271 = arith.addi %add3A_1269, %add3A_1270 : i32
        %get3A_1272 = arith.index_cast %add3A_1271 : i32 to index
        %get3A_1273 = arith.constant 48 : index
        %get3A_1274 = tpu.vector_load %arg8[%get3A_1272, %get3A_1273] {strides = array<i32>} : memref<400x64xf32, #tpu.memory_space<vmem>>, vector<16xf32>,
        %add3A_1275 = arith.addf %add3A_955, %get3A_1274 : vector<16xf32>
        %mul3A_1276 = arith.constant 2 : i32
        %mul3A_1277 = arith.muli %mul3A_1276, %scan3A_844 : i32
        %add3A_1278 = arith.constant 100 : i32
        %add3A_1279 = arith.addi %add3A_1278, %mul3A_1277 : i32
        %add3A_1280 = arith.constant 1 : i32
        %add3A_1281 = arith.addi %add3A_1279, %add3A_1280 : i32
        %get3A_1282 = arith.index_cast %add3A_1281 : i32 to index
        %get3A_1283 = arith.constant 0 : index
        %get3A_1284 = tpu.vector_load %arg8[%get3A_1282, %get3A_1283] {strides = array<i32>} : memref<400x64xf32, #tpu.memory_space<vmem>>, vector<16xf32>,
        %add3A_1285 = arith.addf %add3A_965, %get3A_1284 : vector<16xf32>
        %mul3A_1286 = arith.constant 2 : i32
        %mul3A_1287 = arith.muli %mul3A_1286, %scan3A_844 : i32
        %add3A_1288 = arith.constant 100 : i32
        %add3A_1289 = arith.addi %add3A_1288, %mul3A_1287 : i32
        %add3A_1290 = arith.constant 1 : i32
        %add3A_1291 = arith.addi %add3A_1289, %add3A_1290 : i32
        %get3A_1292 = arith.index_cast %add3A_1291 : i32 to index
        %get3A_1293 = arith.constant 16 : index
        %get3A_1294 = tpu.vector_load %arg8[%get3A_1292, %get3A_1293] {strides = array<i32>} : memref<400x64xf32, #tpu.memory_space<vmem>>, vector<16xf32>,
        %add3A_1295 = arith.addf %add3A_975, %get3A_1294 : vector<16xf32>
        %mul3A_1296 = arith.constant 2 : i32
        %mul3A_1297 = arith.muli %mul3A_1296, %scan3A_844 : i32
        %add3A_1298 = arith.constant 100 : i32
        %add3A_1299 = arith.addi %add3A_1298, %mul3A_1297 : i32
        %add3A_1300 = arith.constant 1 : i32
        %add3A_1301 = arith.addi %add3A_1299, %add3A_1300 : i32
        %get3A_1302 = arith.index_cast %add3A_1301 : i32 to index
        %get3A_1303 = arith.constant 32 : index
        %get3A_1304 = tpu.vector_load %arg8[%get3A_1302, %get3A_1303] {strides = array<i32>} : memref<400x64xf32, #tpu.memory_space<vmem>>, vector<16xf32>,
        %add3A_1305 = arith.addf %add3A_985, %get3A_1304 : vector<16xf32>
        %mul3A_1306 = arith.constant 2 : i32
        %mul3A_1307 = arith.muli %mul3A_1306, %scan3A_844 : i32
        %add3A_1308 = arith.constant 100 : i32
        %add3A_1309 = arith.addi %add3A_1308, %mul3A_1307 : i32
        %add3A_1310 = arith.constant 1 : i32
        %add3A_1311 = arith.addi %add3A_1309, %add3A_1310 : i32
        %get3A_1312 = arith.index_cast %add3A_1311 : i32 to index
        %get3A_1313 = arith.constant 48 : index
        %get3A_1314 = tpu.vector_load %arg8[%get3A_1312, %get3A_1313] {strides = array<i32>} : memref<400x64xf32, #tpu.memory_space<vmem>>, vector<16xf32>,
        %add3A_1315 = arith.addf %add3A_995, %get3A_1314 : vector<16xf32>
        %mul3A_1316 = arith.constant 2 : i32
        %mul3A_1317 = arith.muli %mul3A_1316, %scan3A_844 : i32
        %add3A_1318 = arith.constant 150 : i32
        %add3A_1319 = arith.addi %add3A_1318, %mul3A_1317 : i32
        %add3A_1320 = arith.constant 1 : i32
        %add3A_1321 = arith.addi %add3A_1319, %add3A_1320 : i32
        %get3A_1322 = arith.index_cast %add3A_1321 : i32 to index
        %get3A_1323 = arith.constant 0 : index
        %get3A_1324 = tpu.vector_load %arg8[%get3A_1322, %get3A_1323] {strides = array<i32>} : memref<400x64xf32, #tpu.memory_space<vmem>>, vector<16xf32>,
        %add3A_1325 = arith.addf %add3A_1005, %get3A_1324 : vector<16xf32>
        %mul3A_1326 = arith.constant 2 : i32
        %mul3A_1327 = arith.muli %mul3A_1326, %scan3A_844 : i32
        %add3A_1328 = arith.constant 150 : i32
        %add3A_1329 = arith.addi %add3A_1328, %mul3A_1327 : i32
        %add3A_1330 = arith.constant 1 : i32
        %add3A_1331 = arith.addi %add3A_1329, %add3A_1330 : i32
        %get3A_1332 = arith.index_cast %add3A_1331 : i32 to index
        %get3A_1333 = arith.constant 16 : index
        %get3A_1334 = tpu.vector_load %arg8[%get3A_1332, %get3A_1333] {strides = array<i32>} : memref<400x64xf32, #tpu.memory_space<vmem>>, vector<16xf32>,
        %add3A_1335 = arith.addf %add3A_1015, %get3A_1334 : vector<16xf32>
        %mul3A_1336 = arith.constant 2 : i32
        %mul3A_1337 = arith.muli %mul3A_1336, %scan3A_844 : i32
        %add3A_1338 = arith.constant 150 : i32
        %add3A_1339 = arith.addi %add3A_1338, %mul3A_1337 : i32
        %add3A_1340 = arith.constant 1 : i32
        %add3A_1341 = arith.addi %add3A_1339, %add3A_1340 : i32
        %get3A_1342 = arith.index_cast %add3A_1341 : i32 to index
        %get3A_1343 = arith.constant 32 : index
        %get3A_1344 = tpu.vector_load %arg8[%get3A_1342, %get3A_1343] {strides = array<i32>} : memref<400x64xf32, #tpu.memory_space<vmem>>, vector<16xf32>,
        %add3A_1345 = arith.addf %add3A_1025, %get3A_1344 : vector<16xf32>
        %mul3A_1346 = arith.constant 2 : i32
        %mul3A_1347 = arith.muli %mul3A_1346, %scan3A_844 : i32
        %add3A_1348 = arith.constant 150 : i32
        %add3A_1349 = arith.addi %add3A_1348, %mul3A_1347 : i32
        %add3A_1350 = arith.constant 1 : i32
        %add3A_1351 = arith.addi %add3A_1349, %add3A_1350 : i32
        %get3A_1352 = arith.index_cast %add3A_1351 : i32 to index
        %get3A_1353 = arith.constant 48 : index
        %get3A_1354 = tpu.vector_load %arg8[%get3A_1352, %get3A_1353] {strides = array<i32>} : memref<400x64xf32, #tpu.memory_space<vmem>>, vector<16xf32>,
        %add3A_1355 = arith.addf %add3A_1035, %get3A_1354 : vector<16xf32>
        %mul3A_1356 = arith.constant 2 : i32
        %mul3A_1357 = arith.muli %mul3A_1356, %scan3A_844 : i32
        %add3A_1358 = arith.constant 200 : i32
        %add3A_1359 = arith.addi %add3A_1358, %mul3A_1357 : i32
        %add3A_1360 = arith.constant 1 : i32
        %add3A_1361 = arith.addi %add3A_1359, %add3A_1360 : i32
        %get3A_1362 = arith.index_cast %add3A_1361 : i32 to index
        %get3A_1363 = arith.constant 0 : index
        %get3A_1364 = tpu.vector_load %arg8[%get3A_1362, %get3A_1363] {strides = array<i32>} : memref<400x64xf32, #tpu.memory_space<vmem>>, vector<16xf32>,
        %add3A_1365 = arith.addf %add3A_1045, %get3A_1364 : vector<16xf32>
        %mul3A_1366 = arith.constant 2 : i32
        %mul3A_1367 = arith.muli %mul3A_1366, %scan3A_844 : i32
        %add3A_1368 = arith.constant 200 : i32
        %add3A_1369 = arith.addi %add3A_1368, %mul3A_1367 : i32
        %add3A_1370 = arith.constant 1 : i32
        %add3A_1371 = arith.addi %add3A_1369, %add3A_1370 : i32
        %get3A_1372 = arith.index_cast %add3A_1371 : i32 to index
        %get3A_1373 = arith.constant 16 : index
        %get3A_1374 = tpu.vector_load %arg8[%get3A_1372, %get3A_1373] {strides = array<i32>} : memref<400x64xf32, #tpu.memory_space<vmem>>, vector<16xf32>,
        %add3A_1375 = arith.addf %add3A_1055, %get3A_1374 : vector<16xf32>
        %mul3A_1376 = arith.constant 2 : i32
        %mul3A_1377 = arith.muli %mul3A_1376, %scan3A_844 : i32
        %add3A_1378 = arith.constant 200 : i32
        %add3A_1379 = arith.addi %add3A_1378, %mul3A_1377 : i32
        %add3A_1380 = arith.constant 1 : i32
        %add3A_1381 = arith.addi %add3A_1379, %add3A_1380 : i32
        %get3A_1382 = arith.index_cast %add3A_1381 : i32 to index
        %get3A_1383 = arith.constant 32 : index
        %get3A_1384 = tpu.vector_load %arg8[%get3A_1382, %get3A_1383] {strides = array<i32>} : memref<400x64xf32, #tpu.memory_space<vmem>>, vector<16xf32>,
        %add3A_1385 = arith.addf %add3A_1065, %get3A_1384 : vector<16xf32>
        %mul3A_1386 = arith.constant 2 : i32
        %mul3A_1387 = arith.muli %mul3A_1386, %scan3A_844 : i32
        %add3A_1388 = arith.constant 200 : i32
        %add3A_1389 = arith.addi %add3A_1388, %mul3A_1387 : i32
        %add3A_1390 = arith.constant 1 : i32
        %add3A_1391 = arith.addi %add3A_1389, %add3A_1390 : i32
        %get3A_1392 = arith.index_cast %add3A_1391 : i32 to index
        %get3A_1393 = arith.constant 48 : index
        %get3A_1394 = tpu.vector_load %arg8[%get3A_1392, %get3A_1393] {strides = array<i32>} : memref<400x64xf32, #tpu.memory_space<vmem>>, vector<16xf32>,
        %add3A_1395 = arith.addf %add3A_1075, %get3A_1394 : vector<16xf32>
        %mul3A_1396 = arith.constant 2 : i32
        %mul3A_1397 = arith.muli %mul3A_1396, %scan3A_844 : i32
        %add3A_1398 = arith.constant 250 : i32
        %add3A_1399 = arith.addi %add3A_1398, %mul3A_1397 : i32
        %add3A_1400 = arith.constant 1 : i32
        %add3A_1401 = arith.addi %add3A_1399, %add3A_1400 : i32
        %get3A_1402 = arith.index_cast %add3A_1401 : i32 to index
        %get3A_1403 = arith.constant 0 : index
        %get3A_1404 = tpu.vector_load %arg8[%get3A_1402, %get3A_1403] {strides = array<i32>} : memref<400x64xf32, #tpu.memory_space<vmem>>, vector<16xf32>,
        %add3A_1405 = arith.addf %add3A_1085, %get3A_1404 : vector<16xf32>
        %mul3A_1406 = arith.constant 2 : i32
        %mul3A_1407 = arith.muli %mul3A_1406, %scan3A_844 : i32
        %add3A_1408 = arith.constant 250 : i32
        %add3A_1409 = arith.addi %add3A_1408, %mul3A_1407 : i32
        %add3A_1410 = arith.constant 1 : i32
        %add3A_1411 = arith.addi %add3A_1409, %add3A_1410 : i32
        %get3A_1412 = arith.index_cast %add3A_1411 : i32 to index
        %get3A_1413 = arith.constant 16 : index
        %get3A_1414 = tpu.vector_load %arg8[%get3A_1412, %get3A_1413] {strides = array<i32>} : memref<400x64xf32, #tpu.memory_space<vmem>>, vector<16xf32>,
        %add3A_1415 = arith.addf %add3A_1095, %get3A_1414 : vector<16xf32>
        %mul3A_1416 = arith.constant 2 : i32
        %mul3A_1417 = arith.muli %mul3A_1416, %scan3A_844 : i32
        %add3A_1418 = arith.constant 250 : i32
        %add3A_1419 = arith.addi %add3A_1418, %mul3A_1417 : i32
        %add3A_1420 = arith.constant 1 : i32
        %add3A_1421 = arith.addi %add3A_1419, %add3A_1420 : i32
        %get3A_1422 = arith.index_cast %add3A_1421 : i32 to index
        %get3A_1423 = arith.constant 32 : index
        %get3A_1424 = tpu.vector_load %arg8[%get3A_1422, %get3A_1423] {strides = array<i32>} : memref<400x64xf32, #tpu.memory_space<vmem>>, vector<16xf32>,
        %add3A_1425 = arith.addf %add3A_1105, %get3A_1424 : vector<16xf32>
        %mul3A_1426 = arith.constant 2 : i32
        %mul3A_1427 = arith.muli %mul3A_1426, %scan3A_844 : i32
        %add3A_1428 = arith.constant 250 : i32
        %add3A_1429 = arith.addi %add3A_1428, %mul3A_1427 : i32
        %add3A_1430 = arith.constant 1 : i32
        %add3A_1431 = arith.addi %add3A_1429, %add3A_1430 : i32
        %get3A_1432 = arith.index_cast %add3A_1431 : i32 to index
        %get3A_1433 = arith.constant 48 : index
        %get3A_1434 = tpu.vector_load %arg8[%get3A_1432, %get3A_1433] {strides = array<i32>} : memref<400x64xf32, #tpu.memory_space<vmem>>, vector<16xf32>,
        %add3A_1435 = arith.addf %add3A_1115, %get3A_1434 : vector<16xf32>
        %mul3A_1436 = arith.constant 2 : i32
        %mul3A_1437 = arith.muli %mul3A_1436, %scan3A_844 : i32
        %add3A_1438 = arith.constant 300 : i32
        %add3A_1439 = arith.addi %add3A_1438, %mul3A_1437 : i32
        %add3A_1440 = arith.constant 1 : i32
        %add3A_1441 = arith.addi %add3A_1439, %add3A_1440 : i32
        %get3A_1442 = arith.index_cast %add3A_1441 : i32 to index
        %get3A_1443 = arith.constant 0 : index
        %get3A_1444 = tpu.vector_load %arg8[%get3A_1442, %get3A_1443] {strides = array<i32>} : memref<400x64xf32, #tpu.memory_space<vmem>>, vector<16xf32>,
        %add3A_1445 = arith.addf %add3A_1125, %get3A_1444 : vector<16xf32>
        %mul3A_1446 = arith.constant 2 : i32
        %mul3A_1447 = arith.muli %mul3A_1446, %scan3A_844 : i32
        %add3A_1448 = arith.constant 300 : i32
        %add3A_1449 = arith.addi %add3A_1448, %mul3A_1447 : i32
        %add3A_1450 = arith.constant 1 : i32
        %add3A_1451 = arith.addi %add3A_1449, %add3A_1450 : i32
        %get3A_1452 = arith.index_cast %add3A_1451 : i32 to index
        %get3A_1453 = arith.constant 16 : index
        %get3A_1454 = tpu.vector_load %arg8[%get3A_1452, %get3A_1453] {strides = array<i32>} : memref<400x64xf32, #tpu.memory_space<vmem>>, vector<16xf32>,
        %add3A_1455 = arith.addf %add3A_1135, %get3A_1454 : vector<16xf32>
        %mul3A_1456 = arith.constant 2 : i32
        %mul3A_1457 = arith.muli %mul3A_1456, %scan3A_844 : i32
        %add3A_1458 = arith.constant 300 : i32
        %add3A_1459 = arith.addi %add3A_1458, %mul3A_1457 : i32
        %add3A_1460 = arith.constant 1 : i32
        %add3A_1461 = arith.addi %add3A_1459, %add3A_1460 : i32
        %get3A_1462 = arith.index_cast %add3A_1461 : i32 to index
        %get3A_1463 = arith.constant 32 : index
        %get3A_1464 = tpu.vector_load %arg8[%get3A_1462, %get3A_1463] {strides = array<i32>} : memref<400x64xf32, #tpu.memory_space<vmem>>, vector<16xf32>,
        %add3A_1465 = arith.addf %add3A_1145, %get3A_1464 : vector<16xf32>
        %mul3A_1466 = arith.constant 2 : i32
        %mul3A_1467 = arith.muli %mul3A_1466, %scan3A_844 : i32
        %add3A_1468 = arith.constant 300 : i32
        %add3A_1469 = arith.addi %add3A_1468, %mul3A_1467 : i32
        %add3A_1470 = arith.constant 1 : i32
        %add3A_1471 = arith.addi %add3A_1469, %add3A_1470 : i32
        %get3A_1472 = arith.index_cast %add3A_1471 : i32 to index
        %get3A_1473 = arith.constant 48 : index
        %get3A_1474 = tpu.vector_load %arg8[%get3A_1472, %get3A_1473] {strides = array<i32>} : memref<400x64xf32, #tpu.memory_space<vmem>>, vector<16xf32>,
        %add3A_1475 = arith.addf %add3A_1155, %get3A_1474 : vector<16xf32>
        %mul3A_1476 = arith.constant 2 : i32
        %mul3A_1477 = arith.muli %mul3A_1476, %scan3A_844 : i32
        %add3A_1478 = arith.constant 350 : i32
        %add3A_1479 = arith.addi %add3A_1478, %mul3A_1477 : i32
        %add3A_1480 = arith.constant 1 : i32
        %add3A_1481 = arith.addi %add3A_1479, %add3A_1480 : i32
        %get3A_1482 = arith.index_cast %add3A_1481 : i32 to index
        %get3A_1483 = arith.constant 0 : index
        %get3A_1484 = tpu.vector_load %arg8[%get3A_1482, %get3A_1483] {strides = array<i32>} : memref<400x64xf32, #tpu.memory_space<vmem>>, vector<16xf32>,
        %add3A_1485 = arith.addf %add3A_1165, %get3A_1484 : vector<16xf32>
        %mul3A_1486 = arith.constant 2 : i32
        %mul3A_1487 = arith.muli %mul3A_1486, %scan3A_844 : i32
        %add3A_1488 = arith.constant 350 : i32
        %add3A_1489 = arith.addi %add3A_1488, %mul3A_1487 : i32
        %add3A_1490 = arith.constant 1 : i32
        %add3A_1491 = arith.addi %add3A_1489, %add3A_1490 : i32
        %get3A_1492 = arith.index_cast %add3A_1491 : i32 to index
        %get3A_1493 = arith.constant 16 : index
        %get3A_1494 = tpu.vector_load %arg8[%get3A_1492, %get3A_1493] {strides = array<i32>} : memref<400x64xf32, #tpu.memory_space<vmem>>, vector<16xf32>,
        %add3A_1495 = arith.addf %add3A_1175, %get3A_1494 : vector<16xf32>
        %mul3A_1496 = arith.constant 2 : i32
        %mul3A_1497 = arith.muli %mul3A_1496, %scan3A_844 : i32
        %add3A_1498 = arith.constant 350 : i32
        %add3A_1499 = arith.addi %add3A_1498, %mul3A_1497 : i32
        %add3A_1500 = arith.constant 1 : i32
        %add3A_1501 = arith.addi %add3A_1499, %add3A_1500 : i32
        %get3A_1502 = arith.index_cast %add3A_1501 : i32 to index
        %get3A_1503 = arith.constant 32 : index
        %get3A_1504 = tpu.vector_load %arg8[%get3A_1502, %get3A_1503] {strides = array<i32>} : memref<400x64xf32, #tpu.memory_space<vmem>>, vector<16xf32>,
        %add3A_1505 = arith.addf %add3A_1185, %get3A_1504 : vector<16xf32>
        %mul3A_1506 = arith.constant 2 : i32
        %mul3A_1507 = arith.muli %mul3A_1506, %scan3A_844 : i32
        %add3A_1508 = arith.constant 350 : i32
        %add3A_1509 = arith.addi %add3A_1508, %mul3A_1507 : i32
        %add3A_1510 = arith.constant 1 : i32
        %add3A_1511 = arith.addi %add3A_1509, %add3A_1510 : i32
        %get3A_1512 = arith.index_cast %add3A_1511 : i32 to index
        %get3A_1513 = arith.constant 48 : index
        %get3A_1514 = tpu.vector_load %arg8[%get3A_1512, %get3A_1513] {strides = array<i32>} : memref<400x64xf32, #tpu.memory_space<vmem>>, vector<16xf32>,
        %add3A_1515 = arith.addf %add3A_1195, %get3A_1514 : vector<16xf32>
        scf.yield %add3A_1205, %add3A_1215, %add3A_1225, %add3A_1235, %add3A_1245, %add3A_1255, %add3A_1265, %add3A_1275, %add3A_1285, %add3A_1295, %add3A_1305, %add3A_1315, %add3A_1325, %add3A_1335, %add3A_1345, %add3A_1355, %add3A_1365, %add3A_1375, %add3A_1385, %add3A_1395, %add3A_1405, %add3A_1415, %add3A_1425, %add3A_1435, %add3A_1445, %add3A_1455, %add3A_1465, %add3A_1475, %add3A_1485, %add3A_1495, %add3A_1505, %add3A_1515 : vector<16xf32>, vector<16xf32>, vector<16xf32>, vector<16xf32>, vector<16xf32>, vector<16xf32>, vector<16xf32>, vector<16xf32>, vector<16xf32>, vector<16xf32>, vector<16xf32>, vector<16xf32>, vector<16xf32>, vector<16xf32>, vector<16xf32>, vector<16xf32>, vector<16xf32>, vector<16xf32>, vector<16xf32>, vector<16xf32>, vector<16xf32>, vector<16xf32>, vector<16xf32>, vector<16xf32>, vector<16xf32>, vector<16xf32>, vector<16xf32>, vector<16xf32>, vector<16xf32>, vector<16xf32>, vector<16xf32>, vector<16xf32>
      }
      %scan3A_182 = arith.constant 25 : i32
      %mul3A_183 = arith.constant 8 : i32
      %mul3A_184 = arith.muli %mul3A_183, %mul3A_106 : i32
      %add3A_185 = arith.constant 0 : i32
      %add3A_186 = arith.addi %mul3A_184, %add3A_185 : i32
      %swap3A = arith.index_cast %add3A_186 : i32 to index
      %swap3A_187 = arith.constant 0 : index
      %swap3A_188 = tpu.vector_load %arg12[%swap3A, %swap3A_187] {strides = array<i32>} : memref<128x64xf32, #tpu.memory_space<vmem>>, vector<16xf32>,
      tpu.vector_store %arg12[%swap3A, %swap3A_187], %scan3A_181#0 {strides = array<i32>} : memref<128x64xf32, #tpu.memory_space<vmem>>, vector<16xf32>,
      %mul3A_189 = arith.constant 8 : i32
      %mul3A_190 = arith.muli %mul3A_189, %mul3A_106 : i32
      %add3A_191 = arith.constant 0 : i32
      %add3A_192 = arith.addi %mul3A_190, %add3A_191 : i32
      %swap3A_193 = arith.index_cast %add3A_192 : i32 to index
      %swap3A_194 = arith.constant 16 : index
      %swap3A_195 = tpu.vector_load %arg12[%swap3A_193, %swap3A_194] {strides = array<i32>} : memref<128x64xf32, #tpu.memory_space<vmem>>, vector<16xf32>,
      tpu.vector_store %arg12[%swap3A_193, %swap3A_194], %scan3A_181#1 {strides = array<i32>} : memref<128x64xf32, #tpu.memory_space<vmem>>, vector<16xf32>,
      %mul3A_196 = arith.constant 8 : i32
      %mul3A_197 = arith.muli %mul3A_196, %mul3A_106 : i32
      %add3A_198 = arith.constant 0 : i32
      %add3A_199 = arith.addi %mul3A_197, %add3A_198 : i32
      %swap3A_200 = arith.index_cast %add3A_199 : i32 to index
      %swap3A_201 = arith.constant 32 : index
      %swap3A_202 = tpu.vector_load %arg12[%swap3A_200, %swap3A_201] {strides = array<i32>} : memref<128x64xf32, #tpu.memory_space<vmem>>, vector<16xf32>,
      tpu.vector_store %arg12[%swap3A_200, %swap3A_201], %scan3A_181#2 {strides = array<i32>} : memref<128x64xf32, #tpu.memory_space<vmem>>, vector<16xf32>,
      %mul3A_203 = arith.constant 8 : i32
      %mul3A_204 = arith.muli %mul3A_203, %mul3A_106 : i32
      %add3A_205 = arith.constant 0 : i32
      %add3A_206 = arith.addi %mul3A_204, %add3A_205 : i32
      %swap3A_207 = arith.index_cast %add3A_206 : i32 to index
      %swap3A_208 = arith.constant 48 : index
      %swap3A_209 = tpu.vector_load %arg12[%swap3A_207, %swap3A_208] {strides = array<i32>} : memref<128x64xf32, #tpu.memory_space<vmem>>, vector<16xf32>,
      tpu.vector_store %arg12[%swap3A_207, %swap3A_208], %scan3A_181#3 {strides = array<i32>} : memref<128x64xf32, #tpu.memory_space<vmem>>, vector<16xf32>,
      %mul3A_210 = arith.constant 8 : i32
      %mul3A_211 = arith.muli %mul3A_210, %mul3A_106 : i32
      %add3A_212 = arith.constant 1 : i32
      %add3A_213 = arith.addi %mul3A_211, %add3A_212 : i32
      %swap3A_214 = arith.index_cast %add3A_213 : i32 to index
      %swap3A_215 = arith.constant 0 : index
      %swap3A_216 = tpu.vector_load %arg12[%swap3A_214, %swap3A_215] {strides = array<i32>} : memref<128x64xf32, #tpu.memory_space<vmem>>, vector<16xf32>,
      tpu.vector_store %arg12[%swap3A_214, %swap3A_215], %scan3A_181#4 {strides = array<i32>} : memref<128x64xf32, #tpu.memory_space<vmem>>, vector<16xf32>,
      %mul3A_217 = arith.constant 8 : i32
      %mul3A_218 = arith.muli %mul3A_217, %mul3A_106 : i32
      %add3A_219 = arith.constant 1 : i32
      %add3A_220 = arith.addi %mul3A_218, %add3A_219 : i32
      %swap3A_221 = arith.index_cast %add3A_220 : i32 to index
      %swap3A_222 = arith.constant 16 : index
      %swap3A_223 = tpu.vector_load %arg12[%swap3A_221, %swap3A_222] {strides = array<i32>} : memref<128x64xf32, #tpu.memory_space<vmem>>, vector<16xf32>,
      tpu.vector_store %arg12[%swap3A_221, %swap3A_222], %scan3A_181#5 {strides = array<i32>} : memref<128x64xf32, #tpu.memory_space<vmem>>, vector<16xf32>,
      %mul3A_224 = arith.constant 8 : i32
      %mul3A_225 = arith.muli %mul3A_224, %mul3A_106 : i32
      %add3A_226 = arith.constant 1 : i32
      %add3A_227 = arith.addi %mul3A_225, %add3A_226 : i32
      %swap3A_228 = arith.index_cast %add3A_227 : i32 to index
      %swap3A_229 = arith.constant 32 : index
      %swap3A_230 = tpu.vector_load %arg12[%swap3A_228, %swap3A_229] {strides = array<i32>} : memref<128x64xf32, #tpu.memory_space<vmem>>, vector<16xf32>,
      tpu.vector_store %arg12[%swap3A_228, %swap3A_229], %scan3A_181#6 {strides = array<i32>} : memref<128x64xf32, #tpu.memory_space<vmem>>, vector<16xf32>,
      %mul3A_231 = arith.constant 8 : i32
      %mul3A_232 = arith.muli %mul3A_231, %mul3A_106 : i32
      %add3A_233 = arith.constant 1 : i32
      %add3A_234 = arith.addi %mul3A_232, %add3A_233 : i32
      %swap3A_235 = arith.index_cast %add3A_234 : i32 to index
      %swap3A_236 = arith.constant 48 : index
      %swap3A_237 = tpu.vector_load %arg12[%swap3A_235, %swap3A_236] {strides = array<i32>} : memref<128x64xf32, #tpu.memory_space<vmem>>, vector<16xf32>,
      tpu.vector_store %arg12[%swap3A_235, %swap3A_236], %scan3A_181#7 {strides = array<i32>} : memref<128x64xf32, #tpu.memory_space<vmem>>, vector<16xf32>,
      %mul3A_238 = arith.constant 8 : i32
      %mul3A_239 = arith.muli %mul3A_238, %mul3A_106 : i32
      %add3A_240 = arith.constant 2 : i32
      %add3A_241 = arith.addi %mul3A_239, %add3A_240 : i32
      %swap3A_242 = arith.index_cast %add3A_241 : i32 to index
      %swap3A_243 = arith.constant 0 : index
      %swap3A_244 = tpu.vector_load %arg12[%swap3A_242, %swap3A_243] {strides = array<i32>} : memref<128x64xf32, #tpu.memory_space<vmem>>, vector<16xf32>,
      tpu.vector_store %arg12[%swap3A_242, %swap3A_243], %scan3A_181#8 {strides = array<i32>} : memref<128x64xf32, #tpu.memory_space<vmem>>, vector<16xf32>,
      %mul3A_245 = arith.constant 8 : i32
      %mul3A_246 = arith.muli %mul3A_245, %mul3A_106 : i32
      %add3A_247 = arith.constant 2 : i32
      %add3A_248 = arith.addi %mul3A_246, %add3A_247 : i32
      %swap3A_249 = arith.index_cast %add3A_248 : i32 to index
      %swap3A_250 = arith.constant 16 : index
      %swap3A_251 = tpu.vector_load %arg12[%swap3A_249, %swap3A_250] {strides = array<i32>} : memref<128x64xf32, #tpu.memory_space<vmem>>, vector<16xf32>,
      tpu.vector_store %arg12[%swap3A_249, %swap3A_250], %scan3A_181#9 {strides = array<i32>} : memref<128x64xf32, #tpu.memory_space<vmem>>, vector<16xf32>,
      %mul3A_252 = arith.constant 8 : i32
      %mul3A_253 = arith.muli %mul3A_252, %mul3A_106 : i32
      %add3A_254 = arith.constant 2 : i32
      %add3A_255 = arith.addi %mul3A_253, %add3A_254 : i32
      %swap3A_256 = arith.index_cast %add3A_255 : i32 to index
      %swap3A_257 = arith.constant 32 : index
      %swap3A_258 = tpu.vector_load %arg12[%swap3A_256, %swap3A_257] {strides = array<i32>} : memref<128x64xf32, #tpu.memory_space<vmem>>, vector<16xf32>,
      tpu.vector_store %arg12[%swap3A_256, %swap3A_257], %scan3A_181#10 {strides = array<i32>} : memref<128x64xf32, #tpu.memory_space<vmem>>, vector<16xf32>,
      %mul3A_259 = arith.constant 8 : i32
      %mul3A_260 = arith.muli %mul3A_259, %mul3A_106 : i32
      %add3A_261 = arith.constant 2 : i32
      %add3A_262 = arith.addi %mul3A_260, %add3A_261 : i32
      %swap3A_263 = arith.index_cast %add3A_262 : i32 to index
      %swap3A_264 = arith.constant 48 : index
      %swap3A_265 = tpu.vector_load %arg12[%swap3A_263, %swap3A_264] {strides = array<i32>} : memref<128x64xf32, #tpu.memory_space<vmem>>, vector<16xf32>,
      tpu.vector_store %arg12[%swap3A_263, %swap3A_264], %scan3A_181#11 {strides = array<i32>} : memref<128x64xf32, #tpu.memory_space<vmem>>, vector<16xf32>,
      %mul3A_266 = arith.constant 8 : i32
      %mul3A_267 = arith.muli %mul3A_266, %mul3A_106 : i32
      %add3A_268 = arith.constant 3 : i32
      %add3A_269 = arith.addi %mul3A_267, %add3A_268 : i32
      %swap3A_270 = arith.index_cast %add3A_269 : i32 to index
      %swap3A_271 = arith.constant 0 : index
      %swap3A_272 = tpu.vector_load %arg12[%swap3A_270, %swap3A_271] {strides = array<i32>} : memref<128x64xf32, #tpu.memory_space<vmem>>, vector<16xf32>,
      tpu.vector_store %arg12[%swap3A_270, %swap3A_271], %scan3A_181#12 {strides = array<i32>} : memref<128x64xf32, #tpu.memory_space<vmem>>, vector<16xf32>,
      %mul3A_273 = arith.constant 8 : i32
      %mul3A_274 = arith.muli %mul3A_273, %mul3A_106 : i32
      %add3A_275 = arith.constant 3 : i32
      %add3A_276 = arith.addi %mul3A_274, %add3A_275 : i32
      %swap3A_277 = arith.index_cast %add3A_276 : i32 to index
      %swap3A_278 = arith.constant 16 : index
      %swap3A_279 = tpu.vector_load %arg12[%swap3A_277, %swap3A_278] {strides = array<i32>} : memref<128x64xf32, #tpu.memory_space<vmem>>, vector<16xf32>,
      tpu.vector_store %arg12[%swap3A_277, %swap3A_278], %scan3A_181#13 {strides = array<i32>} : memref<128x64xf32, #tpu.memory_space<vmem>>, vector<16xf32>,
      %mul3A_280 = arith.constant 8 : i32
      %mul3A_281 = arith.muli %mul3A_280, %mul3A_106 : i32
      %add3A_282 = arith.constant 3 : i32
      %add3A_283 = arith.addi %mul3A_281, %add3A_282 : i32
      %swap3A_284 = arith.index_cast %add3A_283 : i32 to index
      %swap3A_285 = arith.constant 32 : index
      %swap3A_286 = tpu.vector_load %arg12[%swap3A_284, %swap3A_285] {strides = array<i32>} : memref<128x64xf32, #tpu.memory_space<vmem>>, vector<16xf32>,
      tpu.vector_store %arg12[%swap3A_284, %swap3A_285], %scan3A_181#14 {strides = array<i32>} : memref<128x64xf32, #tpu.memory_space<vmem>>, vector<16xf32>,
      %mul3A_287 = arith.constant 8 : i32
      %mul3A_288 = arith.muli %mul3A_287, %mul3A_106 : i32
      %add3A_289 = arith.constant 3 : i32
      %add3A_290 = arith.addi %mul3A_288, %add3A_289 : i32
      %swap3A_291 = arith.index_cast %add3A_290 : i32 to index
      %swap3A_292 = arith.constant 48 : index
      %swap3A_293 = tpu.vector_load %arg12[%swap3A_291, %swap3A_292] {strides = array<i32>} : memref<128x64xf32, #tpu.memory_space<vmem>>, vector<16xf32>,
      tpu.vector_store %arg12[%swap3A_291, %swap3A_292], %scan3A_181#15 {strides = array<i32>} : memref<128x64xf32, #tpu.memory_space<vmem>>, vector<16xf32>,
      %mul3A_294 = arith.constant 8 : i32
      %mul3A_295 = arith.muli %mul3A_294, %mul3A_106 : i32
      %add3A_296 = arith.constant 4 : i32
      %add3A_297 = arith.addi %mul3A_295, %add3A_296 : i32
      %swap3A_298 = arith.index_cast %add3A_297 : i32 to index
      %swap3A_299 = arith.constant 0 : index
      %swap3A_300 = tpu.vector_load %arg12[%swap3A_298, %swap3A_299] {strides = array<i32>} : memref<128x64xf32, #tpu.memory_space<vmem>>, vector<16xf32>,
      tpu.vector_store %arg12[%swap3A_298, %swap3A_299], %scan3A_181#16 {strides = array<i32>} : memref<128x64xf32, #tpu.memory_space<vmem>>, vector<16xf32>,
      %mul3A_301 = arith.constant 8 : i32
      %mul3A_302 = arith.muli %mul3A_301, %mul3A_106 : i32
      %add3A_303 = arith.constant 4 : i32
      %add3A_304 = arith.addi %mul3A_302, %add3A_303 : i32
      %swap3A_305 = arith.index_cast %add3A_304 : i32 to index
      %swap3A_306 = arith.constant 16 : index
      %swap3A_307 = tpu.vector_load %arg12[%swap3A_305, %swap3A_306] {strides = array<i32>} : memref<128x64xf32, #tpu.memory_space<vmem>>, vector<16xf32>,
      tpu.vector_store %arg12[%swap3A_305, %swap3A_306], %scan3A_181#17 {strides = array<i32>} : memref<128x64xf32, #tpu.memory_space<vmem>>, vector<16xf32>,
      %mul3A_308 = arith.constant 8 : i32
      %mul3A_309 = arith.muli %mul3A_308, %mul3A_106 : i32
      %add3A_310 = arith.constant 4 : i32
      %add3A_311 = arith.addi %mul3A_309, %add3A_310 : i32
      %swap3A_312 = arith.index_cast %add3A_311 : i32 to index
      %swap3A_313 = arith.constant 32 : index
      %swap3A_314 = tpu.vector_load %arg12[%swap3A_312, %swap3A_313] {strides = array<i32>} : memref<128x64xf32, #tpu.memory_space<vmem>>, vector<16xf32>,
      tpu.vector_store %arg12[%swap3A_312, %swap3A_313], %scan3A_181#18 {strides = array<i32>} : memref<128x64xf32, #tpu.memory_space<vmem>>, vector<16xf32>,
      %mul3A_315 = arith.constant 8 : i32
      %mul3A_316 = arith.muli %mul3A_315, %mul3A_106 : i32
      %add3A_317 = arith.constant 4 : i32
      %add3A_318 = arith.addi %mul3A_316, %add3A_317 : i32
      %swap3A_319 = arith.index_cast %add3A_318 : i32 to index
      %swap3A_320 = arith.constant 48 : index
      %swap3A_321 = tpu.vector_load %arg12[%swap3A_319, %swap3A_320] {strides = array<i32>} : memref<128x64xf32, #tpu.memory_space<vmem>>, vector<16xf32>,
      tpu.vector_store %arg12[%swap3A_319, %swap3A_320], %scan3A_181#19 {strides = array<i32>} : memref<128x64xf32, #tpu.memory_space<vmem>>, vector<16xf32>,
      %mul3A_322 = arith.constant 8 : i32
      %mul3A_323 = arith.muli %mul3A_322, %mul3A_106 : i32
      %add3A_324 = arith.constant 5 : i32
      %add3A_325 = arith.addi %mul3A_323, %add3A_324 : i32
      %swap3A_326 = arith.index_cast %add3A_325 : i32 to index
      %swap3A_327 = arith.constant 0 : index
      %swap3A_328 = tpu.vector_load %arg12[%swap3A_326, %swap3A_327] {strides = array<i32>} : memref<128x64xf32, #tpu.memory_space<vmem>>, vector<16xf32>,
      tpu.vector_store %arg12[%swap3A_326, %swap3A_327], %scan3A_181#20 {strides = array<i32>} : memref<128x64xf32, #tpu.memory_space<vmem>>, vector<16xf32>,
      %mul3A_329 = arith.constant 8 : i32
      %mul3A_330 = arith.muli %mul3A_329, %mul3A_106 : i32
      %add3A_331 = arith.constant 5 : i32
      %add3A_332 = arith.addi %mul3A_330, %add3A_331 : i32
      %swap3A_333 = arith.index_cast %add3A_332 : i32 to index
      %swap3A_334 = arith.constant 16 : index
      %swap3A_335 = tpu.vector_load %arg12[%swap3A_333, %swap3A_334] {strides = array<i32>} : memref<128x64xf32, #tpu.memory_space<vmem>>, vector<16xf32>,
      tpu.vector_store %arg12[%swap3A_333, %swap3A_334], %scan3A_181#21 {strides = array<i32>} : memref<128x64xf32, #tpu.memory_space<vmem>>, vector<16xf32>,
      %mul3A_336 = arith.constant 8 : i32
      %mul3A_337 = arith.muli %mul3A_336, %mul3A_106 : i32
      %add3A_338 = arith.constant 5 : i32
      %add3A_339 = arith.addi %mul3A_337, %add3A_338 : i32
      %swap3A_340 = arith.index_cast %add3A_339 : i32 to index
      %swap3A_341 = arith.constant 32 : index
      %swap3A_342 = tpu.vector_load %arg12[%swap3A_340, %swap3A_341] {strides = array<i32>} : memref<128x64xf32, #tpu.memory_space<vmem>>, vector<16xf32>,
      tpu.vector_store %arg12[%swap3A_340, %swap3A_341], %scan3A_181#22 {strides = array<i32>} : memref<128x64xf32, #tpu.memory_space<vmem>>, vector<16xf32>,
      %mul3A_343 = arith.constant 8 : i32
      %mul3A_344 = arith.muli %mul3A_343, %mul3A_106 : i32
      %add3A_345 = arith.constant 5 : i32
      %add3A_346 = arith.addi %mul3A_344, %add3A_345 : i32
      %swap3A_347 = arith.index_cast %add3A_346 : i32 to index
      %swap3A_348 = arith.constant 48 : index
      %swap3A_349 = tpu.vector_load %arg12[%swap3A_347, %swap3A_348] {strides = array<i32>} : memref<128x64xf32, #tpu.memory_space<vmem>>, vector<16xf32>,
      tpu.vector_store %arg12[%swap3A_347, %swap3A_348], %scan3A_181#23 {strides = array<i32>} : memref<128x64xf32, #tpu.memory_space<vmem>>, vector<16xf32>,
      %mul3A_350 = arith.constant 8 : i32
      %mul3A_351 = arith.muli %mul3A_350, %mul3A_106 : i32
      %add3A_352 = arith.constant 6 : i32
      %add3A_353 = arith.addi %mul3A_351, %add3A_352 : i32
      %swap3A_354 = arith.index_cast %add3A_353 : i32 to index
      %swap3A_355 = arith.constant 0 : index
      %swap3A_356 = tpu.vector_load %arg12[%swap3A_354, %swap3A_355] {strides = array<i32>} : memref<128x64xf32, #tpu.memory_space<vmem>>, vector<16xf32>,
      tpu.vector_store %arg12[%swap3A_354, %swap3A_355], %scan3A_181#24 {strides = array<i32>} : memref<128x64xf32, #tpu.memory_space<vmem>>, vector<16xf32>,
      %mul3A_357 = arith.constant 8 : i32
      %mul3A_358 = arith.muli %mul3A_357, %mul3A_106 : i32
      %add3A_359 = arith.constant 6 : i32
      %add3A_360 = arith.addi %mul3A_358, %add3A_359 : i32
      %swap3A_361 = arith.index_cast %add3A_360 : i32 to index
      %swap3A_362 = arith.constant 16 : index
      %swap3A_363 = tpu.vector_load %arg12[%swap3A_361, %swap3A_362] {strides = array<i32>} : memref<128x64xf32, #tpu.memory_space<vmem>>, vector<16xf32>,
      tpu.vector_store %arg12[%swap3A_361, %swap3A_362], %scan3A_181#25 {strides = array<i32>} : memref<128x64xf32, #tpu.memory_space<vmem>>, vector<16xf32>,
      %mul3A_364 = arith.constant 8 : i32
      %mul3A_365 = arith.muli %mul3A_364, %mul3A_106 : i32
      %add3A_366 = arith.constant 6 : i32
      %add3A_367 = arith.addi %mul3A_365, %add3A_366 : i32
      %swap3A_368 = arith.index_cast %add3A_367 : i32 to index
      %swap3A_369 = arith.constant 32 : index
      %swap3A_370 = tpu.vector_load %arg12[%swap3A_368, %swap3A_369] {strides = array<i32>} : memref<128x64xf32, #tpu.memory_space<vmem>>, vector<16xf32>,
      tpu.vector_store %arg12[%swap3A_368, %swap3A_369], %scan3A_181#26 {strides = array<i32>} : memref<128x64xf32, #tpu.memory_space<vmem>>, vector<16xf32>,
      %mul3A_371 = arith.constant 8 : i32
      %mul3A_372 = arith.muli %mul3A_371, %mul3A_106 : i32
      %add3A_373 = arith.constant 6 : i32
      %add3A_374 = arith.addi %mul3A_372, %add3A_373 : i32
      %swap3A_375 = arith.index_cast %add3A_374 : i32 to index
      %swap3A_376 = arith.constant 48 : index
      %swap3A_377 = tpu.vector_load %arg12[%swap3A_375, %swap3A_376] {strides = array<i32>} : memref<128x64xf32, #tpu.memory_space<vmem>>, vector<16xf32>,
      tpu.vector_store %arg12[%swap3A_375, %swap3A_376], %scan3A_181#27 {strides = array<i32>} : memref<128x64xf32, #tpu.memory_space<vmem>>, vector<16xf32>,
      %mul3A_378 = arith.constant 8 : i32
      %mul3A_379 = arith.muli %mul3A_378, %mul3A_106 : i32
      %add3A_380 = arith.constant 7 : i32
      %add3A_381 = arith.addi %mul3A_379, %add3A_380 : i32
      %swap3A_382 = arith.index_cast %add3A_381 : i32 to index
      %swap3A_383 = arith.constant 0 : index
      %swap3A_384 = tpu.vector_load %arg12[%swap3A_382, %swap3A_383] {strides = array<i32>} : memref<128x64xf32, #tpu.memory_space<vmem>>, vector<16xf32>,
      tpu.vector_store %arg12[%swap3A_382, %swap3A_383], %scan3A_181#28 {strides = array<i32>} : memref<128x64xf32, #tpu.memory_space<vmem>>, vector<16xf32>,
      %mul3A_385 = arith.constant 8 : i32
      %mul3A_386 = arith.muli %mul3A_385, %mul3A_106 : i32
      %add3A_387 = arith.constant 7 : i32
      %add3A_388 = arith.addi %mul3A_386, %add3A_387 : i32
      %swap3A_389 = arith.index_cast %add3A_388 : i32 to index
      %swap3A_390 = arith.constant 16 : index
      %swap3A_391 = tpu.vector_load %arg12[%swap3A_389, %swap3A_390] {strides = array<i32>} : memref<128x64xf32, #tpu.memory_space<vmem>>, vector<16xf32>,
      tpu.vector_store %arg12[%swap3A_389, %swap3A_390], %scan3A_181#29 {strides = array<i32>} : memref<128x64xf32, #tpu.memory_space<vmem>>, vector<16xf32>,
      %mul3A_392 = arith.constant 8 : i32
      %mul3A_393 = arith.muli %mul3A_392, %mul3A_106 : i32
      %add3A_394 = arith.constant 7 : i32
      %add3A_395 = arith.addi %mul3A_393, %add3A_394 : i32
      %swap3A_396 = arith.index_cast %add3A_395 : i32 to index
      %swap3A_397 = arith.constant 32 : index
      %swap3A_398 = tpu.vector_load %arg12[%swap3A_396, %swap3A_397] {strides = array<i32>} : memref<128x64xf32, #tpu.memory_space<vmem>>, vector<16xf32>,
      tpu.vector_store %arg12[%swap3A_396, %swap3A_397], %scan3A_181#30 {strides = array<i32>} : memref<128x64xf32, #tpu.memory_space<vmem>>, vector<16xf32>,
      %mul3A_399 = arith.constant 8 : i32
      %mul3A_400 = arith.muli %mul3A_399, %mul3A_106 : i32
      %add3A_401 = arith.constant 7 : i32
      %add3A_402 = arith.addi %mul3A_400, %add3A_401 : i32
      %swap3A_403 = arith.index_cast %add3A_402 : i32 to index
      %swap3A_404 = arith.constant 48 : index
      %swap3A_405 = tpu.vector_load %arg12[%swap3A_403, %swap3A_404] {strides = array<i32>} : memref<128x64xf32, #tpu.memory_space<vmem>>, vector<16xf32>,
      tpu.vector_store %arg12[%swap3A_403, %swap3A_404], %scan3A_181#31 {strides = array<i32>} : memref<128x64xf32, #tpu.memory_space<vmem>>, vector<16xf32>,
      %scan3A_406 = arith.constant 0 : i32
      %scan3A_407 = arith.constant 0 : i32
      %scan3A_408 = arith.constant 25 : i32
      %scan3A_409 = arith.addi %scan3A_407, %scan3A_408 : i32
      %scan3A_410 = arith.constant 1 : i32
      scf.for %scan3A_844 = %scan3A_407 to %scan3A_409 step %scan3A_410  : i32 {
        %mul3A_845 = arith.constant 16 : i32
        %mul3A_846 = arith.muli %mul3A_845, %scan3A_844 : i32
        %add3A_847 = vector.broadcast %mul3A_846 : i32 to vector<16xi32>
        %add3A_848 = arith.addi %add3A_847, %iota3A : vector<16xi32>
        %broadcast_in_dim3A_849 = arith.constant 50 : i32
        %broadcast_in_dim3A_850 = vector.broadcast %broadcast_in_dim3A_849 : i32 to vector<16xi32>
        %gather3A = tpu.vector_load_idx %arg8[%add3A_848, %broadcast_in_dim3A_850] : memref<400x64xf32, #tpu.memory_space<vmem>>[vector<16xi32>, vector<16xi32>], vector<16xf32>,
        %broadcast_in_dim3A_851 = arith.constant 51 : i32
        %broadcast_in_dim3A_852 = vector.broadcast %broadcast_in_dim3A_851 : i32 to vector<16xi32>
        %gather3A_853 = tpu.vector_load_idx %arg8[%add3A_848, %broadcast_in_dim3A_852] : memref<400x64xf32, #tpu.memory_space<vmem>>[vector<16xi32>, vector<16xi32>], vector<16xf32>,
        %mul3A_854 = arith.constant 25 : i32
        %mul3A_855 = arith.muli %mul3A_106, %mul3A_854 : i32
        %add3A_856 = arith.addi %mul3A_855, %scan3A_844 : i32
        %swap3A_857 = arith.index_cast %add3A_856 : i32 to index
        %swap3A_858 = arith.constant 0 : index
        %swap3A_859 = tpu.vector_load %arg10[%swap3A_857, %swap3A_858] {strides = array<i32>} : memref<400x16xf32, #tpu.memory_space<vmem>>, vector<16xf32>,
        tpu.vector_store %arg10[%swap3A_857, %swap3A_858], %gather3A {strides = array<i32>} : memref<400x16xf32, #tpu.memory_space<vmem>>, vector<16xf32>,
        %mul3A_860 = arith.constant 25 : i32
        %mul3A_861 = arith.muli %mul3A_106, %mul3A_860 : i32
        %add3A_862 = arith.addi %mul3A_861, %scan3A_844 : i32
        %swap3A_863 = arith.index_cast %add3A_862 : i32 to index
        %swap3A_864 = arith.constant 0 : index
        %swap3A_865 = tpu.vector_load %arg11[%swap3A_863, %swap3A_864] {strides = array<i32>} : memref<400x16xf32, #tpu.memory_space<vmem>>, vector<16xf32>,
        tpu.vector_store %arg11[%swap3A_863, %swap3A_864], %gather3A_853 {strides = array<i32>} : memref<400x16xf32, #tpu.memory_space<vmem>>, vector<16xf32>,
      }
      %scan3A_411 = arith.constant 25 : i32
      %add3A_412 = arith.constant 2 : i32
      %add3A_413 = arith.addi %mul3A_106, %add3A_412 : i32
      %mul3A_414 = arith.constant 4 : i32
      %mul3A_415 = arith.muli %mul3A_414, %add3A_413 : i32
      %add3A_416 = arith.constant 0 : i32
      %add3A_417 = arith.addi %mul3A_415, %add3A_416 : i32
      %and3A = arith.constant 63 : i32
      %and3A_418 = arith.andi %add3A_417, %and3A : i32
      %dma_start3A_419 = arith.constant 0 : i32
      %dma_start3A_420 = arith.constant 0 : i32
      %dma_start3A_421 = tpu.memref_slice %arg8[%dma_start3A_419, %dma_start3A_420] : memref<400x64xf32, #tpu.memory_space<vmem>> -> memref<100x64xf32, #tpu.memory_space<vmem>>
      %dma_start3A_422 = arith.constant 0 : i32
      %dma_start3A_423 = tpu.memref_slice %arg7[%and3A_418, %dma_start3A_422] : memref<64x100xi32, #tpu.memory_space<vmem>> -> memref<1x100xi32, #tpu.memory_space<vmem>>
      %dma_start3A_424 = tpu.memref_squeeze %dma_start3A_423 : memref<1x100xi32, #tpu.memory_space<vmem>> -> memref<100xi32, #tpu.memory_space<vmem>>
      %dma_start3A_425 = arith.constant 0 : i32
      %dma_start3A_426 = arith.constant 0 : i32
      %dma_start3A_427 = tpu.memref_slice %arg3[%dma_start3A_425, %dma_start3A_426] : memref<100000x64xf32, #tpu.memory_space<hbm>> -> memref<100000x64xf32, #tpu.memory_space<hbm>>
      tpu.enqueue_indirect_dma source(%dma_start3A_427 : memref<100000x64xf32, #tpu.memory_space<hbm>>) target(%dma_start3A_421 : memref<100x64xf32, #tpu.memory_space<vmem>>) offsets(%dma_start3A_424 : memref<100xi32, #tpu.memory_space<vmem>>) semaphore(%arg13 : memref<!tpu.dma_semaphore, #tpu.memory_space<semaphore_mem>>)
      %mul3A_428 = arith.constant 4 : i32
      %mul3A_429 = arith.muli %mul3A_428, %add3A_413 : i32
      %add3A_430 = arith.constant 1 : i32
      %add3A_431 = arith.addi %mul3A_429, %add3A_430 : i32
      %and3A_432 = arith.constant 63 : i32
      %and3A_433 = arith.andi %add3A_431, %and3A_432 : i32
      %dma_start3A_434 = arith.constant 100 : i32
      %dma_start3A_435 = arith.constant 0 : i32
      %dma_start3A_436 = tpu.memref_slice %arg8[%dma_start3A_434, %dma_start3A_435] : memref<400x64xf32, #tpu.memory_space<vmem>> -> memref<100x64xf32, #tpu.memory_space<vmem>>
      %dma_start3A_437 = arith.constant 0 : i32
      %dma_start3A_438 = tpu.memref_slice %arg7[%and3A_433, %dma_start3A_437] : memref<64x100xi32, #tpu.memory_space<vmem>> -> memref<1x100xi32, #tpu.memory_space<vmem>>
      %dma_start3A_439 = tpu.memref_squeeze %dma_start3A_438 : memref<1x100xi32, #tpu.memory_space<vmem>> -> memref<100xi32, #tpu.memory_space<vmem>>
      %dma_start3A_440 = arith.constant 0 : i32
      %dma_start3A_441 = arith.constant 0 : i32
      %dma_start3A_442 = tpu.memref_slice %arg3[%dma_start3A_440, %dma_start3A_441] : memref<100000x64xf32, #tpu.memory_space<hbm>> -> memref<100000x64xf32, #tpu.memory_space<hbm>>
      tpu.enqueue_indirect_dma source(%dma_start3A_442 : memref<100000x64xf32, #tpu.memory_space<hbm>>) target(%dma_start3A_436 : memref<100x64xf32, #tpu.memory_space<vmem>>) offsets(%dma_start3A_439 : memref<100xi32, #tpu.memory_space<vmem>>) semaphore(%arg13 : memref<!tpu.dma_semaphore, #tpu.memory_space<semaphore_mem>>)
      %mul3A_443 = arith.constant 4 : i32
      %mul3A_444 = arith.muli %mul3A_443, %add3A_413 : i32
      %add3A_445 = arith.constant 2 : i32
      %add3A_446 = arith.addi %mul3A_444, %add3A_445 : i32
      %and3A_447 = arith.constant 63 : i32
      %and3A_448 = arith.andi %add3A_446, %and3A_447 : i32
      %dma_start3A_449 = arith.constant 200 : i32
      %dma_start3A_450 = arith.constant 0 : i32
      %dma_start3A_451 = tpu.memref_slice %arg8[%dma_start3A_449, %dma_start3A_450] : memref<400x64xf32, #tpu.memory_space<vmem>> -> memref<100x64xf32, #tpu.memory_space<vmem>>
      %dma_start3A_452 = arith.constant 0 : i32
      %dma_start3A_453 = tpu.memref_slice %arg7[%and3A_448, %dma_start3A_452] : memref<64x100xi32, #tpu.memory_space<vmem>> -> memref<1x100xi32, #tpu.memory_space<vmem>>
      %dma_start3A_454 = tpu.memref_squeeze %dma_start3A_453 : memref<1x100xi32, #tpu.memory_space<vmem>> -> memref<100xi32, #tpu.memory_space<vmem>>
      %dma_start3A_455 = arith.constant 0 : i32
      %dma_start3A_456 = arith.constant 0 : i32
      %dma_start3A_457 = tpu.memref_slice %arg3[%dma_start3A_455, %dma_start3A_456] : memref<100000x64xf32, #tpu.memory_space<hbm>> -> memref<100000x64xf32, #tpu.memory_space<hbm>>
      tpu.enqueue_indirect_dma source(%dma_start3A_457 : memref<100000x64xf32, #tpu.memory_space<hbm>>) target(%dma_start3A_451 : memref<100x64xf32, #tpu.memory_space<vmem>>) offsets(%dma_start3A_454 : memref<100xi32, #tpu.memory_space<vmem>>) semaphore(%arg13 : memref<!tpu.dma_semaphore, #tpu.memory_space<semaphore_mem>>)
      %mul3A_458 = arith.constant 4 : i32
      %mul3A_459 = arith.muli %mul3A_458, %add3A_413 : i32
      %add3A_460 = arith.constant 3 : i32
      %add3A_461 = arith.addi %mul3A_459, %add3A_460 : i32
      %and3A_462 = arith.constant 63 : i32
      %and3A_463 = arith.andi %add3A_461, %and3A_462 : i32
      %dma_start3A_464 = arith.constant 300 : i32
      %dma_start3A_465 = arith.constant 0 : i32
      %dma_start3A_466 = tpu.memref_slice %arg8[%dma_start3A_464, %dma_start3A_465] : memref<400x64xf32, #tpu.memory_space<vmem>> -> memref<100x64xf32, #tpu.memory_space<vmem>>
      %dma_start3A_467 = arith.constant 0 : i32
      %dma_start3A_468 = tpu.memref_slice %arg7[%and3A_463, %dma_start3A_467] : memref<64x100xi32, #tpu.memory_space<vmem>> -> memref<1x100xi32, #tpu.memory_space<vmem>>
      %dma_start3A_469 = tpu.memref_squeeze %dma_start3A_468 : memref<1x100xi32, #tpu.memory_space<vmem>> -> memref<100xi32, #tpu.memory_space<vmem>>
      %dma_start3A_470 = arith.constant 0 : i32
      %dma_start3A_471 = arith.constant 0 : i32
      %dma_start3A_472 = tpu.memref_slice %arg3[%dma_start3A_470, %dma_start3A_471] : memref<100000x64xf32, #tpu.memory_space<hbm>> -> memref<100000x64xf32, #tpu.memory_space<hbm>>
      tpu.enqueue_indirect_dma source(%dma_start3A_472 : memref<100000x64xf32, #tpu.memory_space<hbm>>) target(%dma_start3A_466 : memref<100x64xf32, #tpu.memory_space<vmem>>) offsets(%dma_start3A_469 : memref<100xi32, #tpu.memory_space<vmem>>) semaphore(%arg13 : memref<!tpu.dma_semaphore, #tpu.memory_space<semaphore_mem>>)
      %dma_wait3A_473 = arith.constant 0 : i32
      %dma_wait3A_474 = arith.constant 0 : i32
      %dma_wait3A_475 = tpu.memref_slice %arg7[%dma_wait3A_473, %dma_wait3A_474] : memref<64x100xi32, #tpu.memory_space<vmem>> -> memref<1x100xi32, #tpu.memory_space<vmem>>
      %dma_wait3A_476 = tpu.memref_squeeze %dma_wait3A_475 : memref<1x100xi32, #tpu.memory_space<vmem>> -> memref<100xi32, #tpu.memory_space<vmem>>
      %dma_wait3A_477 = arith.constant 0 : i32
      %dma_wait3A_478 = arith.constant 0 : i32
      %dma_wait3A_479 = tpu.memref_slice %arg3[%dma_wait3A_477, %dma_wait3A_478] : memref<100000x64xf32, #tpu.memory_space<hbm>> -> memref<100000x64xf32, #tpu.memory_space<hbm>>
      tpu.wait_indirect_dma semaphore(%arg14 : memref<!tpu.dma_semaphore, #tpu.memory_space<semaphore_mem>>) src(%dma_wait3A_479 : memref<100000x64xf32, #tpu.memory_space<hbm>>) dst(%arg9 : memref<400x64xf32, #tpu.memory_space<vmem>>)
      %add3A_480 = arith.constant 1 : i32
      %add3A_481 = arith.addi %mul3A_106, %add3A_480 : i32
      %broadcast_in_dim3A_482 = arith.constant 0.000000e+00 : f32
      %broadcast_in_dim3A_483 = vector.broadcast %broadcast_in_dim3A_482 : f32 to vector<16xf32>
      %broadcast_in_dim3A_484 = arith.constant 0.000000e+00 : f32
      %broadcast_in_dim3A_485 = vector.broadcast %broadcast_in_dim3A_484 : f32 to vector<16xf32>
      %broadcast_in_dim3A_486 = arith.constant 0.000000e+00 : f32
      %broadcast_in_dim3A_487 = vector.broadcast %broadcast_in_dim3A_486 : f32 to vector<16xf32>
      %broadcast_in_dim3A_488 = arith.constant 0.000000e+00 : f32
      %broadcast_in_dim3A_489 = vector.broadcast %broadcast_in_dim3A_488 : f32 to vector<16xf32>
      %broadcast_in_dim3A_490 = arith.constant 0.000000e+00 : f32
      %broadcast_in_dim3A_491 = vector.broadcast %broadcast_in_dim3A_490 : f32 to vector<16xf32>
      %broadcast_in_dim3A_492 = arith.constant 0.000000e+00 : f32
      %broadcast_in_dim3A_493 = vector.broadcast %broadcast_in_dim3A_492 : f32 to vector<16xf32>
      %broadcast_in_dim3A_494 = arith.constant 0.000000e+00 : f32
      %broadcast_in_dim3A_495 = vector.broadcast %broadcast_in_dim3A_494 : f32 to vector<16xf32>
      %broadcast_in_dim3A_496 = arith.constant 0.000000e+00 : f32
      %broadcast_in_dim3A_497 = vector.broadcast %broadcast_in_dim3A_496 : f32 to vector<16xf32>
      %broadcast_in_dim3A_498 = arith.constant 0.000000e+00 : f32
      %broadcast_in_dim3A_499 = vector.broadcast %broadcast_in_dim3A_498 : f32 to vector<16xf32>
      %broadcast_in_dim3A_500 = arith.constant 0.000000e+00 : f32
      %broadcast_in_dim3A_501 = vector.broadcast %broadcast_in_dim3A_500 : f32 to vector<16xf32>
      %broadcast_in_dim3A_502 = arith.constant 0.000000e+00 : f32
      %broadcast_in_dim3A_503 = vector.broadcast %broadcast_in_dim3A_502 : f32 to vector<16xf32>
      %broadcast_in_dim3A_504 = arith.constant 0.000000e+00 : f32
      %broadcast_in_dim3A_505 = vector.broadcast %broadcast_in_dim3A_504 : f32 to vector<16xf32>
      %broadcast_in_dim3A_506 = arith.constant 0.000000e+00 : f32
      %broadcast_in_dim3A_507 = vector.broadcast %broadcast_in_dim3A_506 : f32 to vector<16xf32>
      %broadcast_in_dim3A_508 = arith.constant 0.000000e+00 : f32
      %broadcast_in_dim3A_509 = vector.broadcast %broadcast_in_dim3A_508 : f32 to vector<16xf32>
      %broadcast_in_dim3A_510 = arith.constant 0.000000e+00 : f32
      %broadcast_in_dim3A_511 = vector.broadcast %broadcast_in_dim3A_510 : f32 to vector<16xf32>
      %broadcast_in_dim3A_512 = arith.constant 0.000000e+00 : f32
      %broadcast_in_dim3A_513 = vector.broadcast %broadcast_in_dim3A_512 : f32 to vector<16xf32>
      %broadcast_in_dim3A_514 = arith.constant 0.000000e+00 : f32
      %broadcast_in_dim3A_515 = vector.broadcast %broadcast_in_dim3A_514 : f32 to vector<16xf32>
      %broadcast_in_dim3A_516 = arith.constant 0.000000e+00 : f32
      %broadcast_in_dim3A_517 = vector.broadcast %broadcast_in_dim3A_516 : f32 to vector<16xf32>
      %broadcast_in_dim3A_518 = arith.constant 0.000000e+00 : f32
      %broadcast_in_dim3A_519 = vector.broadcast %broadcast_in_dim3A_518 : f32 to vector<16xf32>
      %broadcast_in_dim3A_520 = arith.constant 0.000000e+00 : f32
      %broadcast_in_dim3A_521 = vector.broadcast %broadcast_in_dim3A_520 : f32 to vector<16xf32>
      %broadcast_in_dim3A_522 = arith.constant 0.000000e+00 : f32
      %broadcast_in_dim3A_523 = vector.broadcast %broadcast_in_dim3A_522 : f32 to vector<16xf32>
      %broadcast_in_dim3A_524 = arith.constant 0.000000e+00 : f32
      %broadcast_in_dim3A_525 = vector.broadcast %broadcast_in_dim3A_524 : f32 to vector<16xf32>
      %broadcast_in_dim3A_526 = arith.constant 0.000000e+00 : f32
      %broadcast_in_dim3A_527 = vector.broadcast %broadcast_in_dim3A_526 : f32 to vector<16xf32>
      %broadcast_in_dim3A_528 = arith.constant 0.000000e+00 : f32
      %broadcast_in_dim3A_529 = vector.broadcast %broadcast_in_dim3A_528 : f32 to vector<16xf32>
      %broadcast_in_dim3A_530 = arith.constant 0.000000e+00 : f32
      %broadcast_in_dim3A_531 = vector.broadcast %broadcast_in_dim3A_530 : f32 to vector<16xf32>
      %broadcast_in_dim3A_532 = arith.constant 0.000000e+00 : f32
      %broadcast_in_dim3A_533 = vector.broadcast %broadcast_in_dim3A_532 : f32 to vector<16xf32>
      %broadcast_in_dim3A_534 = arith.constant 0.000000e+00 : f32
      %broadcast_in_dim3A_535 = vector.broadcast %broadcast_in_dim3A_534 : f32 to vector<16xf32>
      %broadcast_in_dim3A_536 = arith.constant 0.000000e+00 : f32
      %broadcast_in_dim3A_537 = vector.broadcast %broadcast_in_dim3A_536 : f32 to vector<16xf32>
      %broadcast_in_dim3A_538 = arith.constant 0.000000e+00 : f32
      %broadcast_in_dim3A_539 = vector.broadcast %broadcast_in_dim3A_538 : f32 to vector<16xf32>
      %broadcast_in_dim3A_540 = arith.constant 0.000000e+00 : f32
      %broadcast_in_dim3A_541 = vector.broadcast %broadcast_in_dim3A_540 : f32 to vector<16xf32>
      %broadcast_in_dim3A_542 = arith.constant 0.000000e+00 : f32
      %broadcast_in_dim3A_543 = vector.broadcast %broadcast_in_dim3A_542 : f32 to vector<16xf32>
      %broadcast_in_dim3A_544 = arith.constant 0.000000e+00 : f32
      %broadcast_in_dim3A_545 = vector.broadcast %broadcast_in_dim3A_544 : f32 to vector<16xf32>
      %scan3A_546 = arith.constant 0 : i32
      %scan3A_547 = arith.constant 25 : i32
      %scan3A_548 = arith.addi %scan3A_546, %scan3A_547 : i32
      %scan3A_549 = arith.constant 1 : i32
      %scan3A_550:32 = scf.for %scan3A_844 = %scan3A_546 to %scan3A_548 step %scan3A_549 iter_args(%scan3A_845 = %broadcast_in_dim3A_483, %scan3A_846 = %broadcast_in_dim3A_485, %scan3A_847 = %broadcast_in_dim3A_487, %scan3A_848 = %broadcast_in_dim3A_489, %scan3A_849 = %broadcast_in_dim3A_491, %scan3A_850 = %broadcast_in_dim3A_493, %scan3A_851 = %broadcast_in_dim3A_495, %scan3A_852 = %broadcast_in_dim3A_497, %scan3A_853 = %broadcast_in_dim3A_499, %scan3A_854 = %broadcast_in_dim3A_501, %scan3A_855 = %broadcast_in_dim3A_503, %scan3A_856 = %broadcast_in_dim3A_505, %scan3A_857 = %broadcast_in_dim3A_507, %scan3A_858 = %broadcast_in_dim3A_509, %scan3A_859 = %broadcast_in_dim3A_511, %scan3A_860 = %broadcast_in_dim3A_513, %scan3A_861 = %broadcast_in_dim3A_515, %scan3A_862 = %broadcast_in_dim3A_517, %scan3A_863 = %broadcast_in_dim3A_519, %scan3A_864 = %broadcast_in_dim3A_521, %scan3A_865 = %broadcast_in_dim3A_523, %scan3A_866 = %broadcast_in_dim3A_525, %scan3A_867 = %broadcast_in_dim3A_527, %scan3A_868 = %broadcast_in_dim3A_529, %scan3A_869 = %broadcast_in_dim3A_531, %scan3A_870 = %broadcast_in_dim3A_533, %scan3A_871 = %broadcast_in_dim3A_535, %scan3A_872 = %broadcast_in_dim3A_537, %scan3A_873 = %broadcast_in_dim3A_539, %scan3A_874 = %broadcast_in_dim3A_541, %scan3A_875 = %broadcast_in_dim3A_543, %scan3A_876 = %broadcast_in_dim3A_545) -> (vector<16xf32>, vector<16xf32>, vector<16xf32>, vector<16xf32>, vector<16xf32>, vector<16xf32>, vector<16xf32>, vector<16xf32>, vector<16xf32>, vector<16xf32>, vector<16xf32>, vector<16xf32>, vector<16xf32>, vector<16xf32>, vector<16xf32>, vector<16xf32>, vector<16xf32>, vector<16xf32>, vector<16xf32>, vector<16xf32>, vector<16xf32>, vector<16xf32>, vector<16xf32>, vector<16xf32>, vector<16xf32>, vector<16xf32>, vector<16xf32>, vector<16xf32>, vector<16xf32>, vector<16xf32>, vector<16xf32>, vector<16xf32>)  : i32 {
        %mul3A_877 = arith.constant 2 : i32
        %mul3A_878 = arith.muli %mul3A_877, %scan3A_844 : i32
        %add3A_879 = arith.constant 0 : i32
        %add3A_880 = arith.addi %add3A_879, %mul3A_878 : i32
        %add3A_881 = arith.constant 0 : i32
        %add3A_882 = arith.addi %add3A_880, %add3A_881 : i32
        %get3A = arith.index_cast %add3A_882 : i32 to index
        %get3A_883 = arith.constant 0 : index
        %get3A_884 = tpu.vector_load %arg9[%get3A, %get3A_883] {strides = array<i32>} : memref<400x64xf32, #tpu.memory_space<vmem>>, vector<16xf32>,
        %add3A_885 = arith.addf %scan3A_845, %get3A_884 : vector<16xf32>
        %mul3A_886 = arith.constant 2 : i32
        %mul3A_887 = arith.muli %mul3A_886, %scan3A_844 : i32
        %add3A_888 = arith.constant 0 : i32
        %add3A_889 = arith.addi %add3A_888, %mul3A_887 : i32
        %add3A_890 = arith.constant 0 : i32
        %add3A_891 = arith.addi %add3A_889, %add3A_890 : i32
        %get3A_892 = arith.index_cast %add3A_891 : i32 to index
        %get3A_893 = arith.constant 16 : index
        %get3A_894 = tpu.vector_load %arg9[%get3A_892, %get3A_893] {strides = array<i32>} : memref<400x64xf32, #tpu.memory_space<vmem>>, vector<16xf32>,
        %add3A_895 = arith.addf %scan3A_846, %get3A_894 : vector<16xf32>
        %mul3A_896 = arith.constant 2 : i32
        %mul3A_897 = arith.muli %mul3A_896, %scan3A_844 : i32
        %add3A_898 = arith.constant 0 : i32
        %add3A_899 = arith.addi %add3A_898, %mul3A_897 : i32
        %add3A_900 = arith.constant 0 : i32
        %add3A_901 = arith.addi %add3A_899, %add3A_900 : i32
        %get3A_902 = arith.index_cast %add3A_901 : i32 to index
        %get3A_903 = arith.constant 32 : index
        %get3A_904 = tpu.vector_load %arg9[%get3A_902, %get3A_903] {strides = array<i32>} : memref<400x64xf32, #tpu.memory_space<vmem>>, vector<16xf32>,
        %add3A_905 = arith.addf %scan3A_847, %get3A_904 : vector<16xf32>
        %mul3A_906 = arith.constant 2 : i32
        %mul3A_907 = arith.muli %mul3A_906, %scan3A_844 : i32
        %add3A_908 = arith.constant 0 : i32
        %add3A_909 = arith.addi %add3A_908, %mul3A_907 : i32
        %add3A_910 = arith.constant 0 : i32
        %add3A_911 = arith.addi %add3A_909, %add3A_910 : i32
        %get3A_912 = arith.index_cast %add3A_911 : i32 to index
        %get3A_913 = arith.constant 48 : index
        %get3A_914 = tpu.vector_load %arg9[%get3A_912, %get3A_913] {strides = array<i32>} : memref<400x64xf32, #tpu.memory_space<vmem>>, vector<16xf32>,
        %add3A_915 = arith.addf %scan3A_848, %get3A_914 : vector<16xf32>
        %mul3A_916 = arith.constant 2 : i32
        %mul3A_917 = arith.muli %mul3A_916, %scan3A_844 : i32
        %add3A_918 = arith.constant 50 : i32
        %add3A_919 = arith.addi %add3A_918, %mul3A_917 : i32
        %add3A_920 = arith.constant 0 : i32
        %add3A_921 = arith.addi %add3A_919, %add3A_920 : i32
        %get3A_922 = arith.index_cast %add3A_921 : i32 to index
        %get3A_923 = arith.constant 0 : index
        %get3A_924 = tpu.vector_load %arg9[%get3A_922, %get3A_923] {strides = array<i32>} : memref<400x64xf32, #tpu.memory_space<vmem>>, vector<16xf32>,
        %add3A_925 = arith.addf %scan3A_849, %get3A_924 : vector<16xf32>
        %mul3A_926 = arith.constant 2 : i32
        %mul3A_927 = arith.muli %mul3A_926, %scan3A_844 : i32
        %add3A_928 = arith.constant 50 : i32
        %add3A_929 = arith.addi %add3A_928, %mul3A_927 : i32
        %add3A_930 = arith.constant 0 : i32
        %add3A_931 = arith.addi %add3A_929, %add3A_930 : i32
        %get3A_932 = arith.index_cast %add3A_931 : i32 to index
        %get3A_933 = arith.constant 16 : index
        %get3A_934 = tpu.vector_load %arg9[%get3A_932, %get3A_933] {strides = array<i32>} : memref<400x64xf32, #tpu.memory_space<vmem>>, vector<16xf32>,
        %add3A_935 = arith.addf %scan3A_850, %get3A_934 : vector<16xf32>
        %mul3A_936 = arith.constant 2 : i32
        %mul3A_937 = arith.muli %mul3A_936, %scan3A_844 : i32
        %add3A_938 = arith.constant 50 : i32
        %add3A_939 = arith.addi %add3A_938, %mul3A_937 : i32
        %add3A_940 = arith.constant 0 : i32
        %add3A_941 = arith.addi %add3A_939, %add3A_940 : i32
        %get3A_942 = arith.index_cast %add3A_941 : i32 to index
        %get3A_943 = arith.constant 32 : index
        %get3A_944 = tpu.vector_load %arg9[%get3A_942, %get3A_943] {strides = array<i32>} : memref<400x64xf32, #tpu.memory_space<vmem>>, vector<16xf32>,
        %add3A_945 = arith.addf %scan3A_851, %get3A_944 : vector<16xf32>
        %mul3A_946 = arith.constant 2 : i32
        %mul3A_947 = arith.muli %mul3A_946, %scan3A_844 : i32
        %add3A_948 = arith.constant 50 : i32
        %add3A_949 = arith.addi %add3A_948, %mul3A_947 : i32
        %add3A_950 = arith.constant 0 : i32
        %add3A_951 = arith.addi %add3A_949, %add3A_950 : i32
        %get3A_952 = arith.index_cast %add3A_951 : i32 to index
        %get3A_953 = arith.constant 48 : index
        %get3A_954 = tpu.vector_load %arg9[%get3A_952, %get3A_953] {strides = array<i32>} : memref<400x64xf32, #tpu.memory_space<vmem>>, vector<16xf32>,
        %add3A_955 = arith.addf %scan3A_852, %get3A_954 : vector<16xf32>
        %mul3A_956 = arith.constant 2 : i32
        %mul3A_957 = arith.muli %mul3A_956, %scan3A_844 : i32
        %add3A_958 = arith.constant 100 : i32
        %add3A_959 = arith.addi %add3A_958, %mul3A_957 : i32
        %add3A_960 = arith.constant 0 : i32
        %add3A_961 = arith.addi %add3A_959, %add3A_960 : i32
        %get3A_962 = arith.index_cast %add3A_961 : i32 to index
        %get3A_963 = arith.constant 0 : index
        %get3A_964 = tpu.vector_load %arg9[%get3A_962, %get3A_963] {strides = array<i32>} : memref<400x64xf32, #tpu.memory_space<vmem>>, vector<16xf32>,
        %add3A_965 = arith.addf %scan3A_853, %get3A_964 : vector<16xf32>
        %mul3A_966 = arith.constant 2 : i32
        %mul3A_967 = arith.muli %mul3A_966, %scan3A_844 : i32
        %add3A_968 = arith.constant 100 : i32
        %add3A_969 = arith.addi %add3A_968, %mul3A_967 : i32
        %add3A_970 = arith.constant 0 : i32
        %add3A_971 = arith.addi %add3A_969, %add3A_970 : i32
        %get3A_972 = arith.index_cast %add3A_971 : i32 to index
        %get3A_973 = arith.constant 16 : index
        %get3A_974 = tpu.vector_load %arg9[%get3A_972, %get3A_973] {strides = array<i32>} : memref<400x64xf32, #tpu.memory_space<vmem>>, vector<16xf32>,
        %add3A_975 = arith.addf %scan3A_854, %get3A_974 : vector<16xf32>
        %mul3A_976 = arith.constant 2 : i32
        %mul3A_977 = arith.muli %mul3A_976, %scan3A_844 : i32
        %add3A_978 = arith.constant 100 : i32
        %add3A_979 = arith.addi %add3A_978, %mul3A_977 : i32
        %add3A_980 = arith.constant 0 : i32
        %add3A_981 = arith.addi %add3A_979, %add3A_980 : i32
        %get3A_982 = arith.index_cast %add3A_981 : i32 to index
        %get3A_983 = arith.constant 32 : index
        %get3A_984 = tpu.vector_load %arg9[%get3A_982, %get3A_983] {strides = array<i32>} : memref<400x64xf32, #tpu.memory_space<vmem>>, vector<16xf32>,
        %add3A_985 = arith.addf %scan3A_855, %get3A_984 : vector<16xf32>
        %mul3A_986 = arith.constant 2 : i32
        %mul3A_987 = arith.muli %mul3A_986, %scan3A_844 : i32
        %add3A_988 = arith.constant 100 : i32
        %add3A_989 = arith.addi %add3A_988, %mul3A_987 : i32
        %add3A_990 = arith.constant 0 : i32
        %add3A_991 = arith.addi %add3A_989, %add3A_990 : i32
        %get3A_992 = arith.index_cast %add3A_991 : i32 to index
        %get3A_993 = arith.constant 48 : index
        %get3A_994 = tpu.vector_load %arg9[%get3A_992, %get3A_993] {strides = array<i32>} : memref<400x64xf32, #tpu.memory_space<vmem>>, vector<16xf32>,
        %add3A_995 = arith.addf %scan3A_856, %get3A_994 : vector<16xf32>
        %mul3A_996 = arith.constant 2 : i32
        %mul3A_997 = arith.muli %mul3A_996, %scan3A_844 : i32
        %add3A_998 = arith.constant 150 : i32
        %add3A_999 = arith.addi %add3A_998, %mul3A_997 : i32
        %add3A_1000 = arith.constant 0 : i32
        %add3A_1001 = arith.addi %add3A_999, %add3A_1000 : i32
        %get3A_1002 = arith.index_cast %add3A_1001 : i32 to index
        %get3A_1003 = arith.constant 0 : index
        %get3A_1004 = tpu.vector_load %arg9[%get3A_1002, %get3A_1003] {strides = array<i32>} : memref<400x64xf32, #tpu.memory_space<vmem>>, vector<16xf32>,
        %add3A_1005 = arith.addf %scan3A_857, %get3A_1004 : vector<16xf32>
        %mul3A_1006 = arith.constant 2 : i32
        %mul3A_1007 = arith.muli %mul3A_1006, %scan3A_844 : i32
        %add3A_1008 = arith.constant 150 : i32
        %add3A_1009 = arith.addi %add3A_1008, %mul3A_1007 : i32
        %add3A_1010 = arith.constant 0 : i32
        %add3A_1011 = arith.addi %add3A_1009, %add3A_1010 : i32
        %get3A_1012 = arith.index_cast %add3A_1011 : i32 to index
        %get3A_1013 = arith.constant 16 : index
        %get3A_1014 = tpu.vector_load %arg9[%get3A_1012, %get3A_1013] {strides = array<i32>} : memref<400x64xf32, #tpu.memory_space<vmem>>, vector<16xf32>,
        %add3A_1015 = arith.addf %scan3A_858, %get3A_1014 : vector<16xf32>
        %mul3A_1016 = arith.constant 2 : i32
        %mul3A_1017 = arith.muli %mul3A_1016, %scan3A_844 : i32
        %add3A_1018 = arith.constant 150 : i32
        %add3A_1019 = arith.addi %add3A_1018, %mul3A_1017 : i32
        %add3A_1020 = arith.constant 0 : i32
        %add3A_1021 = arith.addi %add3A_1019, %add3A_1020 : i32
        %get3A_1022 = arith.index_cast %add3A_1021 : i32 to index
        %get3A_1023 = arith.constant 32 : index
        %get3A_1024 = tpu.vector_load %arg9[%get3A_1022, %get3A_1023] {strides = array<i32>} : memref<400x64xf32, #tpu.memory_space<vmem>>, vector<16xf32>,
        %add3A_1025 = arith.addf %scan3A_859, %get3A_1024 : vector<16xf32>
        %mul3A_1026 = arith.constant 2 : i32
        %mul3A_1027 = arith.muli %mul3A_1026, %scan3A_844 : i32
        %add3A_1028 = arith.constant 150 : i32
        %add3A_1029 = arith.addi %add3A_1028, %mul3A_1027 : i32
        %add3A_1030 = arith.constant 0 : i32
        %add3A_1031 = arith.addi %add3A_1029, %add3A_1030 : i32
        %get3A_1032 = arith.index_cast %add3A_1031 : i32 to index
        %get3A_1033 = arith.constant 48 : index
        %get3A_1034 = tpu.vector_load %arg9[%get3A_1032, %get3A_1033] {strides = array<i32>} : memref<400x64xf32, #tpu.memory_space<vmem>>, vector<16xf32>,
        %add3A_1035 = arith.addf %scan3A_860, %get3A_1034 : vector<16xf32>
        %mul3A_1036 = arith.constant 2 : i32
        %mul3A_1037 = arith.muli %mul3A_1036, %scan3A_844 : i32
        %add3A_1038 = arith.constant 200 : i32
        %add3A_1039 = arith.addi %add3A_1038, %mul3A_1037 : i32
        %add3A_1040 = arith.constant 0 : i32
        %add3A_1041 = arith.addi %add3A_1039, %add3A_1040 : i32
        %get3A_1042 = arith.index_cast %add3A_1041 : i32 to index
        %get3A_1043 = arith.constant 0 : index
        %get3A_1044 = tpu.vector_load %arg9[%get3A_1042, %get3A_1043] {strides = array<i32>} : memref<400x64xf32, #tpu.memory_space<vmem>>, vector<16xf32>,
        %add3A_1045 = arith.addf %scan3A_861, %get3A_1044 : vector<16xf32>
        %mul3A_1046 = arith.constant 2 : i32
        %mul3A_1047 = arith.muli %mul3A_1046, %scan3A_844 : i32
        %add3A_1048 = arith.constant 200 : i32
        %add3A_1049 = arith.addi %add3A_1048, %mul3A_1047 : i32
        %add3A_1050 = arith.constant 0 : i32
        %add3A_1051 = arith.addi %add3A_1049, %add3A_1050 : i32
        %get3A_1052 = arith.index_cast %add3A_1051 : i32 to index
        %get3A_1053 = arith.constant 16 : index
        %get3A_1054 = tpu.vector_load %arg9[%get3A_1052, %get3A_1053] {strides = array<i32>} : memref<400x64xf32, #tpu.memory_space<vmem>>, vector<16xf32>,
        %add3A_1055 = arith.addf %scan3A_862, %get3A_1054 : vector<16xf32>
        %mul3A_1056 = arith.constant 2 : i32
        %mul3A_1057 = arith.muli %mul3A_1056, %scan3A_844 : i32
        %add3A_1058 = arith.constant 200 : i32
        %add3A_1059 = arith.addi %add3A_1058, %mul3A_1057 : i32
        %add3A_1060 = arith.constant 0 : i32
        %add3A_1061 = arith.addi %add3A_1059, %add3A_1060 : i32
        %get3A_1062 = arith.index_cast %add3A_1061 : i32 to index
        %get3A_1063 = arith.constant 32 : index
        %get3A_1064 = tpu.vector_load %arg9[%get3A_1062, %get3A_1063] {strides = array<i32>} : memref<400x64xf32, #tpu.memory_space<vmem>>, vector<16xf32>,
        %add3A_1065 = arith.addf %scan3A_863, %get3A_1064 : vector<16xf32>
        %mul3A_1066 = arith.constant 2 : i32
        %mul3A_1067 = arith.muli %mul3A_1066, %scan3A_844 : i32
        %add3A_1068 = arith.constant 200 : i32
        %add3A_1069 = arith.addi %add3A_1068, %mul3A_1067 : i32
        %add3A_1070 = arith.constant 0 : i32
        %add3A_1071 = arith.addi %add3A_1069, %add3A_1070 : i32
        %get3A_1072 = arith.index_cast %add3A_1071 : i32 to index
        %get3A_1073 = arith.constant 48 : index
        %get3A_1074 = tpu.vector_load %arg9[%get3A_1072, %get3A_1073] {strides = array<i32>} : memref<400x64xf32, #tpu.memory_space<vmem>>, vector<16xf32>,
        %add3A_1075 = arith.addf %scan3A_864, %get3A_1074 : vector<16xf32>
        %mul3A_1076 = arith.constant 2 : i32
        %mul3A_1077 = arith.muli %mul3A_1076, %scan3A_844 : i32
        %add3A_1078 = arith.constant 250 : i32
        %add3A_1079 = arith.addi %add3A_1078, %mul3A_1077 : i32
        %add3A_1080 = arith.constant 0 : i32
        %add3A_1081 = arith.addi %add3A_1079, %add3A_1080 : i32
        %get3A_1082 = arith.index_cast %add3A_1081 : i32 to index
        %get3A_1083 = arith.constant 0 : index
        %get3A_1084 = tpu.vector_load %arg9[%get3A_1082, %get3A_1083] {strides = array<i32>} : memref<400x64xf32, #tpu.memory_space<vmem>>, vector<16xf32>,
        %add3A_1085 = arith.addf %scan3A_865, %get3A_1084 : vector<16xf32>
        %mul3A_1086 = arith.constant 2 : i32
        %mul3A_1087 = arith.muli %mul3A_1086, %scan3A_844 : i32
        %add3A_1088 = arith.constant 250 : i32
        %add3A_1089 = arith.addi %add3A_1088, %mul3A_1087 : i32
        %add3A_1090 = arith.constant 0 : i32
        %add3A_1091 = arith.addi %add3A_1089, %add3A_1090 : i32
        %get3A_1092 = arith.index_cast %add3A_1091 : i32 to index
        %get3A_1093 = arith.constant 16 : index
        %get3A_1094 = tpu.vector_load %arg9[%get3A_1092, %get3A_1093] {strides = array<i32>} : memref<400x64xf32, #tpu.memory_space<vmem>>, vector<16xf32>,
        %add3A_1095 = arith.addf %scan3A_866, %get3A_1094 : vector<16xf32>
        %mul3A_1096 = arith.constant 2 : i32
        %mul3A_1097 = arith.muli %mul3A_1096, %scan3A_844 : i32
        %add3A_1098 = arith.constant 250 : i32
        %add3A_1099 = arith.addi %add3A_1098, %mul3A_1097 : i32
        %add3A_1100 = arith.constant 0 : i32
        %add3A_1101 = arith.addi %add3A_1099, %add3A_1100 : i32
        %get3A_1102 = arith.index_cast %add3A_1101 : i32 to index
        %get3A_1103 = arith.constant 32 : index
        %get3A_1104 = tpu.vector_load %arg9[%get3A_1102, %get3A_1103] {strides = array<i32>} : memref<400x64xf32, #tpu.memory_space<vmem>>, vector<16xf32>,
        %add3A_1105 = arith.addf %scan3A_867, %get3A_1104 : vector<16xf32>
        %mul3A_1106 = arith.constant 2 : i32
        %mul3A_1107 = arith.muli %mul3A_1106, %scan3A_844 : i32
        %add3A_1108 = arith.constant 250 : i32
        %add3A_1109 = arith.addi %add3A_1108, %mul3A_1107 : i32
        %add3A_1110 = arith.constant 0 : i32
        %add3A_1111 = arith.addi %add3A_1109, %add3A_1110 : i32
        %get3A_1112 = arith.index_cast %add3A_1111 : i32 to index
        %get3A_1113 = arith.constant 48 : index
        %get3A_1114 = tpu.vector_load %arg9[%get3A_1112, %get3A_1113] {strides = array<i32>} : memref<400x64xf32, #tpu.memory_space<vmem>>, vector<16xf32>,
        %add3A_1115 = arith.addf %scan3A_868, %get3A_1114 : vector<16xf32>
        %mul3A_1116 = arith.constant 2 : i32
        %mul3A_1117 = arith.muli %mul3A_1116, %scan3A_844 : i32
        %add3A_1118 = arith.constant 300 : i32
        %add3A_1119 = arith.addi %add3A_1118, %mul3A_1117 : i32
        %add3A_1120 = arith.constant 0 : i32
        %add3A_1121 = arith.addi %add3A_1119, %add3A_1120 : i32
        %get3A_1122 = arith.index_cast %add3A_1121 : i32 to index
        %get3A_1123 = arith.constant 0 : index
        %get3A_1124 = tpu.vector_load %arg9[%get3A_1122, %get3A_1123] {strides = array<i32>} : memref<400x64xf32, #tpu.memory_space<vmem>>, vector<16xf32>,
        %add3A_1125 = arith.addf %scan3A_869, %get3A_1124 : vector<16xf32>
        %mul3A_1126 = arith.constant 2 : i32
        %mul3A_1127 = arith.muli %mul3A_1126, %scan3A_844 : i32
        %add3A_1128 = arith.constant 300 : i32
        %add3A_1129 = arith.addi %add3A_1128, %mul3A_1127 : i32
        %add3A_1130 = arith.constant 0 : i32
        %add3A_1131 = arith.addi %add3A_1129, %add3A_1130 : i32
        %get3A_1132 = arith.index_cast %add3A_1131 : i32 to index
        %get3A_1133 = arith.constant 16 : index
        %get3A_1134 = tpu.vector_load %arg9[%get3A_1132, %get3A_1133] {strides = array<i32>} : memref<400x64xf32, #tpu.memory_space<vmem>>, vector<16xf32>,
        %add3A_1135 = arith.addf %scan3A_870, %get3A_1134 : vector<16xf32>
        %mul3A_1136 = arith.constant 2 : i32
        %mul3A_1137 = arith.muli %mul3A_1136, %scan3A_844 : i32
        %add3A_1138 = arith.constant 300 : i32
        %add3A_1139 = arith.addi %add3A_1138, %mul3A_1137 : i32
        %add3A_1140 = arith.constant 0 : i32
        %add3A_1141 = arith.addi %add3A_1139, %add3A_1140 : i32
        %get3A_1142 = arith.index_cast %add3A_1141 : i32 to index
        %get3A_1143 = arith.constant 32 : index
        %get3A_1144 = tpu.vector_load %arg9[%get3A_1142, %get3A_1143] {strides = array<i32>} : memref<400x64xf32, #tpu.memory_space<vmem>>, vector<16xf32>,
        %add3A_1145 = arith.addf %scan3A_871, %get3A_1144 : vector<16xf32>
        %mul3A_1146 = arith.constant 2 : i32
        %mul3A_1147 = arith.muli %mul3A_1146, %scan3A_844 : i32
        %add3A_1148 = arith.constant 300 : i32
        %add3A_1149 = arith.addi %add3A_1148, %mul3A_1147 : i32
        %add3A_1150 = arith.constant 0 : i32
        %add3A_1151 = arith.addi %add3A_1149, %add3A_1150 : i32
        %get3A_1152 = arith.index_cast %add3A_1151 : i32 to index
        %get3A_1153 = arith.constant 48 : index
        %get3A_1154 = tpu.vector_load %arg9[%get3A_1152, %get3A_1153] {strides = array<i32>} : memref<400x64xf32, #tpu.memory_space<vmem>>, vector<16xf32>,
        %add3A_1155 = arith.addf %scan3A_872, %get3A_1154 : vector<16xf32>
        %mul3A_1156 = arith.constant 2 : i32
        %mul3A_1157 = arith.muli %mul3A_1156, %scan3A_844 : i32
        %add3A_1158 = arith.constant 350 : i32
        %add3A_1159 = arith.addi %add3A_1158, %mul3A_1157 : i32
        %add3A_1160 = arith.constant 0 : i32
        %add3A_1161 = arith.addi %add3A_1159, %add3A_1160 : i32
        %get3A_1162 = arith.index_cast %add3A_1161 : i32 to index
        %get3A_1163 = arith.constant 0 : index
        %get3A_1164 = tpu.vector_load %arg9[%get3A_1162, %get3A_1163] {strides = array<i32>} : memref<400x64xf32, #tpu.memory_space<vmem>>, vector<16xf32>,
        %add3A_1165 = arith.addf %scan3A_873, %get3A_1164 : vector<16xf32>
        %mul3A_1166 = arith.constant 2 : i32
        %mul3A_1167 = arith.muli %mul3A_1166, %scan3A_844 : i32
        %add3A_1168 = arith.constant 350 : i32
        %add3A_1169 = arith.addi %add3A_1168, %mul3A_1167 : i32
        %add3A_1170 = arith.constant 0 : i32
        %add3A_1171 = arith.addi %add3A_1169, %add3A_1170 : i32
        %get3A_1172 = arith.index_cast %add3A_1171 : i32 to index
        %get3A_1173 = arith.constant 16 : index
        %get3A_1174 = tpu.vector_load %arg9[%get3A_1172, %get3A_1173] {strides = array<i32>} : memref<400x64xf32, #tpu.memory_space<vmem>>, vector<16xf32>,
        %add3A_1175 = arith.addf %scan3A_874, %get3A_1174 : vector<16xf32>
        %mul3A_1176 = arith.constant 2 : i32
        %mul3A_1177 = arith.muli %mul3A_1176, %scan3A_844 : i32
        %add3A_1178 = arith.constant 350 : i32
        %add3A_1179 = arith.addi %add3A_1178, %mul3A_1177 : i32
        %add3A_1180 = arith.constant 0 : i32
        %add3A_1181 = arith.addi %add3A_1179, %add3A_1180 : i32
        %get3A_1182 = arith.index_cast %add3A_1181 : i32 to index
        %get3A_1183 = arith.constant 32 : index
        %get3A_1184 = tpu.vector_load %arg9[%get3A_1182, %get3A_1183] {strides = array<i32>} : memref<400x64xf32, #tpu.memory_space<vmem>>, vector<16xf32>,
        %add3A_1185 = arith.addf %scan3A_875, %get3A_1184 : vector<16xf32>
        %mul3A_1186 = arith.constant 2 : i32
        %mul3A_1187 = arith.muli %mul3A_1186, %scan3A_844 : i32
        %add3A_1188 = arith.constant 350 : i32
        %add3A_1189 = arith.addi %add3A_1188, %mul3A_1187 : i32
        %add3A_1190 = arith.constant 0 : i32
        %add3A_1191 = arith.addi %add3A_1189, %add3A_1190 : i32
        %get3A_1192 = arith.index_cast %add3A_1191 : i32 to index
        %get3A_1193 = arith.constant 48 : index
        %get3A_1194 = tpu.vector_load %arg9[%get3A_1192, %get3A_1193] {strides = array<i32>} : memref<400x64xf32, #tpu.memory_space<vmem>>, vector<16xf32>,
        %add3A_1195 = arith.addf %scan3A_876, %get3A_1194 : vector<16xf32>
        %mul3A_1196 = arith.constant 2 : i32
        %mul3A_1197 = arith.muli %mul3A_1196, %scan3A_844 : i32
        %add3A_1198 = arith.constant 0 : i32
        %add3A_1199 = arith.addi %add3A_1198, %mul3A_1197 : i32
        %add3A_1200 = arith.constant 1 : i32
        %add3A_1201 = arith.addi %add3A_1199, %add3A_1200 : i32
        %get3A_1202 = arith.index_cast %add3A_1201 : i32 to index
        %get3A_1203 = arith.constant 0 : index
        %get3A_1204 = tpu.vector_load %arg9[%get3A_1202, %get3A_1203] {strides = array<i32>} : memref<400x64xf32, #tpu.memory_space<vmem>>, vector<16xf32>,
        %add3A_1205 = arith.addf %add3A_885, %get3A_1204 : vector<16xf32>
        %mul3A_1206 = arith.constant 2 : i32
        %mul3A_1207 = arith.muli %mul3A_1206, %scan3A_844 : i32
        %add3A_1208 = arith.constant 0 : i32
        %add3A_1209 = arith.addi %add3A_1208, %mul3A_1207 : i32
        %add3A_1210 = arith.constant 1 : i32
        %add3A_1211 = arith.addi %add3A_1209, %add3A_1210 : i32
        %get3A_1212 = arith.index_cast %add3A_1211 : i32 to index
        %get3A_1213 = arith.constant 16 : index
        %get3A_1214 = tpu.vector_load %arg9[%get3A_1212, %get3A_1213] {strides = array<i32>} : memref<400x64xf32, #tpu.memory_space<vmem>>, vector<16xf32>,
        %add3A_1215 = arith.addf %add3A_895, %get3A_1214 : vector<16xf32>
        %mul3A_1216 = arith.constant 2 : i32
        %mul3A_1217 = arith.muli %mul3A_1216, %scan3A_844 : i32
        %add3A_1218 = arith.constant 0 : i32
        %add3A_1219 = arith.addi %add3A_1218, %mul3A_1217 : i32
        %add3A_1220 = arith.constant 1 : i32
        %add3A_1221 = arith.addi %add3A_1219, %add3A_1220 : i32
        %get3A_1222 = arith.index_cast %add3A_1221 : i32 to index
        %get3A_1223 = arith.constant 32 : index
        %get3A_1224 = tpu.vector_load %arg9[%get3A_1222, %get3A_1223] {strides = array<i32>} : memref<400x64xf32, #tpu.memory_space<vmem>>, vector<16xf32>,
        %add3A_1225 = arith.addf %add3A_905, %get3A_1224 : vector<16xf32>
        %mul3A_1226 = arith.constant 2 : i32
        %mul3A_1227 = arith.muli %mul3A_1226, %scan3A_844 : i32
        %add3A_1228 = arith.constant 0 : i32
        %add3A_1229 = arith.addi %add3A_1228, %mul3A_1227 : i32
        %add3A_1230 = arith.constant 1 : i32
        %add3A_1231 = arith.addi %add3A_1229, %add3A_1230 : i32
        %get3A_1232 = arith.index_cast %add3A_1231 : i32 to index
        %get3A_1233 = arith.constant 48 : index
        %get3A_1234 = tpu.vector_load %arg9[%get3A_1232, %get3A_1233] {strides = array<i32>} : memref<400x64xf32, #tpu.memory_space<vmem>>, vector<16xf32>,
        %add3A_1235 = arith.addf %add3A_915, %get3A_1234 : vector<16xf32>
        %mul3A_1236 = arith.constant 2 : i32
        %mul3A_1237 = arith.muli %mul3A_1236, %scan3A_844 : i32
        %add3A_1238 = arith.constant 50 : i32
        %add3A_1239 = arith.addi %add3A_1238, %mul3A_1237 : i32
        %add3A_1240 = arith.constant 1 : i32
        %add3A_1241 = arith.addi %add3A_1239, %add3A_1240 : i32
        %get3A_1242 = arith.index_cast %add3A_1241 : i32 to index
        %get3A_1243 = arith.constant 0 : index
        %get3A_1244 = tpu.vector_load %arg9[%get3A_1242, %get3A_1243] {strides = array<i32>} : memref<400x64xf32, #tpu.memory_space<vmem>>, vector<16xf32>,
        %add3A_1245 = arith.addf %add3A_925, %get3A_1244 : vector<16xf32>
        %mul3A_1246 = arith.constant 2 : i32
        %mul3A_1247 = arith.muli %mul3A_1246, %scan3A_844 : i32
        %add3A_1248 = arith.constant 50 : i32
        %add3A_1249 = arith.addi %add3A_1248, %mul3A_1247 : i32
        %add3A_1250 = arith.constant 1 : i32
        %add3A_1251 = arith.addi %add3A_1249, %add3A_1250 : i32
        %get3A_1252 = arith.index_cast %add3A_1251 : i32 to index
        %get3A_1253 = arith.constant 16 : index
        %get3A_1254 = tpu.vector_load %arg9[%get3A_1252, %get3A_1253] {strides = array<i32>} : memref<400x64xf32, #tpu.memory_space<vmem>>, vector<16xf32>,
        %add3A_1255 = arith.addf %add3A_935, %get3A_1254 : vector<16xf32>
        %mul3A_1256 = arith.constant 2 : i32
        %mul3A_1257 = arith.muli %mul3A_1256, %scan3A_844 : i32
        %add3A_1258 = arith.constant 50 : i32
        %add3A_1259 = arith.addi %add3A_1258, %mul3A_1257 : i32
        %add3A_1260 = arith.constant 1 : i32
        %add3A_1261 = arith.addi %add3A_1259, %add3A_1260 : i32
        %get3A_1262 = arith.index_cast %add3A_1261 : i32 to index
        %get3A_1263 = arith.constant 32 : index
        %get3A_1264 = tpu.vector_load %arg9[%get3A_1262, %get3A_1263] {strides = array<i32>} : memref<400x64xf32, #tpu.memory_space<vmem>>, vector<16xf32>,
        %add3A_1265 = arith.addf %add3A_945, %get3A_1264 : vector<16xf32>
        %mul3A_1266 = arith.constant 2 : i32
        %mul3A_1267 = arith.muli %mul3A_1266, %scan3A_844 : i32
        %add3A_1268 = arith.constant 50 : i32
        %add3A_1269 = arith.addi %add3A_1268, %mul3A_1267 : i32
        %add3A_1270 = arith.constant 1 : i32
        %add3A_1271 = arith.addi %add3A_1269, %add3A_1270 : i32
        %get3A_1272 = arith.index_cast %add3A_1271 : i32 to index
        %get3A_1273 = arith.constant 48 : index
        %get3A_1274 = tpu.vector_load %arg9[%get3A_1272, %get3A_1273] {strides = array<i32>} : memref<400x64xf32, #tpu.memory_space<vmem>>, vector<16xf32>,
        %add3A_1275 = arith.addf %add3A_955, %get3A_1274 : vector<16xf32>
        %mul3A_1276 = arith.constant 2 : i32
        %mul3A_1277 = arith.muli %mul3A_1276, %scan3A_844 : i32
        %add3A_1278 = arith.constant 100 : i32
        %add3A_1279 = arith.addi %add3A_1278, %mul3A_1277 : i32
        %add3A_1280 = arith.constant 1 : i32
        %add3A_1281 = arith.addi %add3A_1279, %add3A_1280 : i32
        %get3A_1282 = arith.index_cast %add3A_1281 : i32 to index
        %get3A_1283 = arith.constant 0 : index
        %get3A_1284 = tpu.vector_load %arg9[%get3A_1282, %get3A_1283] {strides = array<i32>} : memref<400x64xf32, #tpu.memory_space<vmem>>, vector<16xf32>,
        %add3A_1285 = arith.addf %add3A_965, %get3A_1284 : vector<16xf32>
        %mul3A_1286 = arith.constant 2 : i32
        %mul3A_1287 = arith.muli %mul3A_1286, %scan3A_844 : i32
        %add3A_1288 = arith.constant 100 : i32
        %add3A_1289 = arith.addi %add3A_1288, %mul3A_1287 : i32
        %add3A_1290 = arith.constant 1 : i32
        %add3A_1291 = arith.addi %add3A_1289, %add3A_1290 : i32
        %get3A_1292 = arith.index_cast %add3A_1291 : i32 to index
        %get3A_1293 = arith.constant 16 : index
        %get3A_1294 = tpu.vector_load %arg9[%get3A_1292, %get3A_1293] {strides = array<i32>} : memref<400x64xf32, #tpu.memory_space<vmem>>, vector<16xf32>,
        %add3A_1295 = arith.addf %add3A_975, %get3A_1294 : vector<16xf32>
        %mul3A_1296 = arith.constant 2 : i32
        %mul3A_1297 = arith.muli %mul3A_1296, %scan3A_844 : i32
        %add3A_1298 = arith.constant 100 : i32
        %add3A_1299 = arith.addi %add3A_1298, %mul3A_1297 : i32
        %add3A_1300 = arith.constant 1 : i32
        %add3A_1301 = arith.addi %add3A_1299, %add3A_1300 : i32
        %get3A_1302 = arith.index_cast %add3A_1301 : i32 to index
        %get3A_1303 = arith.constant 32 : index
        %get3A_1304 = tpu.vector_load %arg9[%get3A_1302, %get3A_1303] {strides = array<i32>} : memref<400x64xf32, #tpu.memory_space<vmem>>, vector<16xf32>,
        %add3A_1305 = arith.addf %add3A_985, %get3A_1304 : vector<16xf32>
        %mul3A_1306 = arith.constant 2 : i32
        %mul3A_1307 = arith.muli %mul3A_1306, %scan3A_844 : i32
        %add3A_1308 = arith.constant 100 : i32
        %add3A_1309 = arith.addi %add3A_1308, %mul3A_1307 : i32
        %add3A_1310 = arith.constant 1 : i32
        %add3A_1311 = arith.addi %add3A_1309, %add3A_1310 : i32
        %get3A_1312 = arith.index_cast %add3A_1311 : i32 to index
        %get3A_1313 = arith.constant 48 : index
        %get3A_1314 = tpu.vector_load %arg9[%get3A_1312, %get3A_1313] {strides = array<i32>} : memref<400x64xf32, #tpu.memory_space<vmem>>, vector<16xf32>,
        %add3A_1315 = arith.addf %add3A_995, %get3A_1314 : vector<16xf32>
        %mul3A_1316 = arith.constant 2 : i32
        %mul3A_1317 = arith.muli %mul3A_1316, %scan3A_844 : i32
        %add3A_1318 = arith.constant 150 : i32
        %add3A_1319 = arith.addi %add3A_1318, %mul3A_1317 : i32
        %add3A_1320 = arith.constant 1 : i32
        %add3A_1321 = arith.addi %add3A_1319, %add3A_1320 : i32
        %get3A_1322 = arith.index_cast %add3A_1321 : i32 to index
        %get3A_1323 = arith.constant 0 : index
        %get3A_1324 = tpu.vector_load %arg9[%get3A_1322, %get3A_1323] {strides = array<i32>} : memref<400x64xf32, #tpu.memory_space<vmem>>, vector<16xf32>,
        %add3A_1325 = arith.addf %add3A_1005, %get3A_1324 : vector<16xf32>
        %mul3A_1326 = arith.constant 2 : i32
        %mul3A_1327 = arith.muli %mul3A_1326, %scan3A_844 : i32
        %add3A_1328 = arith.constant 150 : i32
        %add3A_1329 = arith.addi %add3A_1328, %mul3A_1327 : i32
        %add3A_1330 = arith.constant 1 : i32
        %add3A_1331 = arith.addi %add3A_1329, %add3A_1330 : i32
        %get3A_1332 = arith.index_cast %add3A_1331 : i32 to index
        %get3A_1333 = arith.constant 16 : index
        %get3A_1334 = tpu.vector_load %arg9[%get3A_1332, %get3A_1333] {strides = array<i32>} : memref<400x64xf32, #tpu.memory_space<vmem>>, vector<16xf32>,
        %add3A_1335 = arith.addf %add3A_1015, %get3A_1334 : vector<16xf32>
        %mul3A_1336 = arith.constant 2 : i32
        %mul3A_1337 = arith.muli %mul3A_1336, %scan3A_844 : i32
        %add3A_1338 = arith.constant 150 : i32
        %add3A_1339 = arith.addi %add3A_1338, %mul3A_1337 : i32
        %add3A_1340 = arith.constant 1 : i32
        %add3A_1341 = arith.addi %add3A_1339, %add3A_1340 : i32
        %get3A_1342 = arith.index_cast %add3A_1341 : i32 to index
        %get3A_1343 = arith.constant 32 : index
        %get3A_1344 = tpu.vector_load %arg9[%get3A_1342, %get3A_1343] {strides = array<i32>} : memref<400x64xf32, #tpu.memory_space<vmem>>, vector<16xf32>,
        %add3A_1345 = arith.addf %add3A_1025, %get3A_1344 : vector<16xf32>
        %mul3A_1346 = arith.constant 2 : i32
        %mul3A_1347 = arith.muli %mul3A_1346, %scan3A_844 : i32
        %add3A_1348 = arith.constant 150 : i32
        %add3A_1349 = arith.addi %add3A_1348, %mul3A_1347 : i32
        %add3A_1350 = arith.constant 1 : i32
        %add3A_1351 = arith.addi %add3A_1349, %add3A_1350 : i32
        %get3A_1352 = arith.index_cast %add3A_1351 : i32 to index
        %get3A_1353 = arith.constant 48 : index
        %get3A_1354 = tpu.vector_load %arg9[%get3A_1352, %get3A_1353] {strides = array<i32>} : memref<400x64xf32, #tpu.memory_space<vmem>>, vector<16xf32>,
        %add3A_1355 = arith.addf %add3A_1035, %get3A_1354 : vector<16xf32>
        %mul3A_1356 = arith.constant 2 : i32
        %mul3A_1357 = arith.muli %mul3A_1356, %scan3A_844 : i32
        %add3A_1358 = arith.constant 200 : i32
        %add3A_1359 = arith.addi %add3A_1358, %mul3A_1357 : i32
        %add3A_1360 = arith.constant 1 : i32
        %add3A_1361 = arith.addi %add3A_1359, %add3A_1360 : i32
        %get3A_1362 = arith.index_cast %add3A_1361 : i32 to index
        %get3A_1363 = arith.constant 0 : index
        %get3A_1364 = tpu.vector_load %arg9[%get3A_1362, %get3A_1363] {strides = array<i32>} : memref<400x64xf32, #tpu.memory_space<vmem>>, vector<16xf32>,
        %add3A_1365 = arith.addf %add3A_1045, %get3A_1364 : vector<16xf32>
        %mul3A_1366 = arith.constant 2 : i32
        %mul3A_1367 = arith.muli %mul3A_1366, %scan3A_844 : i32
        %add3A_1368 = arith.constant 200 : i32
        %add3A_1369 = arith.addi %add3A_1368, %mul3A_1367 : i32
        %add3A_1370 = arith.constant 1 : i32
        %add3A_1371 = arith.addi %add3A_1369, %add3A_1370 : i32
        %get3A_1372 = arith.index_cast %add3A_1371 : i32 to index
        %get3A_1373 = arith.constant 16 : index
        %get3A_1374 = tpu.vector_load %arg9[%get3A_1372, %get3A_1373] {strides = array<i32>} : memref<400x64xf32, #tpu.memory_space<vmem>>, vector<16xf32>,
        %add3A_1375 = arith.addf %add3A_1055, %get3A_1374 : vector<16xf32>
        %mul3A_1376 = arith.constant 2 : i32
        %mul3A_1377 = arith.muli %mul3A_1376, %scan3A_844 : i32
        %add3A_1378 = arith.constant 200 : i32
        %add3A_1379 = arith.addi %add3A_1378, %mul3A_1377 : i32
        %add3A_1380 = arith.constant 1 : i32
        %add3A_1381 = arith.addi %add3A_1379, %add3A_1380 : i32
        %get3A_1382 = arith.index_cast %add3A_1381 : i32 to index
        %get3A_1383 = arith.constant 32 : index
        %get3A_1384 = tpu.vector_load %arg9[%get3A_1382, %get3A_1383] {strides = array<i32>} : memref<400x64xf32, #tpu.memory_space<vmem>>, vector<16xf32>,
        %add3A_1385 = arith.addf %add3A_1065, %get3A_1384 : vector<16xf32>
        %mul3A_1386 = arith.constant 2 : i32
        %mul3A_1387 = arith.muli %mul3A_1386, %scan3A_844 : i32
        %add3A_1388 = arith.constant 200 : i32
        %add3A_1389 = arith.addi %add3A_1388, %mul3A_1387 : i32
        %add3A_1390 = arith.constant 1 : i32
        %add3A_1391 = arith.addi %add3A_1389, %add3A_1390 : i32
        %get3A_1392 = arith.index_cast %add3A_1391 : i32 to index
        %get3A_1393 = arith.constant 48 : index
        %get3A_1394 = tpu.vector_load %arg9[%get3A_1392, %get3A_1393] {strides = array<i32>} : memref<400x64xf32, #tpu.memory_space<vmem>>, vector<16xf32>,
        %add3A_1395 = arith.addf %add3A_1075, %get3A_1394 : vector<16xf32>
        %mul3A_1396 = arith.constant 2 : i32
        %mul3A_1397 = arith.muli %mul3A_1396, %scan3A_844 : i32
        %add3A_1398 = arith.constant 250 : i32
        %add3A_1399 = arith.addi %add3A_1398, %mul3A_1397 : i32
        %add3A_1400 = arith.constant 1 : i32
        %add3A_1401 = arith.addi %add3A_1399, %add3A_1400 : i32
        %get3A_1402 = arith.index_cast %add3A_1401 : i32 to index
        %get3A_1403 = arith.constant 0 : index
        %get3A_1404 = tpu.vector_load %arg9[%get3A_1402, %get3A_1403] {strides = array<i32>} : memref<400x64xf32, #tpu.memory_space<vmem>>, vector<16xf32>,
        %add3A_1405 = arith.addf %add3A_1085, %get3A_1404 : vector<16xf32>
        %mul3A_1406 = arith.constant 2 : i32
        %mul3A_1407 = arith.muli %mul3A_1406, %scan3A_844 : i32
        %add3A_1408 = arith.constant 250 : i32
        %add3A_1409 = arith.addi %add3A_1408, %mul3A_1407 : i32
        %add3A_1410 = arith.constant 1 : i32
        %add3A_1411 = arith.addi %add3A_1409, %add3A_1410 : i32
        %get3A_1412 = arith.index_cast %add3A_1411 : i32 to index
        %get3A_1413 = arith.constant 16 : index
        %get3A_1414 = tpu.vector_load %arg9[%get3A_1412, %get3A_1413] {strides = array<i32>} : memref<400x64xf32, #tpu.memory_space<vmem>>, vector<16xf32>,
        %add3A_1415 = arith.addf %add3A_1095, %get3A_1414 : vector<16xf32>
        %mul3A_1416 = arith.constant 2 : i32
        %mul3A_1417 = arith.muli %mul3A_1416, %scan3A_844 : i32
        %add3A_1418 = arith.constant 250 : i32
        %add3A_1419 = arith.addi %add3A_1418, %mul3A_1417 : i32
        %add3A_1420 = arith.constant 1 : i32
        %add3A_1421 = arith.addi %add3A_1419, %add3A_1420 : i32
        %get3A_1422 = arith.index_cast %add3A_1421 : i32 to index
        %get3A_1423 = arith.constant 32 : index
        %get3A_1424 = tpu.vector_load %arg9[%get3A_1422, %get3A_1423] {strides = array<i32>} : memref<400x64xf32, #tpu.memory_space<vmem>>, vector<16xf32>,
        %add3A_1425 = arith.addf %add3A_1105, %get3A_1424 : vector<16xf32>
        %mul3A_1426 = arith.constant 2 : i32
        %mul3A_1427 = arith.muli %mul3A_1426, %scan3A_844 : i32
        %add3A_1428 = arith.constant 250 : i32
        %add3A_1429 = arith.addi %add3A_1428, %mul3A_1427 : i32
        %add3A_1430 = arith.constant 1 : i32
        %add3A_1431 = arith.addi %add3A_1429, %add3A_1430 : i32
        %get3A_1432 = arith.index_cast %add3A_1431 : i32 to index
        %get3A_1433 = arith.constant 48 : index
        %get3A_1434 = tpu.vector_load %arg9[%get3A_1432, %get3A_1433] {strides = array<i32>} : memref<400x64xf32, #tpu.memory_space<vmem>>, vector<16xf32>,
        %add3A_1435 = arith.addf %add3A_1115, %get3A_1434 : vector<16xf32>
        %mul3A_1436 = arith.constant 2 : i32
        %mul3A_1437 = arith.muli %mul3A_1436, %scan3A_844 : i32
        %add3A_1438 = arith.constant 300 : i32
        %add3A_1439 = arith.addi %add3A_1438, %mul3A_1437 : i32
        %add3A_1440 = arith.constant 1 : i32
        %add3A_1441 = arith.addi %add3A_1439, %add3A_1440 : i32
        %get3A_1442 = arith.index_cast %add3A_1441 : i32 to index
        %get3A_1443 = arith.constant 0 : index
        %get3A_1444 = tpu.vector_load %arg9[%get3A_1442, %get3A_1443] {strides = array<i32>} : memref<400x64xf32, #tpu.memory_space<vmem>>, vector<16xf32>,
        %add3A_1445 = arith.addf %add3A_1125, %get3A_1444 : vector<16xf32>
        %mul3A_1446 = arith.constant 2 : i32
        %mul3A_1447 = arith.muli %mul3A_1446, %scan3A_844 : i32
        %add3A_1448 = arith.constant 300 : i32
        %add3A_1449 = arith.addi %add3A_1448, %mul3A_1447 : i32
        %add3A_1450 = arith.constant 1 : i32
        %add3A_1451 = arith.addi %add3A_1449, %add3A_1450 : i32
        %get3A_1452 = arith.index_cast %add3A_1451 : i32 to index
        %get3A_1453 = arith.constant 16 : index
        %get3A_1454 = tpu.vector_load %arg9[%get3A_1452, %get3A_1453] {strides = array<i32>} : memref<400x64xf32, #tpu.memory_space<vmem>>, vector<16xf32>,
        %add3A_1455 = arith.addf %add3A_1135, %get3A_1454 : vector<16xf32>
        %mul3A_1456 = arith.constant 2 : i32
        %mul3A_1457 = arith.muli %mul3A_1456, %scan3A_844 : i32
        %add3A_1458 = arith.constant 300 : i32
        %add3A_1459 = arith.addi %add3A_1458, %mul3A_1457 : i32
        %add3A_1460 = arith.constant 1 : i32
        %add3A_1461 = arith.addi %add3A_1459, %add3A_1460 : i32
        %get3A_1462 = arith.index_cast %add3A_1461 : i32 to index
        %get3A_1463 = arith.constant 32 : index
        %get3A_1464 = tpu.vector_load %arg9[%get3A_1462, %get3A_1463] {strides = array<i32>} : memref<400x64xf32, #tpu.memory_space<vmem>>, vector<16xf32>,
        %add3A_1465 = arith.addf %add3A_1145, %get3A_1464 : vector<16xf32>
        %mul3A_1466 = arith.constant 2 : i32
        %mul3A_1467 = arith.muli %mul3A_1466, %scan3A_844 : i32
        %add3A_1468 = arith.constant 300 : i32
        %add3A_1469 = arith.addi %add3A_1468, %mul3A_1467 : i32
        %add3A_1470 = arith.constant 1 : i32
        %add3A_1471 = arith.addi %add3A_1469, %add3A_1470 : i32
        %get3A_1472 = arith.index_cast %add3A_1471 : i32 to index
        %get3A_1473 = arith.constant 48 : index
        %get3A_1474 = tpu.vector_load %arg9[%get3A_1472, %get3A_1473] {strides = array<i32>} : memref<400x64xf32, #tpu.memory_space<vmem>>, vector<16xf32>,
        %add3A_1475 = arith.addf %add3A_1155, %get3A_1474 : vector<16xf32>
        %mul3A_1476 = arith.constant 2 : i32
        %mul3A_1477 = arith.muli %mul3A_1476, %scan3A_844 : i32
        %add3A_1478 = arith.constant 350 : i32
        %add3A_1479 = arith.addi %add3A_1478, %mul3A_1477 : i32
        %add3A_1480 = arith.constant 1 : i32
        %add3A_1481 = arith.addi %add3A_1479, %add3A_1480 : i32
        %get3A_1482 = arith.index_cast %add3A_1481 : i32 to index
        %get3A_1483 = arith.constant 0 : index
        %get3A_1484 = tpu.vector_load %arg9[%get3A_1482, %get3A_1483] {strides = array<i32>} : memref<400x64xf32, #tpu.memory_space<vmem>>, vector<16xf32>,
        %add3A_1485 = arith.addf %add3A_1165, %get3A_1484 : vector<16xf32>
        %mul3A_1486 = arith.constant 2 : i32
        %mul3A_1487 = arith.muli %mul3A_1486, %scan3A_844 : i32
        %add3A_1488 = arith.constant 350 : i32
        %add3A_1489 = arith.addi %add3A_1488, %mul3A_1487 : i32
        %add3A_1490 = arith.constant 1 : i32
        %add3A_1491 = arith.addi %add3A_1489, %add3A_1490 : i32
        %get3A_1492 = arith.index_cast %add3A_1491 : i32 to index
        %get3A_1493 = arith.constant 16 : index
        %get3A_1494 = tpu.vector_load %arg9[%get3A_1492, %get3A_1493] {strides = array<i32>} : memref<400x64xf32, #tpu.memory_space<vmem>>, vector<16xf32>,
        %add3A_1495 = arith.addf %add3A_1175, %get3A_1494 : vector<16xf32>
        %mul3A_1496 = arith.constant 2 : i32
        %mul3A_1497 = arith.muli %mul3A_1496, %scan3A_844 : i32
        %add3A_1498 = arith.constant 350 : i32
        %add3A_1499 = arith.addi %add3A_1498, %mul3A_1497 : i32
        %add3A_1500 = arith.constant 1 : i32
        %add3A_1501 = arith.addi %add3A_1499, %add3A_1500 : i32
        %get3A_1502 = arith.index_cast %add3A_1501 : i32 to index
        %get3A_1503 = arith.constant 32 : index
        %get3A_1504 = tpu.vector_load %arg9[%get3A_1502, %get3A_1503] {strides = array<i32>} : memref<400x64xf32, #tpu.memory_space<vmem>>, vector<16xf32>,
        %add3A_1505 = arith.addf %add3A_1185, %get3A_1504 : vector<16xf32>
        %mul3A_1506 = arith.constant 2 : i32
        %mul3A_1507 = arith.muli %mul3A_1506, %scan3A_844 : i32
        %add3A_1508 = arith.constant 350 : i32
        %add3A_1509 = arith.addi %add3A_1508, %mul3A_1507 : i32
        %add3A_1510 = arith.constant 1 : i32
        %add3A_1511 = arith.addi %add3A_1509, %add3A_1510 : i32
        %get3A_1512 = arith.index_cast %add3A_1511 : i32 to index
        %get3A_1513 = arith.constant 48 : index
        %get3A_1514 = tpu.vector_load %arg9[%get3A_1512, %get3A_1513] {strides = array<i32>} : memref<400x64xf32, #tpu.memory_space<vmem>>, vector<16xf32>,
        %add3A_1515 = arith.addf %add3A_1195, %get3A_1514 : vector<16xf32>
        scf.yield %add3A_1205, %add3A_1215, %add3A_1225, %add3A_1235, %add3A_1245, %add3A_1255, %add3A_1265, %add3A_1275, %add3A_1285, %add3A_1295, %add3A_1305, %add3A_1315, %add3A_1325, %add3A_1335, %add3A_1345, %add3A_1355, %add3A_1365, %add3A_1375, %add3A_1385, %add3A_1395, %add3A_1405, %add3A_1415, %add3A_1425, %add3A_1435, %add3A_1445, %add3A_1455, %add3A_1465, %add3A_1475, %add3A_1485, %add3A_1495, %add3A_1505, %add3A_1515 : vector<16xf32>, vector<16xf32>, vector<16xf32>, vector<16xf32>, vector<16xf32>, vector<16xf32>, vector<16xf32>, vector<16xf32>, vector<16xf32>, vector<16xf32>, vector<16xf32>, vector<16xf32>, vector<16xf32>, vector<16xf32>, vector<16xf32>, vector<16xf32>, vector<16xf32>, vector<16xf32>, vector<16xf32>, vector<16xf32>, vector<16xf32>, vector<16xf32>, vector<16xf32>, vector<16xf32>, vector<16xf32>, vector<16xf32>, vector<16xf32>, vector<16xf32>, vector<16xf32>, vector<16xf32>, vector<16xf32>, vector<16xf32>
      }
      %scan3A_551 = arith.constant 25 : i32
      %mul3A_552 = arith.constant 8 : i32
      %mul3A_553 = arith.muli %mul3A_552, %add3A_481 : i32
      %add3A_554 = arith.constant 0 : i32
      %add3A_555 = arith.addi %mul3A_553, %add3A_554 : i32
      %swap3A_556 = arith.index_cast %add3A_555 : i32 to index
      %swap3A_557 = arith.constant 0 : index
      %swap3A_558 = tpu.vector_load %arg12[%swap3A_556, %swap3A_557] {strides = array<i32>} : memref<128x64xf32, #tpu.memory_space<vmem>>, vector<16xf32>,
      tpu.vector_store %arg12[%swap3A_556, %swap3A_557], %scan3A_550#0 {strides = array<i32>} : memref<128x64xf32, #tpu.memory_space<vmem>>, vector<16xf32>,
      %mul3A_559 = arith.constant 8 : i32
      %mul3A_560 = arith.muli %mul3A_559, %add3A_481 : i32
      %add3A_561 = arith.constant 0 : i32
      %add3A_562 = arith.addi %mul3A_560, %add3A_561 : i32
      %swap3A_563 = arith.index_cast %add3A_562 : i32 to index
      %swap3A_564 = arith.constant 16 : index
      %swap3A_565 = tpu.vector_load %arg12[%swap3A_563, %swap3A_564] {strides = array<i32>} : memref<128x64xf32, #tpu.memory_space<vmem>>, vector<16xf32>,
      tpu.vector_store %arg12[%swap3A_563, %swap3A_564], %scan3A_550#1 {strides = array<i32>} : memref<128x64xf32, #tpu.memory_space<vmem>>, vector<16xf32>,
      %mul3A_566 = arith.constant 8 : i32
      %mul3A_567 = arith.muli %mul3A_566, %add3A_481 : i32
      %add3A_568 = arith.constant 0 : i32
      %add3A_569 = arith.addi %mul3A_567, %add3A_568 : i32
      %swap3A_570 = arith.index_cast %add3A_569 : i32 to index
      %swap3A_571 = arith.constant 32 : index
      %swap3A_572 = tpu.vector_load %arg12[%swap3A_570, %swap3A_571] {strides = array<i32>} : memref<128x64xf32, #tpu.memory_space<vmem>>, vector<16xf32>,
      tpu.vector_store %arg12[%swap3A_570, %swap3A_571], %scan3A_550#2 {strides = array<i32>} : memref<128x64xf32, #tpu.memory_space<vmem>>, vector<16xf32>,
      %mul3A_573 = arith.constant 8 : i32
      %mul3A_574 = arith.muli %mul3A_573, %add3A_481 : i32
      %add3A_575 = arith.constant 0 : i32
      %add3A_576 = arith.addi %mul3A_574, %add3A_575 : i32
      %swap3A_577 = arith.index_cast %add3A_576 : i32 to index
      %swap3A_578 = arith.constant 48 : index
      %swap3A_579 = tpu.vector_load %arg12[%swap3A_577, %swap3A_578] {strides = array<i32>} : memref<128x64xf32, #tpu.memory_space<vmem>>, vector<16xf32>,
      tpu.vector_store %arg12[%swap3A_577, %swap3A_578], %scan3A_550#3 {strides = array<i32>} : memref<128x64xf32, #tpu.memory_space<vmem>>, vector<16xf32>,
      %mul3A_580 = arith.constant 8 : i32
      %mul3A_581 = arith.muli %mul3A_580, %add3A_481 : i32
      %add3A_582 = arith.constant 1 : i32
      %add3A_583 = arith.addi %mul3A_581, %add3A_582 : i32
      %swap3A_584 = arith.index_cast %add3A_583 : i32 to index
      %swap3A_585 = arith.constant 0 : index
      %swap3A_586 = tpu.vector_load %arg12[%swap3A_584, %swap3A_585] {strides = array<i32>} : memref<128x64xf32, #tpu.memory_space<vmem>>, vector<16xf32>,
      tpu.vector_store %arg12[%swap3A_584, %swap3A_585], %scan3A_550#4 {strides = array<i32>} : memref<128x64xf32, #tpu.memory_space<vmem>>, vector<16xf32>,
      %mul3A_587 = arith.constant 8 : i32
      %mul3A_588 = arith.muli %mul3A_587, %add3A_481 : i32
      %add3A_589 = arith.constant 1 : i32
      %add3A_590 = arith.addi %mul3A_588, %add3A_589 : i32
      %swap3A_591 = arith.index_cast %add3A_590 : i32 to index
      %swap3A_592 = arith.constant 16 : index
      %swap3A_593 = tpu.vector_load %arg12[%swap3A_591, %swap3A_592] {strides = array<i32>} : memref<128x64xf32, #tpu.memory_space<vmem>>, vector<16xf32>,
      tpu.vector_store %arg12[%swap3A_591, %swap3A_592], %scan3A_550#5 {strides = array<i32>} : memref<128x64xf32, #tpu.memory_space<vmem>>, vector<16xf32>,
      %mul3A_594 = arith.constant 8 : i32
      %mul3A_595 = arith.muli %mul3A_594, %add3A_481 : i32
      %add3A_596 = arith.constant 1 : i32
      %add3A_597 = arith.addi %mul3A_595, %add3A_596 : i32
      %swap3A_598 = arith.index_cast %add3A_597 : i32 to index
      %swap3A_599 = arith.constant 32 : index
      %swap3A_600 = tpu.vector_load %arg12[%swap3A_598, %swap3A_599] {strides = array<i32>} : memref<128x64xf32, #tpu.memory_space<vmem>>, vector<16xf32>,
      tpu.vector_store %arg12[%swap3A_598, %swap3A_599], %scan3A_550#6 {strides = array<i32>} : memref<128x64xf32, #tpu.memory_space<vmem>>, vector<16xf32>,
      %mul3A_601 = arith.constant 8 : i32
      %mul3A_602 = arith.muli %mul3A_601, %add3A_481 : i32
      %add3A_603 = arith.constant 1 : i32
      %add3A_604 = arith.addi %mul3A_602, %add3A_603 : i32
      %swap3A_605 = arith.index_cast %add3A_604 : i32 to index
      %swap3A_606 = arith.constant 48 : index
      %swap3A_607 = tpu.vector_load %arg12[%swap3A_605, %swap3A_606] {strides = array<i32>} : memref<128x64xf32, #tpu.memory_space<vmem>>, vector<16xf32>,
      tpu.vector_store %arg12[%swap3A_605, %swap3A_606], %scan3A_550#7 {strides = array<i32>} : memref<128x64xf32, #tpu.memory_space<vmem>>, vector<16xf32>,
      %mul3A_608 = arith.constant 8 : i32
      %mul3A_609 = arith.muli %mul3A_608, %add3A_481 : i32
      %add3A_610 = arith.constant 2 : i32
      %add3A_611 = arith.addi %mul3A_609, %add3A_610 : i32
      %swap3A_612 = arith.index_cast %add3A_611 : i32 to index
      %swap3A_613 = arith.constant 0 : index
      %swap3A_614 = tpu.vector_load %arg12[%swap3A_612, %swap3A_613] {strides = array<i32>} : memref<128x64xf32, #tpu.memory_space<vmem>>, vector<16xf32>,
      tpu.vector_store %arg12[%swap3A_612, %swap3A_613], %scan3A_550#8 {strides = array<i32>} : memref<128x64xf32, #tpu.memory_space<vmem>>, vector<16xf32>,
      %mul3A_615 = arith.constant 8 : i32
      %mul3A_616 = arith.muli %mul3A_615, %add3A_481 : i32
      %add3A_617 = arith.constant 2 : i32
      %add3A_618 = arith.addi %mul3A_616, %add3A_617 : i32
      %swap3A_619 = arith.index_cast %add3A_618 : i32 to index
      %swap3A_620 = arith.constant 16 : index
      %swap3A_621 = tpu.vector_load %arg12[%swap3A_619, %swap3A_620] {strides = array<i32>} : memref<128x64xf32, #tpu.memory_space<vmem>>, vector<16xf32>,
      tpu.vector_store %arg12[%swap3A_619, %swap3A_620], %scan3A_550#9 {strides = array<i32>} : memref<128x64xf32, #tpu.memory_space<vmem>>, vector<16xf32>,
      %mul3A_622 = arith.constant 8 : i32
      %mul3A_623 = arith.muli %mul3A_622, %add3A_481 : i32
      %add3A_624 = arith.constant 2 : i32
      %add3A_625 = arith.addi %mul3A_623, %add3A_624 : i32
      %swap3A_626 = arith.index_cast %add3A_625 : i32 to index
      %swap3A_627 = arith.constant 32 : index
      %swap3A_628 = tpu.vector_load %arg12[%swap3A_626, %swap3A_627] {strides = array<i32>} : memref<128x64xf32, #tpu.memory_space<vmem>>, vector<16xf32>,
      tpu.vector_store %arg12[%swap3A_626, %swap3A_627], %scan3A_550#10 {strides = array<i32>} : memref<128x64xf32, #tpu.memory_space<vmem>>, vector<16xf32>,
      %mul3A_629 = arith.constant 8 : i32
      %mul3A_630 = arith.muli %mul3A_629, %add3A_481 : i32
      %add3A_631 = arith.constant 2 : i32
      %add3A_632 = arith.addi %mul3A_630, %add3A_631 : i32
      %swap3A_633 = arith.index_cast %add3A_632 : i32 to index
      %swap3A_634 = arith.constant 48 : index
      %swap3A_635 = tpu.vector_load %arg12[%swap3A_633, %swap3A_634] {strides = array<i32>} : memref<128x64xf32, #tpu.memory_space<vmem>>, vector<16xf32>,
      tpu.vector_store %arg12[%swap3A_633, %swap3A_634], %scan3A_550#11 {strides = array<i32>} : memref<128x64xf32, #tpu.memory_space<vmem>>, vector<16xf32>,
      %mul3A_636 = arith.constant 8 : i32
      %mul3A_637 = arith.muli %mul3A_636, %add3A_481 : i32
      %add3A_638 = arith.constant 3 : i32
      %add3A_639 = arith.addi %mul3A_637, %add3A_638 : i32
      %swap3A_640 = arith.index_cast %add3A_639 : i32 to index
      %swap3A_641 = arith.constant 0 : index
      %swap3A_642 = tpu.vector_load %arg12[%swap3A_640, %swap3A_641] {strides = array<i32>} : memref<128x64xf32, #tpu.memory_space<vmem>>, vector<16xf32>,
      tpu.vector_store %arg12[%swap3A_640, %swap3A_641], %scan3A_550#12 {strides = array<i32>} : memref<128x64xf32, #tpu.memory_space<vmem>>, vector<16xf32>,
      %mul3A_643 = arith.constant 8 : i32
      %mul3A_644 = arith.muli %mul3A_643, %add3A_481 : i32
      %add3A_645 = arith.constant 3 : i32
      %add3A_646 = arith.addi %mul3A_644, %add3A_645 : i32
      %swap3A_647 = arith.index_cast %add3A_646 : i32 to index
      %swap3A_648 = arith.constant 16 : index
      %swap3A_649 = tpu.vector_load %arg12[%swap3A_647, %swap3A_648] {strides = array<i32>} : memref<128x64xf32, #tpu.memory_space<vmem>>, vector<16xf32>,
      tpu.vector_store %arg12[%swap3A_647, %swap3A_648], %scan3A_550#13 {strides = array<i32>} : memref<128x64xf32, #tpu.memory_space<vmem>>, vector<16xf32>,
      %mul3A_650 = arith.constant 8 : i32
      %mul3A_651 = arith.muli %mul3A_650, %add3A_481 : i32
      %add3A_652 = arith.constant 3 : i32
      %add3A_653 = arith.addi %mul3A_651, %add3A_652 : i32
      %swap3A_654 = arith.index_cast %add3A_653 : i32 to index
      %swap3A_655 = arith.constant 32 : index
      %swap3A_656 = tpu.vector_load %arg12[%swap3A_654, %swap3A_655] {strides = array<i32>} : memref<128x64xf32, #tpu.memory_space<vmem>>, vector<16xf32>,
      tpu.vector_store %arg12[%swap3A_654, %swap3A_655], %scan3A_550#14 {strides = array<i32>} : memref<128x64xf32, #tpu.memory_space<vmem>>, vector<16xf32>,
      %mul3A_657 = arith.constant 8 : i32
      %mul3A_658 = arith.muli %mul3A_657, %add3A_481 : i32
      %add3A_659 = arith.constant 3 : i32
      %add3A_660 = arith.addi %mul3A_658, %add3A_659 : i32
      %swap3A_661 = arith.index_cast %add3A_660 : i32 to index
      %swap3A_662 = arith.constant 48 : index
      %swap3A_663 = tpu.vector_load %arg12[%swap3A_661, %swap3A_662] {strides = array<i32>} : memref<128x64xf32, #tpu.memory_space<vmem>>, vector<16xf32>,
      tpu.vector_store %arg12[%swap3A_661, %swap3A_662], %scan3A_550#15 {strides = array<i32>} : memref<128x64xf32, #tpu.memory_space<vmem>>, vector<16xf32>,
      %mul3A_664 = arith.constant 8 : i32
      %mul3A_665 = arith.muli %mul3A_664, %add3A_481 : i32
      %add3A_666 = arith.constant 4 : i32
      %add3A_667 = arith.addi %mul3A_665, %add3A_666 : i32
      %swap3A_668 = arith.index_cast %add3A_667 : i32 to index
      %swap3A_669 = arith.constant 0 : index
      %swap3A_670 = tpu.vector_load %arg12[%swap3A_668, %swap3A_669] {strides = array<i32>} : memref<128x64xf32, #tpu.memory_space<vmem>>, vector<16xf32>,
      tpu.vector_store %arg12[%swap3A_668, %swap3A_669], %scan3A_550#16 {strides = array<i32>} : memref<128x64xf32, #tpu.memory_space<vmem>>, vector<16xf32>,
      %mul3A_671 = arith.constant 8 : i32
      %mul3A_672 = arith.muli %mul3A_671, %add3A_481 : i32
      %add3A_673 = arith.constant 4 : i32
      %add3A_674 = arith.addi %mul3A_672, %add3A_673 : i32
      %swap3A_675 = arith.index_cast %add3A_674 : i32 to index
      %swap3A_676 = arith.constant 16 : index
      %swap3A_677 = tpu.vector_load %arg12[%swap3A_675, %swap3A_676] {strides = array<i32>} : memref<128x64xf32, #tpu.memory_space<vmem>>, vector<16xf32>,
      tpu.vector_store %arg12[%swap3A_675, %swap3A_676], %scan3A_550#17 {strides = array<i32>} : memref<128x64xf32, #tpu.memory_space<vmem>>, vector<16xf32>,
      %mul3A_678 = arith.constant 8 : i32
      %mul3A_679 = arith.muli %mul3A_678, %add3A_481 : i32
      %add3A_680 = arith.constant 4 : i32
      %add3A_681 = arith.addi %mul3A_679, %add3A_680 : i32
      %swap3A_682 = arith.index_cast %add3A_681 : i32 to index
      %swap3A_683 = arith.constant 32 : index
      %swap3A_684 = tpu.vector_load %arg12[%swap3A_682, %swap3A_683] {strides = array<i32>} : memref<128x64xf32, #tpu.memory_space<vmem>>, vector<16xf32>,
      tpu.vector_store %arg12[%swap3A_682, %swap3A_683], %scan3A_550#18 {strides = array<i32>} : memref<128x64xf32, #tpu.memory_space<vmem>>, vector<16xf32>,
      %mul3A_685 = arith.constant 8 : i32
      %mul3A_686 = arith.muli %mul3A_685, %add3A_481 : i32
      %add3A_687 = arith.constant 4 : i32
      %add3A_688 = arith.addi %mul3A_686, %add3A_687 : i32
      %swap3A_689 = arith.index_cast %add3A_688 : i32 to index
      %swap3A_690 = arith.constant 48 : index
      %swap3A_691 = tpu.vector_load %arg12[%swap3A_689, %swap3A_690] {strides = array<i32>} : memref<128x64xf32, #tpu.memory_space<vmem>>, vector<16xf32>,
      tpu.vector_store %arg12[%swap3A_689, %swap3A_690], %scan3A_550#19 {strides = array<i32>} : memref<128x64xf32, #tpu.memory_space<vmem>>, vector<16xf32>,
      %mul3A_692 = arith.constant 8 : i32
      %mul3A_693 = arith.muli %mul3A_692, %add3A_481 : i32
      %add3A_694 = arith.constant 5 : i32
      %add3A_695 = arith.addi %mul3A_693, %add3A_694 : i32
      %swap3A_696 = arith.index_cast %add3A_695 : i32 to index
      %swap3A_697 = arith.constant 0 : index
      %swap3A_698 = tpu.vector_load %arg12[%swap3A_696, %swap3A_697] {strides = array<i32>} : memref<128x64xf32, #tpu.memory_space<vmem>>, vector<16xf32>,
      tpu.vector_store %arg12[%swap3A_696, %swap3A_697], %scan3A_550#20 {strides = array<i32>} : memref<128x64xf32, #tpu.memory_space<vmem>>, vector<16xf32>,
      %mul3A_699 = arith.constant 8 : i32
      %mul3A_700 = arith.muli %mul3A_699, %add3A_481 : i32
      %add3A_701 = arith.constant 5 : i32
      %add3A_702 = arith.addi %mul3A_700, %add3A_701 : i32
      %swap3A_703 = arith.index_cast %add3A_702 : i32 to index
      %swap3A_704 = arith.constant 16 : index
      %swap3A_705 = tpu.vector_load %arg12[%swap3A_703, %swap3A_704] {strides = array<i32>} : memref<128x64xf32, #tpu.memory_space<vmem>>, vector<16xf32>,
      tpu.vector_store %arg12[%swap3A_703, %swap3A_704], %scan3A_550#21 {strides = array<i32>} : memref<128x64xf32, #tpu.memory_space<vmem>>, vector<16xf32>,
      %mul3A_706 = arith.constant 8 : i32
      %mul3A_707 = arith.muli %mul3A_706, %add3A_481 : i32
      %add3A_708 = arith.constant 5 : i32
      %add3A_709 = arith.addi %mul3A_707, %add3A_708 : i32
      %swap3A_710 = arith.index_cast %add3A_709 : i32 to index
      %swap3A_711 = arith.constant 32 : index
      %swap3A_712 = tpu.vector_load %arg12[%swap3A_710, %swap3A_711] {strides = array<i32>} : memref<128x64xf32, #tpu.memory_space<vmem>>, vector<16xf32>,
      tpu.vector_store %arg12[%swap3A_710, %swap3A_711], %scan3A_550#22 {strides = array<i32>} : memref<128x64xf32, #tpu.memory_space<vmem>>, vector<16xf32>,
      %mul3A_713 = arith.constant 8 : i32
      %mul3A_714 = arith.muli %mul3A_713, %add3A_481 : i32
      %add3A_715 = arith.constant 5 : i32
      %add3A_716 = arith.addi %mul3A_714, %add3A_715 : i32
      %swap3A_717 = arith.index_cast %add3A_716 : i32 to index
      %swap3A_718 = arith.constant 48 : index
      %swap3A_719 = tpu.vector_load %arg12[%swap3A_717, %swap3A_718] {strides = array<i32>} : memref<128x64xf32, #tpu.memory_space<vmem>>, vector<16xf32>,
      tpu.vector_store %arg12[%swap3A_717, %swap3A_718], %scan3A_550#23 {strides = array<i32>} : memref<128x64xf32, #tpu.memory_space<vmem>>, vector<16xf32>,
      %mul3A_720 = arith.constant 8 : i32
      %mul3A_721 = arith.muli %mul3A_720, %add3A_481 : i32
      %add3A_722 = arith.constant 6 : i32
      %add3A_723 = arith.addi %mul3A_721, %add3A_722 : i32
      %swap3A_724 = arith.index_cast %add3A_723 : i32 to index
      %swap3A_725 = arith.constant 0 : index
      %swap3A_726 = tpu.vector_load %arg12[%swap3A_724, %swap3A_725] {strides = array<i32>} : memref<128x64xf32, #tpu.memory_space<vmem>>, vector<16xf32>,
      tpu.vector_store %arg12[%swap3A_724, %swap3A_725], %scan3A_550#24 {strides = array<i32>} : memref<128x64xf32, #tpu.memory_space<vmem>>, vector<16xf32>,
      %mul3A_727 = arith.constant 8 : i32
      %mul3A_728 = arith.muli %mul3A_727, %add3A_481 : i32
      %add3A_729 = arith.constant 6 : i32
      %add3A_730 = arith.addi %mul3A_728, %add3A_729 : i32
      %swap3A_731 = arith.index_cast %add3A_730 : i32 to index
      %swap3A_732 = arith.constant 16 : index
      %swap3A_733 = tpu.vector_load %arg12[%swap3A_731, %swap3A_732] {strides = array<i32>} : memref<128x64xf32, #tpu.memory_space<vmem>>, vector<16xf32>,
      tpu.vector_store %arg12[%swap3A_731, %swap3A_732], %scan3A_550#25 {strides = array<i32>} : memref<128x64xf32, #tpu.memory_space<vmem>>, vector<16xf32>,
      %mul3A_734 = arith.constant 8 : i32
      %mul3A_735 = arith.muli %mul3A_734, %add3A_481 : i32
      %add3A_736 = arith.constant 6 : i32
      %add3A_737 = arith.addi %mul3A_735, %add3A_736 : i32
      %swap3A_738 = arith.index_cast %add3A_737 : i32 to index
      %swap3A_739 = arith.constant 32 : index
      %swap3A_740 = tpu.vector_load %arg12[%swap3A_738, %swap3A_739] {strides = array<i32>} : memref<128x64xf32, #tpu.memory_space<vmem>>, vector<16xf32>,
      tpu.vector_store %arg12[%swap3A_738, %swap3A_739], %scan3A_550#26 {strides = array<i32>} : memref<128x64xf32, #tpu.memory_space<vmem>>, vector<16xf32>,
      %mul3A_741 = arith.constant 8 : i32
      %mul3A_742 = arith.muli %mul3A_741, %add3A_481 : i32
      %add3A_743 = arith.constant 6 : i32
      %add3A_744 = arith.addi %mul3A_742, %add3A_743 : i32
      %swap3A_745 = arith.index_cast %add3A_744 : i32 to index
      %swap3A_746 = arith.constant 48 : index
      %swap3A_747 = tpu.vector_load %arg12[%swap3A_745, %swap3A_746] {strides = array<i32>} : memref<128x64xf32, #tpu.memory_space<vmem>>, vector<16xf32>,
      tpu.vector_store %arg12[%swap3A_745, %swap3A_746], %scan3A_550#27 {strides = array<i32>} : memref<128x64xf32, #tpu.memory_space<vmem>>, vector<16xf32>,
      %mul3A_748 = arith.constant 8 : i32
      %mul3A_749 = arith.muli %mul3A_748, %add3A_481 : i32
      %add3A_750 = arith.constant 7 : i32
      %add3A_751 = arith.addi %mul3A_749, %add3A_750 : i32
      %swap3A_752 = arith.index_cast %add3A_751 : i32 to index
      %swap3A_753 = arith.constant 0 : index
      %swap3A_754 = tpu.vector_load %arg12[%swap3A_752, %swap3A_753] {strides = array<i32>} : memref<128x64xf32, #tpu.memory_space<vmem>>, vector<16xf32>,
      tpu.vector_store %arg12[%swap3A_752, %swap3A_753], %scan3A_550#28 {strides = array<i32>} : memref<128x64xf32, #tpu.memory_space<vmem>>, vector<16xf32>,
      %mul3A_755 = arith.constant 8 : i32
      %mul3A_756 = arith.muli %mul3A_755, %add3A_481 : i32
      %add3A_757 = arith.constant 7 : i32
      %add3A_758 = arith.addi %mul3A_756, %add3A_757 : i32
      %swap3A_759 = arith.index_cast %add3A_758 : i32 to index
      %swap3A_760 = arith.constant 16 : index
      %swap3A_761 = tpu.vector_load %arg12[%swap3A_759, %swap3A_760] {strides = array<i32>} : memref<128x64xf32, #tpu.memory_space<vmem>>, vector<16xf32>,
      tpu.vector_store %arg12[%swap3A_759, %swap3A_760], %scan3A_550#29 {strides = array<i32>} : memref<128x64xf32, #tpu.memory_space<vmem>>, vector<16xf32>,
      %mul3A_762 = arith.constant 8 : i32
      %mul3A_763 = arith.muli %mul3A_762, %add3A_481 : i32
      %add3A_764 = arith.constant 7 : i32
      %add3A_765 = arith.addi %mul3A_763, %add3A_764 : i32
      %swap3A_766 = arith.index_cast %add3A_765 : i32 to index
      %swap3A_767 = arith.constant 32 : index
      %swap3A_768 = tpu.vector_load %arg12[%swap3A_766, %swap3A_767] {strides = array<i32>} : memref<128x64xf32, #tpu.memory_space<vmem>>, vector<16xf32>,
      tpu.vector_store %arg12[%swap3A_766, %swap3A_767], %scan3A_550#30 {strides = array<i32>} : memref<128x64xf32, #tpu.memory_space<vmem>>, vector<16xf32>,
      %mul3A_769 = arith.constant 8 : i32
      %mul3A_770 = arith.muli %mul3A_769, %add3A_481 : i32
      %add3A_771 = arith.constant 7 : i32
      %add3A_772 = arith.addi %mul3A_770, %add3A_771 : i32
      %swap3A_773 = arith.index_cast %add3A_772 : i32 to index
      %swap3A_774 = arith.constant 48 : index
      %swap3A_775 = tpu.vector_load %arg12[%swap3A_773, %swap3A_774] {strides = array<i32>} : memref<128x64xf32, #tpu.memory_space<vmem>>, vector<16xf32>,
      tpu.vector_store %arg12[%swap3A_773, %swap3A_774], %scan3A_550#31 {strides = array<i32>} : memref<128x64xf32, #tpu.memory_space<vmem>>, vector<16xf32>,
      %scan3A_776 = arith.constant 0 : i32
      %scan3A_777 = arith.constant 0 : i32
      %scan3A_778 = arith.constant 25 : i32
      %scan3A_779 = arith.addi %scan3A_777, %scan3A_778 : i32
      %scan3A_780 = arith.constant 1 : i32
      scf.for %scan3A_844 = %scan3A_777 to %scan3A_779 step %scan3A_780  : i32 {
        %mul3A_845 = arith.constant 16 : i32
        %mul3A_846 = arith.muli %mul3A_845, %scan3A_844 : i32
        %add3A_847 = vector.broadcast %mul3A_846 : i32 to vector<16xi32>
        %add3A_848 = arith.addi %add3A_847, %iota3A : vector<16xi32>
        %broadcast_in_dim3A_849 = arith.constant 50 : i32
        %broadcast_in_dim3A_850 = vector.broadcast %broadcast_in_dim3A_849 : i32 to vector<16xi32>
        %gather3A = tpu.vector_load_idx %arg9[%add3A_848, %broadcast_in_dim3A_850] : memref<400x64xf32, #tpu.memory_space<vmem>>[vector<16xi32>, vector<16xi32>], vector<16xf32>,
        %broadcast_in_dim3A_851 = arith.constant 51 : i32
        %broadcast_in_dim3A_852 = vector.broadcast %broadcast_in_dim3A_851 : i32 to vector<16xi32>
        %gather3A_853 = tpu.vector_load_idx %arg9[%add3A_848, %broadcast_in_dim3A_852] : memref<400x64xf32, #tpu.memory_space<vmem>>[vector<16xi32>, vector<16xi32>], vector<16xf32>,
        %mul3A_854 = arith.constant 25 : i32
        %mul3A_855 = arith.muli %add3A_481, %mul3A_854 : i32
        %add3A_856 = arith.addi %mul3A_855, %scan3A_844 : i32
        %swap3A_857 = arith.index_cast %add3A_856 : i32 to index
        %swap3A_858 = arith.constant 0 : index
        %swap3A_859 = tpu.vector_load %arg10[%swap3A_857, %swap3A_858] {strides = array<i32>} : memref<400x16xf32, #tpu.memory_space<vmem>>, vector<16xf32>,
        tpu.vector_store %arg10[%swap3A_857, %swap3A_858], %gather3A {strides = array<i32>} : memref<400x16xf32, #tpu.memory_space<vmem>>, vector<16xf32>,
        %mul3A_860 = arith.constant 25 : i32
        %mul3A_861 = arith.muli %add3A_481, %mul3A_860 : i32
        %add3A_862 = arith.addi %mul3A_861, %scan3A_844 : i32
        %swap3A_863 = arith.index_cast %add3A_862 : i32 to index
        %swap3A_864 = arith.constant 0 : index
        %swap3A_865 = tpu.vector_load %arg11[%swap3A_863, %swap3A_864] {strides = array<i32>} : memref<400x16xf32, #tpu.memory_space<vmem>>, vector<16xf32>,
        tpu.vector_store %arg11[%swap3A_863, %swap3A_864], %gather3A_853 {strides = array<i32>} : memref<400x16xf32, #tpu.memory_space<vmem>>, vector<16xf32>,
      }
      %scan3A_781 = arith.constant 25 : i32
      %add3A_782 = arith.constant 3 : i32
      %add3A_783 = arith.addi %mul3A_106, %add3A_782 : i32
      %mul3A_784 = arith.constant 4 : i32
      %mul3A_785 = arith.muli %mul3A_784, %add3A_783 : i32
      %add3A_786 = arith.constant 0 : i32
      %add3A_787 = arith.addi %mul3A_785, %add3A_786 : i32
      %and3A_788 = arith.constant 63 : i32
      %and3A_789 = arith.andi %add3A_787, %and3A_788 : i32
      %dma_start3A_790 = arith.constant 0 : i32
      %dma_start3A_791 = arith.constant 0 : i32
      %dma_start3A_792 = tpu.memref_slice %arg9[%dma_start3A_790, %dma_start3A_791] : memref<400x64xf32, #tpu.memory_space<vmem>> -> memref<100x64xf32, #tpu.memory_space<vmem>>
      %dma_start3A_793 = arith.constant 0 : i32
      %dma_start3A_794 = tpu.memref_slice %arg7[%and3A_789, %dma_start3A_793] : memref<64x100xi32, #tpu.memory_space<vmem>> -> memref<1x100xi32, #tpu.memory_space<vmem>>
      %dma_start3A_795 = tpu.memref_squeeze %dma_start3A_794 : memref<1x100xi32, #tpu.memory_space<vmem>> -> memref<100xi32, #tpu.memory_space<vmem>>
      %dma_start3A_796 = arith.constant 0 : i32
      %dma_start3A_797 = arith.constant 0 : i32
      %dma_start3A_798 = tpu.memref_slice %arg3[%dma_start3A_796, %dma_start3A_797] : memref<100000x64xf32, #tpu.memory_space<hbm>> -> memref<100000x64xf32, #tpu.memory_space<hbm>>
      tpu.enqueue_indirect_dma source(%dma_start3A_798 : memref<100000x64xf32, #tpu.memory_space<hbm>>) target(%dma_start3A_792 : memref<100x64xf32, #tpu.memory_space<vmem>>) offsets(%dma_start3A_795 : memref<100xi32, #tpu.memory_space<vmem>>) semaphore(%arg14 : memref<!tpu.dma_semaphore, #tpu.memory_space<semaphore_mem>>)
      %mul3A_799 = arith.constant 4 : i32
      %mul3A_800 = arith.muli %mul3A_799, %add3A_783 : i32
      %add3A_801 = arith.constant 1 : i32
      %add3A_802 = arith.addi %mul3A_800, %add3A_801 : i32
      %and3A_803 = arith.constant 63 : i32
      %and3A_804 = arith.andi %add3A_802, %and3A_803 : i32
      %dma_start3A_805 = arith.constant 100 : i32
      %dma_start3A_806 = arith.constant 0 : i32
      %dma_start3A_807 = tpu.memref_slice %arg9[%dma_start3A_805, %dma_start3A_806] : memref<400x64xf32, #tpu.memory_space<vmem>> -> memref<100x64xf32, #tpu.memory_space<vmem>>
      %dma_start3A_808 = arith.constant 0 : i32
      %dma_start3A_809 = tpu.memref_slice %arg7[%and3A_804, %dma_start3A_808] : memref<64x100xi32, #tpu.memory_space<vmem>> -> memref<1x100xi32, #tpu.memory_space<vmem>>
      %dma_start3A_810 = tpu.memref_squeeze %dma_start3A_809 : memref<1x100xi32, #tpu.memory_space<vmem>> -> memref<100xi32, #tpu.memory_space<vmem>>
      %dma_start3A_811 = arith.constant 0 : i32
      %dma_start3A_812 = arith.constant 0 : i32
      %dma_start3A_813 = tpu.memref_slice %arg3[%dma_start3A_811, %dma_start3A_812] : memref<100000x64xf32, #tpu.memory_space<hbm>> -> memref<100000x64xf32, #tpu.memory_space<hbm>>
      tpu.enqueue_indirect_dma source(%dma_start3A_813 : memref<100000x64xf32, #tpu.memory_space<hbm>>) target(%dma_start3A_807 : memref<100x64xf32, #tpu.memory_space<vmem>>) offsets(%dma_start3A_810 : memref<100xi32, #tpu.memory_space<vmem>>) semaphore(%arg14 : memref<!tpu.dma_semaphore, #tpu.memory_space<semaphore_mem>>)
      %mul3A_814 = arith.constant 4 : i32
      %mul3A_815 = arith.muli %mul3A_814, %add3A_783 : i32
      %add3A_816 = arith.constant 2 : i32
      %add3A_817 = arith.addi %mul3A_815, %add3A_816 : i32
      %and3A_818 = arith.constant 63 : i32
      %and3A_819 = arith.andi %add3A_817, %and3A_818 : i32
      %dma_start3A_820 = arith.constant 200 : i32
      %dma_start3A_821 = arith.constant 0 : i32
      %dma_start3A_822 = tpu.memref_slice %arg9[%dma_start3A_820, %dma_start3A_821] : memref<400x64xf32, #tpu.memory_space<vmem>> -> memref<100x64xf32, #tpu.memory_space<vmem>>
      %dma_start3A_823 = arith.constant 0 : i32
      %dma_start3A_824 = tpu.memref_slice %arg7[%and3A_819, %dma_start3A_823] : memref<64x100xi32, #tpu.memory_space<vmem>> -> memref<1x100xi32, #tpu.memory_space<vmem>>
      %dma_start3A_825 = tpu.memref_squeeze %dma_start3A_824 : memref<1x100xi32, #tpu.memory_space<vmem>> -> memref<100xi32, #tpu.memory_space<vmem>>
      %dma_start3A_826 = arith.constant 0 : i32
      %dma_start3A_827 = arith.constant 0 : i32
      %dma_start3A_828 = tpu.memref_slice %arg3[%dma_start3A_826, %dma_start3A_827] : memref<100000x64xf32, #tpu.memory_space<hbm>> -> memref<100000x64xf32, #tpu.memory_space<hbm>>
      tpu.enqueue_indirect_dma source(%dma_start3A_828 : memref<100000x64xf32, #tpu.memory_space<hbm>>) target(%dma_start3A_822 : memref<100x64xf32, #tpu.memory_space<vmem>>) offsets(%dma_start3A_825 : memref<100xi32, #tpu.memory_space<vmem>>) semaphore(%arg14 : memref<!tpu.dma_semaphore, #tpu.memory_space<semaphore_mem>>)
      %mul3A_829 = arith.constant 4 : i32
      %mul3A_830 = arith.muli %mul3A_829, %add3A_783 : i32
      %add3A_831 = arith.constant 3 : i32
      %add3A_832 = arith.addi %mul3A_830, %add3A_831 : i32
      %and3A_833 = arith.constant 63 : i32
      %and3A_834 = arith.andi %add3A_832, %and3A_833 : i32
      %dma_start3A_835 = arith.constant 300 : i32
      %dma_start3A_836 = arith.constant 0 : i32
      %dma_start3A_837 = tpu.memref_slice %arg9[%dma_start3A_835, %dma_start3A_836] : memref<400x64xf32, #tpu.memory_space<vmem>> -> memref<100x64xf32, #tpu.memory_space<vmem>>
      %dma_start3A_838 = arith.constant 0 : i32
      %dma_start3A_839 = tpu.memref_slice %arg7[%and3A_834, %dma_start3A_838] : memref<64x100xi32, #tpu.memory_space<vmem>> -> memref<1x100xi32, #tpu.memory_space<vmem>>
      %dma_start3A_840 = tpu.memref_squeeze %dma_start3A_839 : memref<1x100xi32, #tpu.memory_space<vmem>> -> memref<100xi32, #tpu.memory_space<vmem>>
      %dma_start3A_841 = arith.constant 0 : i32
      %dma_start3A_842 = arith.constant 0 : i32
      %dma_start3A_843 = tpu.memref_slice %arg3[%dma_start3A_841, %dma_start3A_842] : memref<100000x64xf32, #tpu.memory_space<hbm>> -> memref<100000x64xf32, #tpu.memory_space<hbm>>
      tpu.enqueue_indirect_dma source(%dma_start3A_843 : memref<100000x64xf32, #tpu.memory_space<hbm>>) target(%dma_start3A_837 : memref<100x64xf32, #tpu.memory_space<vmem>>) offsets(%dma_start3A_840 : memref<100xi32, #tpu.memory_space<vmem>>) semaphore(%arg14 : memref<!tpu.dma_semaphore, #tpu.memory_space<semaphore_mem>>)
    }
    %scan3A_84 = arith.constant 8 : i32
    %dma_wait3A = arith.constant 0 : i32
    %dma_wait3A_85 = arith.constant 0 : i32
    %dma_wait3A_86 = tpu.memref_slice %arg7[%dma_wait3A, %dma_wait3A_85] : memref<64x100xi32, #tpu.memory_space<vmem>> -> memref<1x100xi32, #tpu.memory_space<vmem>>
    %dma_wait3A_87 = tpu.memref_squeeze %dma_wait3A_86 : memref<1x100xi32, #tpu.memory_space<vmem>> -> memref<100xi32, #tpu.memory_space<vmem>>
    %dma_wait3A_88 = arith.constant 0 : i32
    %dma_wait3A_89 = arith.constant 0 : i32
    %dma_wait3A_90 = tpu.memref_slice %arg3[%dma_wait3A_88, %dma_wait3A_89] : memref<100000x64xf32, #tpu.memory_space<hbm>> -> memref<100000x64xf32, #tpu.memory_space<hbm>>
    tpu.wait_indirect_dma semaphore(%arg13 : memref<!tpu.dma_semaphore, #tpu.memory_space<semaphore_mem>>) src(%dma_wait3A_90 : memref<100000x64xf32, #tpu.memory_space<hbm>>) dst(%arg8 : memref<400x64xf32, #tpu.memory_space<vmem>>)
    %dma_wait3A_91 = arith.constant 0 : i32
    %dma_wait3A_92 = arith.constant 0 : i32
    %dma_wait3A_93 = tpu.memref_slice %arg7[%dma_wait3A_91, %dma_wait3A_92] : memref<64x100xi32, #tpu.memory_space<vmem>> -> memref<1x100xi32, #tpu.memory_space<vmem>>
    %dma_wait3A_94 = tpu.memref_squeeze %dma_wait3A_93 : memref<1x100xi32, #tpu.memory_space<vmem>> -> memref<100xi32, #tpu.memory_space<vmem>>
    %dma_wait3A_95 = arith.constant 0 : i32
    %dma_wait3A_96 = arith.constant 0 : i32
    %dma_wait3A_97 = tpu.memref_slice %arg3[%dma_wait3A_95, %dma_wait3A_96] : memref<100000x64xf32, #tpu.memory_space<hbm>> -> memref<100000x64xf32, #tpu.memory_space<hbm>>
    tpu.wait_indirect_dma semaphore(%arg14 : memref<!tpu.dma_semaphore, #tpu.memory_space<semaphore_mem>>) src(%dma_wait3A_97 : memref<100000x64xf32, #tpu.memory_space<hbm>>) dst(%arg9 : memref<400x64xf32, #tpu.memory_space<vmem>>)
    %mul3A_98 = arith.constant 128 : i32
    %mul3A_99 = arith.muli %add3A, %mul3A_98 : i32
    "tpu.region"() ({
      %run_scoped3A = tpu.sem_alloc : memref<!tpu.dma_semaphore, #tpu.memory_space<semaphore_mem>>
      %dma_start3A_104 = arith.constant 0 : i32
      %dma_start3A_105 = tpu.memref_slice %arg4[%mul3A_99, %dma_start3A_104] : memref<4096x64xf32, #tpu.memory_space<hbm>> -> memref<128x64xf32, #tpu.memory_space<hbm>>
      %dma_start3A_106 = arith.constant 0 : i32
      %dma_start3A_107 = tpu.memref_slice %arg4[%mul3A_99, %dma_start3A_106] : memref<4096x64xf32, #tpu.memory_space<hbm>> -> memref<128x64xf32, #tpu.memory_space<hbm>>
      tpu.enqueue_dma source(%arg12 : memref<128x64xf32, #tpu.memory_space<vmem>>) target(%dma_start3A_107 : memref<128x64xf32, #tpu.memory_space<hbm>>) target_semaphore(%run_scoped3A : memref<!tpu.dma_semaphore, #tpu.memory_space<semaphore_mem>>)
      %dma_wait3A_108 = arith.constant 0 : i32
      %dma_wait3A_109 = tpu.memref_slice %arg4[%mul3A_99, %dma_wait3A_108] : memref<4096x64xf32, #tpu.memory_space<hbm>> -> memref<128x64xf32, #tpu.memory_space<hbm>>
      %dma_wait3A_110 = arith.constant 0 : i32
      %dma_wait3A_111 = tpu.memref_slice %arg4[%mul3A_99, %dma_wait3A_110] : memref<4096x64xf32, #tpu.memory_space<hbm>> -> memref<128x64xf32, #tpu.memory_space<hbm>>
      tpu.wait_dma2 semaphore(%run_scoped3A : memref<!tpu.dma_semaphore, #tpu.memory_space<semaphore_mem>>) src(%arg12 : memref<128x64xf32, #tpu.memory_space<vmem>>) dst(%dma_wait3A_111 : memref<128x64xf32, #tpu.memory_space<hbm>>)
      tpu.yield
    }) : () -> ()
    %mul3A_100 = arith.constant 400 : i32
    %mul3A_101 = arith.muli %add3A, %mul3A_100 : i32
    "tpu.region"() ({
      %run_scoped3A = tpu.sem_alloc : memref<!tpu.dma_semaphore, #tpu.memory_space<semaphore_mem>>
      %dma_start3A_104 = arith.constant 0 : i32
      %dma_start3A_105 = tpu.memref_slice %arg5[%mul3A_101, %dma_start3A_104] : memref<12800x16xf32, #tpu.memory_space<hbm>> -> memref<400x16xf32, #tpu.memory_space<hbm>>
      %dma_start3A_106 = arith.constant 0 : i32
      %dma_start3A_107 = tpu.memref_slice %arg5[%mul3A_101, %dma_start3A_106] : memref<12800x16xf32, #tpu.memory_space<hbm>> -> memref<400x16xf32, #tpu.memory_space<hbm>>
      tpu.enqueue_dma source(%arg10 : memref<400x16xf32, #tpu.memory_space<vmem>>) target(%dma_start3A_107 : memref<400x16xf32, #tpu.memory_space<hbm>>) target_semaphore(%run_scoped3A : memref<!tpu.dma_semaphore, #tpu.memory_space<semaphore_mem>>)
      %dma_wait3A_108 = arith.constant 0 : i32
      %dma_wait3A_109 = tpu.memref_slice %arg5[%mul3A_101, %dma_wait3A_108] : memref<12800x16xf32, #tpu.memory_space<hbm>> -> memref<400x16xf32, #tpu.memory_space<hbm>>
      %dma_wait3A_110 = arith.constant 0 : i32
      %dma_wait3A_111 = tpu.memref_slice %arg5[%mul3A_101, %dma_wait3A_110] : memref<12800x16xf32, #tpu.memory_space<hbm>> -> memref<400x16xf32, #tpu.memory_space<hbm>>
      tpu.wait_dma2 semaphore(%run_scoped3A : memref<!tpu.dma_semaphore, #tpu.memory_space<semaphore_mem>>) src(%arg10 : memref<400x16xf32, #tpu.memory_space<vmem>>) dst(%dma_wait3A_111 : memref<400x16xf32, #tpu.memory_space<hbm>>)
      tpu.yield
    }) : () -> ()
    %mul3A_102 = arith.constant 400 : i32
    %mul3A_103 = arith.muli %add3A, %mul3A_102 : i32
    "tpu.region"() ({
      %run_scoped3A = tpu.sem_alloc : memref<!tpu.dma_semaphore, #tpu.memory_space<semaphore_mem>>
      %dma_start3A_104 = arith.constant 0 : i32
      %dma_start3A_105 = tpu.memref_slice %arg6[%mul3A_103, %dma_start3A_104] : memref<12800x16xf32, #tpu.memory_space<hbm>> -> memref<400x16xf32, #tpu.memory_space<hbm>>
      %dma_start3A_106 = arith.constant 0 : i32
      %dma_start3A_107 = tpu.memref_slice %arg6[%mul3A_103, %dma_start3A_106] : memref<12800x16xf32, #tpu.memory_space<hbm>> -> memref<400x16xf32, #tpu.memory_space<hbm>>
      tpu.enqueue_dma source(%arg11 : memref<400x16xf32, #tpu.memory_space<vmem>>) target(%dma_start3A_107 : memref<400x16xf32, #tpu.memory_space<hbm>>) target_semaphore(%run_scoped3A : memref<!tpu.dma_semaphore, #tpu.memory_space<semaphore_mem>>)
      %dma_wait3A_108 = arith.constant 0 : i32
      %dma_wait3A_109 = tpu.memref_slice %arg6[%mul3A_103, %dma_wait3A_108] : memref<12800x16xf32, #tpu.memory_space<hbm>> -> memref<400x16xf32, #tpu.memory_space<hbm>>
      %dma_wait3A_110 = arith.constant 0 : i32
      %dma_wait3A_111 = tpu.memref_slice %arg6[%mul3A_103, %dma_wait3A_110] : memref<12800x16xf32, #tpu.memory_space<hbm>> -> memref<400x16xf32, #tpu.memory_space<hbm>>
      tpu.wait_dma2 semaphore(%run_scoped3A : memref<!tpu.dma_semaphore, #tpu.memory_space<semaphore_mem>>) src(%arg11 : memref<400x16xf32, #tpu.memory_space<vmem>>) dst(%dma_wait3A_111 : memref<400x16xf32, #tpu.memory_space<hbm>>)
      tpu.yield
    }) : () -> ()
    return
  }
}

#map = affine_map<(d0, d1) -> (0, 0, 0)>
#map1 = affine_map<(d0, d1) -> (0, 0)>
module attributes {stable_mosaic.version = 14 : i64} {
  func.func @_sc_tgt(%arg0: i32, %arg1: i32, %arg2: memref<32x50x128xi32, #tpu.memory_space<hbm>>, %arg3: memref<32x50x128xi32, #tpu.memory_space<hbm>>, %arg4: memref<12500x8xf32, #tpu.memory_space<hbm>>, %arg5: memref<12800x16xf32, #tpu.memory_space<hbm>>, %arg6: memref<50x128xi32, #tpu.memory_space<vmem>>, %arg7: memref<50x128xi32, #tpu.memory_space<vmem>>, %arg8: memref<6400x8xf32, #tpu.memory_space<vmem>>, %arg9: memref<400x16xf32, #tpu.memory_space<vmem>>, %arg10: memref<!tpu.dma_semaphore, #tpu.memory_space<semaphore_mem>>) attributes {dimension_semantics = [#tpu.dimension_semantics<core_parallel>, #tpu.dimension_semantics<subcore_parallel>], iteration_bounds = array<i64: 2, 16>, scalar_prefetch = 0 : i64, scratch_operands = 5 : i64, tpu.core_type = #tpu.core_type<sc_vector_subcore>, window_params = [{transform_indices = #map}, {transform_indices = #map}, {transform_indices = #map1}, {transform_indices = #map1}]} {
    %mul3A = arith.constant 2 : i32
    %mul3A_0 = arith.muli %arg1, %mul3A : i32
    %add3A = arith.addi %mul3A_0, %arg0 : i32
    %iota3A = tpu.iota {dimensions = array<i32: 0>} : vector<16xi32>
    "tpu.region"() ({
      %run_scoped3A = tpu.sem_alloc : memref<!tpu.dma_semaphore, #tpu.memory_space<semaphore_mem>>
      %dma_start3A = arith.constant 0 : i32
      %dma_start3A_20 = arith.constant 0 : i32
      %dma_start3A_21 = tpu.memref_slice %arg2[%add3A, %dma_start3A, %dma_start3A_20] : memref<32x50x128xi32, #tpu.memory_space<hbm>> -> memref<1x50x128xi32, #tpu.memory_space<hbm>>
      %dma_start3A_22 = tpu.memref_squeeze %dma_start3A_21 : memref<1x50x128xi32, #tpu.memory_space<hbm>> -> memref<50x128xi32, #tpu.memory_space<hbm>>
      %dma_start3A_23 = arith.constant 0 : i32
      %dma_start3A_24 = arith.constant 0 : i32
      %dma_start3A_25 = tpu.memref_slice %arg2[%add3A, %dma_start3A_23, %dma_start3A_24] : memref<32x50x128xi32, #tpu.memory_space<hbm>> -> memref<1x50x128xi32, #tpu.memory_space<hbm>>
      %dma_start3A_26 = tpu.memref_squeeze %dma_start3A_25 : memref<1x50x128xi32, #tpu.memory_space<hbm>> -> memref<50x128xi32, #tpu.memory_space<hbm>>
      tpu.enqueue_dma source(%dma_start3A_26 : memref<50x128xi32, #tpu.memory_space<hbm>>) target(%arg6 : memref<50x128xi32, #tpu.memory_space<vmem>>) target_semaphore(%run_scoped3A : memref<!tpu.dma_semaphore, #tpu.memory_space<semaphore_mem>>)
      %dma_wait3A = arith.constant 0 : i32
      %dma_wait3A_27 = arith.constant 0 : i32
      %dma_wait3A_28 = tpu.memref_slice %arg2[%add3A, %dma_wait3A, %dma_wait3A_27] : memref<32x50x128xi32, #tpu.memory_space<hbm>> -> memref<1x50x128xi32, #tpu.memory_space<hbm>>
      %dma_wait3A_29 = tpu.memref_squeeze %dma_wait3A_28 : memref<1x50x128xi32, #tpu.memory_space<hbm>> -> memref<50x128xi32, #tpu.memory_space<hbm>>
      %dma_wait3A_30 = arith.constant 0 : i32
      %dma_wait3A_31 = arith.constant 0 : i32
      %dma_wait3A_32 = tpu.memref_slice %arg2[%add3A, %dma_wait3A_30, %dma_wait3A_31] : memref<32x50x128xi32, #tpu.memory_space<hbm>> -> memref<1x50x128xi32, #tpu.memory_space<hbm>>
      %dma_wait3A_33 = tpu.memref_squeeze %dma_wait3A_32 : memref<1x50x128xi32, #tpu.memory_space<hbm>> -> memref<50x128xi32, #tpu.memory_space<hbm>>
      tpu.wait_dma2 semaphore(%run_scoped3A : memref<!tpu.dma_semaphore, #tpu.memory_space<semaphore_mem>>) src(%dma_wait3A_33 : memref<50x128xi32, #tpu.memory_space<hbm>>) dst(%arg6 : memref<50x128xi32, #tpu.memory_space<vmem>>)
      tpu.yield
    }) : () -> ()
    "tpu.region"() ({
      %run_scoped3A = tpu.sem_alloc : memref<!tpu.dma_semaphore, #tpu.memory_space<semaphore_mem>>
      %dma_start3A = arith.constant 0 : i32
      %dma_start3A_20 = arith.constant 0 : i32
      %dma_start3A_21 = tpu.memref_slice %arg3[%add3A, %dma_start3A, %dma_start3A_20] : memref<32x50x128xi32, #tpu.memory_space<hbm>> -> memref<1x50x128xi32, #tpu.memory_space<hbm>>
      %dma_start3A_22 = tpu.memref_squeeze %dma_start3A_21 : memref<1x50x128xi32, #tpu.memory_space<hbm>> -> memref<50x128xi32, #tpu.memory_space<hbm>>
      %dma_start3A_23 = arith.constant 0 : i32
      %dma_start3A_24 = arith.constant 0 : i32
      %dma_start3A_25 = tpu.memref_slice %arg3[%add3A, %dma_start3A_23, %dma_start3A_24] : memref<32x50x128xi32, #tpu.memory_space<hbm>> -> memref<1x50x128xi32, #tpu.memory_space<hbm>>
      %dma_start3A_26 = tpu.memref_squeeze %dma_start3A_25 : memref<1x50x128xi32, #tpu.memory_space<hbm>> -> memref<50x128xi32, #tpu.memory_space<hbm>>
      tpu.enqueue_dma source(%dma_start3A_26 : memref<50x128xi32, #tpu.memory_space<hbm>>) target(%arg7 : memref<50x128xi32, #tpu.memory_space<vmem>>) target_semaphore(%run_scoped3A : memref<!tpu.dma_semaphore, #tpu.memory_space<semaphore_mem>>)
      %dma_wait3A = arith.constant 0 : i32
      %dma_wait3A_27 = arith.constant 0 : i32
      %dma_wait3A_28 = tpu.memref_slice %arg3[%add3A, %dma_wait3A, %dma_wait3A_27] : memref<32x50x128xi32, #tpu.memory_space<hbm>> -> memref<1x50x128xi32, #tpu.memory_space<hbm>>
      %dma_wait3A_29 = tpu.memref_squeeze %dma_wait3A_28 : memref<1x50x128xi32, #tpu.memory_space<hbm>> -> memref<50x128xi32, #tpu.memory_space<hbm>>
      %dma_wait3A_30 = arith.constant 0 : i32
      %dma_wait3A_31 = arith.constant 0 : i32
      %dma_wait3A_32 = tpu.memref_slice %arg3[%add3A, %dma_wait3A_30, %dma_wait3A_31] : memref<32x50x128xi32, #tpu.memory_space<hbm>> -> memref<1x50x128xi32, #tpu.memory_space<hbm>>
      %dma_wait3A_33 = tpu.memref_squeeze %dma_wait3A_32 : memref<1x50x128xi32, #tpu.memory_space<hbm>> -> memref<50x128xi32, #tpu.memory_space<hbm>>
      tpu.wait_dma2 semaphore(%run_scoped3A : memref<!tpu.dma_semaphore, #tpu.memory_space<semaphore_mem>>) src(%dma_wait3A_33 : memref<50x128xi32, #tpu.memory_space<hbm>>) dst(%arg7 : memref<50x128xi32, #tpu.memory_space<vmem>>)
      tpu.yield
    }) : () -> ()
    %scan3A = arith.constant 0 : i32
    %scan3A_1 = arith.constant 0 : i32
    %scan3A_2 = arith.constant 50 : i32
    %scan3A_3 = arith.addi %scan3A_1, %scan3A_2 : i32
    %scan3A_4 = arith.constant 1 : i32
    scf.for %scan3A_20 = %scan3A_1 to %scan3A_3 step %scan3A_4  : i32 {
      %mul3A_21 = arith.constant 128 : i32
      %mul3A_22 = arith.muli %scan3A_20, %mul3A_21 : i32
      %dma_start3A = arith.constant 0 : i32
      %dma_start3A_23 = tpu.memref_slice %arg8[%mul3A_22, %dma_start3A] : memref<6400x8xf32, #tpu.memory_space<vmem>> -> memref<128x8xf32, #tpu.memory_space<vmem>>
      %dma_start3A_24 = arith.constant 0 : i32
      %dma_start3A_25 = tpu.memref_slice %arg6[%scan3A_20, %dma_start3A_24] : memref<50x128xi32, #tpu.memory_space<vmem>> -> memref<1x128xi32, #tpu.memory_space<vmem>>
      %dma_start3A_26 = tpu.memref_squeeze %dma_start3A_25 : memref<1x128xi32, #tpu.memory_space<vmem>> -> memref<128xi32, #tpu.memory_space<vmem>>
      %dma_start3A_27 = arith.constant 0 : i32
      %dma_start3A_28 = arith.constant 0 : i32
      %dma_start3A_29 = tpu.memref_slice %arg4[%dma_start3A_27, %dma_start3A_28] : memref<12500x8xf32, #tpu.memory_space<hbm>> -> memref<12500x8xf32, #tpu.memory_space<hbm>>
      tpu.enqueue_indirect_dma source(%dma_start3A_29 : memref<12500x8xf32, #tpu.memory_space<hbm>>) target(%dma_start3A_23 : memref<128x8xf32, #tpu.memory_space<vmem>>) offsets(%dma_start3A_26 : memref<128xi32, #tpu.memory_space<vmem>>) semaphore(%arg10 : memref<!tpu.dma_semaphore, #tpu.memory_space<semaphore_mem>>)
    }
    %scan3A_5 = arith.constant 50 : i32
    %scan3A_6 = arith.constant 0 : i32
    %scan3A_7 = arith.constant 0 : i32
    %scan3A_8 = arith.constant 50 : i32
    %scan3A_9 = arith.addi %scan3A_7, %scan3A_8 : i32
    %scan3A_10 = arith.constant 1 : i32
    scf.for %scan3A_20 = %scan3A_7 to %scan3A_9 step %scan3A_10  : i32 {
      %dma_wait3A = arith.constant 0 : i32
      %dma_wait3A_21 = arith.constant 0 : i32
      %dma_wait3A_22 = arith.constant 0 : i32
      %dma_wait3A_23 = tpu.memref_slice %arg8[%dma_wait3A_21, %dma_wait3A_22] : memref<6400x8xf32, #tpu.memory_space<vmem>> -> memref<128x8xf32, #tpu.memory_space<vmem>>
      %dma_wait3A_24 = arith.constant 0 : i32
      %dma_wait3A_25 = tpu.memref_slice %arg6[%dma_wait3A, %dma_wait3A_24] : memref<50x128xi32, #tpu.memory_space<vmem>> -> memref<1x128xi32, #tpu.memory_space<vmem>>
      %dma_wait3A_26 = tpu.memref_squeeze %dma_wait3A_25 : memref<1x128xi32, #tpu.memory_space<vmem>> -> memref<128xi32, #tpu.memory_space<vmem>>
      %dma_wait3A_27 = arith.constant 0 : i32
      %dma_wait3A_28 = arith.constant 0 : i32
      %dma_wait3A_29 = tpu.memref_slice %arg4[%dma_wait3A_27, %dma_wait3A_28] : memref<12500x8xf32, #tpu.memory_space<hbm>> -> memref<12500x8xf32, #tpu.memory_space<hbm>>
      tpu.wait_indirect_dma semaphore(%arg10 : memref<!tpu.dma_semaphore, #tpu.memory_space<semaphore_mem>>) src(%dma_wait3A_29 : memref<12500x8xf32, #tpu.memory_space<hbm>>) dst(%dma_wait3A_23 : memref<128x8xf32, #tpu.memory_space<vmem>>)
    }
    %scan3A_11 = arith.constant 50 : i32
    %scan3A_12 = arith.constant 0 : i32
    %scan3A_13 = arith.constant 0 : i32
    %scan3A_14 = arith.constant 400 : i32
    %scan3A_15 = arith.addi %scan3A_13, %scan3A_14 : i32
    %scan3A_16 = arith.constant 1 : i32
    scf.for %scan3A_20 = %scan3A_13 to %scan3A_15 step %scan3A_16  : i32 {
      %shift_right_arithmetic3A = arith.constant 3 : i32
      %shift_right_arithmetic3A_21 = arith.shrsi %scan3A_20, %shift_right_arithmetic3A : i32
      %mul3A_22 = arith.constant 16 : i32
      %mul3A_23 = arith.muli %mul3A_22, %scan3A_20 : i32
      %and3A = arith.constant 127 : i32
      %and3A_24 = arith.andi %mul3A_23, %and3A : i32
      %get3A = arith.index_cast %shift_right_arithmetic3A_21 : i32 to index
      %get3A_25 = arith.index_cast %and3A_24 : i32 to index
      %get3A_26 = tpu.vector_load %arg7[%get3A, %get3A_25] {strides = array<i32>} : memref<50x128xi32, #tpu.memory_space<vmem>>, vector<16xi32>,
      %mul3A_27 = arith.constant 16 : i32
      %mul3A_28 = arith.muli %mul3A_27, %scan3A_20 : i32
      %add3A_29 = vector.broadcast %mul3A_28 : i32 to vector<16xi32>
      %add3A_30 = arith.addi %add3A_29, %iota3A : vector<16xi32>
      %and3A_31 = arith.constant 7 : i32
      %and3A_32 = vector.broadcast %and3A_31 : i32 to vector<16xi32>
      %and3A_33 = arith.andi %get3A_26, %and3A_32 : vector<16xi32>
      %gather3A = tpu.vector_load_idx %arg8[%add3A_30, %and3A_33] : memref<6400x8xf32, #tpu.memory_space<vmem>>[vector<16xi32>, vector<16xi32>], vector<16xf32>,
      %mul3A_34 = arith.constant 5.000000e-01 : f32
      %mul3A_35 = vector.broadcast %mul3A_34 : f32 to vector<16xf32>
      %mul3A_36 = arith.mulf %gather3A, %mul3A_35 : vector<16xf32>
      %add3A_37 = arith.constant 5.000000e-01 : f32
      %add3A_38 = vector.broadcast %add3A_37 : f32 to vector<16xf32>
      %add3A_39 = arith.addf %mul3A_36, %add3A_38 : vector<16xf32>
      %swap3A = arith.index_cast %scan3A_20 : i32 to index
      %swap3A_40 = arith.constant 0 : index
      %swap3A_41 = tpu.vector_load %arg9[%swap3A, %swap3A_40] {strides = array<i32>} : memref<400x16xf32, #tpu.memory_space<vmem>>, vector<16xf32>,
      tpu.vector_store %arg9[%swap3A, %swap3A_40], %add3A_39 {strides = array<i32>} : memref<400x16xf32, #tpu.memory_space<vmem>>, vector<16xf32>,
    }
    %scan3A_17 = arith.constant 400 : i32
    %mul3A_18 = arith.constant 400 : i32
    %mul3A_19 = arith.muli %add3A, %mul3A_18 : i32
    "tpu.region"() ({
      %run_scoped3A = tpu.sem_alloc : memref<!tpu.dma_semaphore, #tpu.memory_space<semaphore_mem>>
      %dma_start3A = arith.constant 0 : i32
      %dma_start3A_20 = tpu.memref_slice %arg5[%mul3A_19, %dma_start3A] : memref<12800x16xf32, #tpu.memory_space<hbm>> -> memref<400x16xf32, #tpu.memory_space<hbm>>
      %dma_start3A_21 = arith.constant 0 : i32
      %dma_start3A_22 = tpu.memref_slice %arg5[%mul3A_19, %dma_start3A_21] : memref<12800x16xf32, #tpu.memory_space<hbm>> -> memref<400x16xf32, #tpu.memory_space<hbm>>
      tpu.enqueue_dma source(%arg9 : memref<400x16xf32, #tpu.memory_space<vmem>>) target(%dma_start3A_22 : memref<400x16xf32, #tpu.memory_space<hbm>>) target_semaphore(%run_scoped3A : memref<!tpu.dma_semaphore, #tpu.memory_space<semaphore_mem>>)
      %dma_wait3A = arith.constant 0 : i32
      %dma_wait3A_23 = tpu.memref_slice %arg5[%mul3A_19, %dma_wait3A] : memref<12800x16xf32, #tpu.memory_space<hbm>> -> memref<400x16xf32, #tpu.memory_space<hbm>>
      %dma_wait3A_24 = arith.constant 0 : i32
      %dma_wait3A_25 = tpu.memref_slice %arg5[%mul3A_19, %dma_wait3A_24] : memref<12800x16xf32, #tpu.memory_space<hbm>> -> memref<400x16xf32, #tpu.memory_space<hbm>>
      tpu.wait_dma2 semaphore(%run_scoped3A : memref<!tpu.dma_semaphore, #tpu.memory_space<semaphore_mem>>) src(%arg9 : memref<400x16xf32, #tpu.memory_space<vmem>>) dst(%dma_wait3A_25 : memref<400x16xf32, #tpu.memory_space<hbm>>)
      tpu.yield
    }) : () -> ()
    return
  }
}

module attributes {stable_mosaic.version = 14 : i64} {
  func.func @_prep_body(%arg0: i32, %arg1: memref<2000x50xf32, #tpu.memory_space<vmem>>, %arg2: memref<2000x50xf32, #tpu.memory_space<vmem>>, %arg3: memref<2x50xf32, #tpu.memory_space<vmem>>, %arg4: memref<1x2xf32, #tpu.memory_space<vmem>>, %arg5: memref<2000x128xf32, #tpu.memory_space<vmem>>) attributes {dimension_semantics = [#tpu.dimension_semantics<arbitrary>], iteration_bounds = array<i64: 25>, scalar_prefetch = 0 : i64, scratch_operands = 0 : i64, tpu.core_type = #tpu.core_type<tc>, window_params = [{transform_indices = @transform_0, window_bounds = array<i64: 2000, 50>}, {transform_indices = @transform_1, window_bounds = array<i64: 2000, 50>}, {pipeline_mode = #tpu.pipeline_mode<synchronous>, transform_indices = @transform_2, window_bounds = array<i64: 2, 50>}, {pipeline_mode = #tpu.pipeline_mode<synchronous>, transform_indices = @transform_3, window_bounds = array<i64: 1, 2>}, {transform_indices = @transform_4, window_bounds = array<i64: 2000, 128>}]} {
    %get3A = arith.constant 0 : index
    %get3A_0 = arith.constant 0 : index
    %get3A_1 = vector.load %arg3[%get3A, %get3A_0] : memref<2x50xf32, #tpu.memory_space<vmem>>, vector<2x50xf32>
    %get3A_2 = arith.constant 0 : index
    %get3A_3 = arith.constant 0 : index
    %get3A_4 = vector.load %arg4[%get3A_2, %get3A_3] : memref<1x2xf32, #tpu.memory_space<vmem>>, vector<1x2xf32>
    %get3A_5 = arith.constant 0 : index
    %get3A_6 = arith.constant 0 : index
    %get3A_7 = vector.load %arg1[%get3A_5, %get3A_6] : memref<2000x50xf32, #tpu.memory_space<vmem>>, vector<2000x50xf32>
    %dot_general3A = arith.constant dense<0.000000e+00> : vector<2000x2xf32>
    %dot_general3A_8 = tpu.matmul %get3A_7, %get3A_1, %dot_general3A {dimension_numbers = #tpu.dot_dimension_numbers<[1], [1], [0], [0], [0, 0, 1, 0], [], []>, transpose_lhs_hint = false} : vector<2000x50xf32>, vector<2x50xf32>, vector<2000x2xf32> -> vector<2000x2xf32>
    %add3A = vector.broadcast %get3A_4 : vector<1x2xf32> to vector<2000x2xf32>
    %add3A_9 = arith.addf %dot_general3A_8, %add3A : vector<2000x2xf32>
    %broadcast_in_dim3A = arith.constant 0.000000e+00 : f32
    %broadcast_in_dim3A_10 = vector.broadcast %broadcast_in_dim3A : f32 to vector<2000x12xf32>
    %get3A_11 = arith.constant 0 : index
    %get3A_12 = arith.constant 0 : index
    %get3A_13 = vector.load %arg2[%get3A_11, %get3A_12] : memref<2000x50xf32, #tpu.memory_space<vmem>>, vector<2000x50xf32>
    %dot_general3A_14 = arith.constant dense<0.000000e+00> : vector<2000x2xf32>
    %dot_general3A_15 = tpu.matmul %get3A_13, %get3A_1, %dot_general3A_14 {dimension_numbers = #tpu.dot_dimension_numbers<[1], [1], [0], [0], [0, 0, 1, 0], [], []>, transpose_lhs_hint = false} : vector<2000x50xf32>, vector<2x50xf32>, vector<2000x2xf32> -> vector<2000x2xf32>
    %add3A_16 = vector.broadcast %get3A_4 : vector<1x2xf32> to vector<2000x2xf32>
    %add3A_17 = arith.addf %dot_general3A_15, %add3A_16 : vector<2000x2xf32>
    %broadcast_in_dim3A_18 = arith.constant 0.000000e+00 : f32
    %broadcast_in_dim3A_19 = vector.broadcast %broadcast_in_dim3A_18 : f32 to vector<2000x12xf32>
    %concatenate3A = tpu.concatenate %get3A_7, %add3A_9, %broadcast_in_dim3A_10, %get3A_13, %add3A_17, %broadcast_in_dim3A_19 in 1 : vector<2000x50xf32>, vector<2000x2xf32>, vector<2000x12xf32>, vector<2000x50xf32>, vector<2000x2xf32>, vector<2000x12xf32> -> vector<2000x128xf32>
    %swap3A = arith.constant 0 : index
    %swap3A_20 = arith.constant 0 : index
    %swap3A_21 = vector.load %arg5[%swap3A, %swap3A_20] : memref<2000x128xf32, #tpu.memory_space<vmem>>, vector<2000x128xf32>
    tpu.vector_store %arg5[%swap3A, %swap3A_20], %concatenate3A {strides = array<i32>} : memref<2000x128xf32, #tpu.memory_space<vmem>>, vector<2000x128xf32>,
    return
  }
  func.func @transform_0(%arg0: i32) -> (i32, i32) {
    %c0_i32 = arith.constant 0 : i32
    %c0_i32_0 = arith.constant 0 : i32
    return %arg0, %c0_i32 : i32, i32
  }
  func.func @transform_1(%arg0: i32) -> (i32, i32) {
    %add3A = arith.constant 25 : i32
    %add3A_0 = arith.addi %arg0, %add3A : i32
    %c0_i32 = arith.constant 0 : i32
    %c0_i32_1 = arith.constant 0 : i32
    return %add3A_0, %c0_i32 : i32, i32
  }
  func.func @transform_2(%arg0: i32) -> (i32, i32) {
    %c0_i32 = arith.constant 0 : i32
    %c0_i32_0 = arith.constant 0 : i32
    %c0_i32_1 = arith.constant 0 : i32
    return %c0_i32, %c0_i32_0 : i32, i32
  }
  func.func @transform_3(%arg0: i32) -> (i32, i32) {
    %c0_i32 = arith.constant 0 : i32
    %c0_i32_0 = arith.constant 0 : i32
    %c0_i32_1 = arith.constant 0 : i32
    return %c0_i32, %c0_i32_0 : i32, i32
  }
  func.func @transform_4(%arg0: i32) -> (i32, i32) {
    %c0_i32 = arith.constant 0 : i32
    %c0_i32_0 = arith.constant 0 : i32
    return %arg0, %c0_i32 : i32, i32
  }
}

module attributes {stable_mosaic.version = 14 : i64} {
  func.func @_dense_body(%arg0: memref<4096x64xf32, #tpu.memory_space<vmem>>, %arg1: memref<200x50xf32, #tpu.memory_space<vmem>>, %arg2: memref<1x200xf32, #tpu.memory_space<vmem>>, %arg3: memref<1x200xf32, #tpu.memory_space<vmem>>, %arg4: memref<1x200xf32, #tpu.memory_space<vmem>>, %arg5: memref<2x200xf32, #tpu.memory_space<vmem>>, %arg6: memref<1x2xf32, #tpu.memory_space<vmem>>, %arg7: memref<4096x2xf32, #tpu.memory_space<vmem>>) attributes {dimension_semantics = [], scalar_prefetch = 0 : i64, scratch_operands = 0 : i64, tpu.core_type = #tpu.core_type<tc>} {
    %get3A = arith.constant 0 : index
    %get3A_0 = arith.constant 0 : index
    %get3A_1 = vector.load %arg0[%get3A, %get3A_0] : memref<4096x64xf32, #tpu.memory_space<vmem>>, vector<4096x64xf32>
    %slice3A = vector.extract_strided_slice %get3A_1 {offsets = [0, 0], sizes = [4096, 50], strides = [1, 1]} : vector<4096x64xf32> to vector<4096x50xf32>
    %get3A_2 = arith.constant 0 : index
    %get3A_3 = arith.constant 0 : index
    %get3A_4 = vector.load %arg1[%get3A_2, %get3A_3] : memref<200x50xf32, #tpu.memory_space<vmem>>, vector<200x50xf32>
    %dot_general3A = arith.constant dense<0.000000e+00> : vector<4096x200xf32>
    %dot_general3A_5 = tpu.matmul %slice3A, %get3A_4, %dot_general3A {dimension_numbers = #tpu.dot_dimension_numbers<[1], [1], [0], [0], [0, 0, 1, 0], [], []>, transpose_lhs_hint = false} : vector<4096x50xf32>, vector<200x50xf32>, vector<4096x200xf32> -> vector<4096x200xf32>
    %mul3A = arith.constant 2.000000e-02 : f32
    %mul3A_6 = vector.broadcast %mul3A : f32 to vector<4096x200xf32>
    %mul3A_7 = arith.mulf %dot_general3A_5, %mul3A_6 : vector<4096x200xf32>
    %get3A_8 = arith.constant 0 : index
    %get3A_9 = arith.constant 0 : index
    %get3A_10 = vector.load %arg2[%get3A_8, %get3A_9] : memref<1x200xf32, #tpu.memory_space<vmem>>, vector<1x200xf32>
    %add3A = vector.broadcast %get3A_10 : vector<1x200xf32> to vector<4096x200xf32>
    %add3A_11 = arith.addf %mul3A_7, %add3A : vector<4096x200xf32>
    %reduce_sum3A = arith.constant dense<0.000000e+00> : vector<200xf32>
    %reduce_sum3A_12 = vector.multi_reduction <add>, %add3A_11, %reduce_sum3A [0] : vector<4096x200xf32> to vector<200xf32>
    %broadcast_in_dim3A = vector.shape_cast %reduce_sum3A_12 : vector<200xf32> to vector<1x200xf32>
    %div3A = arith.constant 4.096000e+03 : f32
    %div3A_13 = vector.broadcast %div3A : f32 to vector<1x200xf32>
    %div3A_14 = arith.divf %broadcast_in_dim3A, %div3A_13 : vector<1x200xf32>
    %sub3A = vector.broadcast %div3A_14 : vector<1x200xf32> to vector<4096x200xf32>
    %sub3A_15 = arith.subf %add3A_11, %sub3A : vector<4096x200xf32>
    %mul3A_16 = arith.mulf %sub3A_15, %sub3A_15 : vector<4096x200xf32>
    %reduce_sum3A_17 = arith.constant dense<0.000000e+00> : vector<200xf32>
    %reduce_sum3A_18 = vector.multi_reduction <add>, %mul3A_16, %reduce_sum3A_17 [0] : vector<4096x200xf32> to vector<200xf32>
    %broadcast_in_dim3A_19 = vector.shape_cast %reduce_sum3A_18 : vector<200xf32> to vector<1x200xf32>
    %div3A_20 = arith.constant 4.096000e+03 : f32
    %div3A_21 = vector.broadcast %div3A_20 : f32 to vector<1x200xf32>
    %div3A_22 = arith.divf %broadcast_in_dim3A_19, %div3A_21 : vector<1x200xf32>
    %add3A_23 = arith.constant 9.99999974E-6 : f32
    %add3A_24 = vector.broadcast %add3A_23 : f32 to vector<1x200xf32>
    %add3A_25 = arith.addf %div3A_22, %add3A_24 : vector<1x200xf32>
    %rsqrt3A = math.rsqrt %add3A_25 : vector<1x200xf32>
    %mul3A_26 = vector.broadcast %rsqrt3A : vector<1x200xf32> to vector<4096x200xf32>
    %mul3A_27 = arith.mulf %sub3A_15, %mul3A_26 : vector<4096x200xf32>
    %get3A_28 = arith.constant 0 : index
    %get3A_29 = arith.constant 0 : index
    %get3A_30 = vector.load %arg3[%get3A_28, %get3A_29] : memref<1x200xf32, #tpu.memory_space<vmem>>, vector<1x200xf32>
    %mul3A_31 = vector.broadcast %get3A_30 : vector<1x200xf32> to vector<4096x200xf32>
    %mul3A_32 = arith.mulf %mul3A_27, %mul3A_31 : vector<4096x200xf32>
    %get3A_33 = arith.constant 0 : index
    %get3A_34 = arith.constant 0 : index
    %get3A_35 = vector.load %arg4[%get3A_33, %get3A_34] : memref<1x200xf32, #tpu.memory_space<vmem>>, vector<1x200xf32>
    %add3A_36 = vector.broadcast %get3A_35 : vector<1x200xf32> to vector<4096x200xf32>
    %add3A_37 = arith.addf %mul3A_32, %add3A_36 : vector<4096x200xf32>
    %get3A_38 = arith.constant 0 : index
    %get3A_39 = arith.constant 0 : index
    %get3A_40 = vector.load %arg5[%get3A_38, %get3A_39] : memref<2x200xf32, #tpu.memory_space<vmem>>, vector<2x200xf32>
    %dot_general3A_41 = arith.constant dense<0.000000e+00> : vector<4096x2xf32>
    %dot_general3A_42 = tpu.matmul %add3A_37, %get3A_40, %dot_general3A_41 {dimension_numbers = #tpu.dot_dimension_numbers<[1], [1], [0], [0], [0, 0, 1, 0], [], []>, transpose_lhs_hint = false} : vector<4096x200xf32>, vector<2x200xf32>, vector<4096x2xf32> -> vector<4096x2xf32>
    %get3A_43 = arith.constant 0 : index
    %get3A_44 = arith.constant 0 : index
    %get3A_45 = vector.load %arg6[%get3A_43, %get3A_44] : memref<1x2xf32, #tpu.memory_space<vmem>>, vector<1x2xf32>
    %add3A_46 = vector.broadcast %get3A_45 : vector<1x2xf32> to vector<4096x2xf32>
    %add3A_47 = arith.addf %dot_general3A_42, %add3A_46 : vector<4096x2xf32>
    %swap3A = arith.constant 0 : index
    %swap3A_48 = arith.constant 0 : index
    %swap3A_49 = vector.load %arg7[%swap3A, %swap3A_48] : memref<4096x2xf32, #tpu.memory_space<vmem>>, vector<4096x2xf32>
    tpu.vector_store %arg7[%swap3A, %swap3A_48], %add3A_47 {strides = array<i32>} : memref<4096x2xf32, #tpu.memory_space<vmem>>, vector<4096x2xf32>,
    return
  }
}

</mosaic_0001>

<sc_bundles>
// kernel: kernel.6.cloned.1.call-start
scs
__scs_entry_jumppad:
0x0: {  	(pc) =	sbr.rel $0x88, $3  }
0x1: {  	(tag) =	ssettag $0x0;
	lr =	simm.s32 $0x1  }
0x2: {  	[smem:$0x3F96] =	sst lr;
	_ =	strace $0xD0000000  }
0x3: {  	_ = 	snop  }
0x4: {  	_ = 	snop  }
0x5: {  	_ = 	snop  }
0x6: {  	_ = 	snop  }
0x7: {  	_ = 	snop  }
__scs_overlays_trampoline_lowered:
0x8: {  	[smem:$0x3FA5] =	sst s0  }
0x9: {  	[smem:$0x3FA6] =	sst s1  }
0xa: {  	[smem:$0x3FA7] =	sst s2  }
0xb: {  	[smem:$0x3FA8] =	sst s3  }
0xc: {  	[smem:$0x3FA9] =	sst s4  }
0xd: {  	[smem:$0x3FAA] =	sst s5  }
0xe: {  	[smem:$0x3FAB] =	sst s6  }
0xf: {  	[smem:$0x3FAC] =	sst s7  }
0x10: {  	[smem:$0x3FAD] =	sst s8  }
0x11: {  	[smem:$0x3FAE] =	sst s9;
	s0 =	simm.s32 @!p0 $0x0  }
0x12: {  	s1 =	sld [smem:$0x3F94];
	s0 =	simm.s32 @p0 $0x1  }
0x13: {  	[smem:$0x3FAF] =	sst s0;
	s0 =	simm.s32 @!p1 $0x0  }
0x14: {  	s2 =	sld [smem:$0x3F93];
	s0 =	simm.s32 @p1 $0x1  }
0x15: {  	[smem:$0x3FB0] =	sst s0;
	s0 =	simm.s32 @!p2 $0x0  }
0x16: {  	s3 =	sld [smem:$0x3FDB];
	s0 =	simm.s32 @p2 $0x1  }
0x17: {  	s4 =	simm.s32 $0x1BF5;
	[smem:$0x3FB2] =	sst s0  }
0x18: {  	s0 =	sld [smem:$0x3F95];
	_ =	swait.ge [sflag:s4], $0x0  }
0x19: {  	s7 =	sld [smem:$0x3F96]  }
0x1a: {  	s8 =	sadd.s32 $0xFFFFE003, lr  }
0x1b: {  	s9 =	sadd.s32 $0xFFFFFEF7, lr;
	s5 =	simm.s32 $0xFFFFFFFF;
	p2 =	slt.u32 s8, $0xFFFFF086  }
0x1c: {  	p1 =	slt.u32 s9, $0xF7A;
	s5 =	simm.s32 @!p2 $0x0  }
0x1d: {  	s5 =	simm.s32 @p1 $0x1;
	p0 =	seq.s32 s7, s2  }
0x1e: {  	s7 =	smul.u32 @!p0 $0xF7A, s2;
	p2 =	seq.s32 @!p0 s5, $0x0  }
0x1f: {  	s9 =	smul.u32 $0xF7A, s1;
	s8 =	simm.s32 @!p0 $0x1BF5;
	p2 =	por !p2, p0  }
0x20: {  	[sflag:s8] =	ssyncset.s32 @!p0 $0xFFFFF086;
	s6 =	sadd.s32 @!p0 s3, s7;
	s7 =	simm.s32 @!p0 $0x108  }
0x21: {  	s3 =	sadd.s32 s3, s9;
	s6 =	sadd.s32 @!p0 $0x88, s6;
	s7 =	simm.s32 @p2 $0x1082  }
0x22: {  	[simem:s7], [sflag:s8] =	dma.local @!p0 [hbm:s6], $0xF7A  }
0x23: {  	s9 =	sor.u32 $0xD0000000, s2;
	s6 =	simm.s32 $0x108;
	_ =	swait.ge @!p0 [sflag:s8], $0x0  }
0x24: {  	s3 =	sadd.s32 $0x88, s3;
	s6 =	simm.s32 @!p1 $0x1082;
	[sflag:s4] =	ssyncset.s32 $0xFFFFF086  }
0x25: {  	[simem:s6], [sflag:s4] =	dma.local [hbm:s3], $0xF7A  }
0x26: {  	[smem:$0x3F96] =	sst s1;
	(tag) =	ssettag s2;
	_ =	strace s9  }
0x27: {  	s1 =	sld [smem:$0x3FA6]  }
0x28: {  	s2 =	sld [smem:$0x3FA7]  }
0x29: {  	s4 =	sld [smem:$0x3FA9]  }
0x2a: {  	p0 =	seq.s32 s5, $0x0;
	s5 =	sld [smem:$0x3FAA]  }
0x2b: {  	s6 =	sld [smem:$0x3FAB]  }
0x2c: {  	s7 =	sld [smem:$0x3FAC]  }
0x2d: {  	s3 =	simm.s32 $0x108;
	s8 =	sld [smem:$0x3FAD]  }
0x2e: {  	s3 =	simm.s32 @!p0 $0x1082;
	s9 =	sld [smem:$0x3FAE]  }
0x2f: {  	lr =	sadd.s32 s0, s3;
	s0 =	sld [smem:$0x3FA5]  }
0x30: {  	s3 =	sld [smem:$0x3FA8]  }
0x31: {  	[smem:$0x3FB1] =	sst s10  }
0x32: {  	s10 =	sld [smem:$0x3FAF];
	_ =	sdelay $0x3  }
0x33: {  	p0 =	seq.s32 s10, $0x1;
	s10 =	sld [smem:$0x3FB1];
	_ =	sdelay $0x3  }
0x34: {  	[smem:$0x3FB1] =	sst s10  }
0x35: {  	s10 =	sld [smem:$0x3FB0];
	_ =	sdelay $0x3  }
0x36: {  	p1 =	seq.s32 s10, $0x1;
	s10 =	sld [smem:$0x3FB1];
	_ =	sdelay $0x3  }
0x37: {  	[smem:$0x3FB1] =	sst s10  }
0x38: {  	s10 =	sld [smem:$0x3FB2]  }
0x39: {  	_ = 	snop;
	(pc) =	sbr.ind lr, $3  }
0x3a: {  	_ = 	snop  }
0x3b: {  	_ = 	snop  }
0x3c: {  	p2 =	seq.s32 s10, $0x1;
	s10 =	sld [smem:$0x3FB1]  }
0x3d: {  	_ =	shalt  }
0x3e: {  	_ =	shalt  }
0x3f: {  	_ =	shalt  }
0x40: {  	_ =	shalt  }
0x41: {  	_ =	shalt  }
0x42: {  	_ =	shalt  }
0x43: {  	_ =	shalt  }
0x44: {  	_ =	shalt  }
0x45: {  	_ =	shalt  }
0x46: {  	_ =	shalt  }
0x47: {  	_ =	shalt  }
0x48: {  	_ =	shalt  }
0x49: {  	_ =	shalt  }
0x4a: {  	_ =	shalt  }
0x4b: {  	_ =	shalt  }
0x4c: {  	_ =	shalt  }
0x4d: {  	_ =	shalt  }
0x4e: {  	_ =	shalt  }
0x4f: {  	_ =	shalt  }
0x50: {  	_ =	shalt  }
0x51: {  	_ =	shalt  }
0x52: {  	_ =	shalt  }
0x53: {  	_ =	shalt  }
0x54: {  	_ =	shalt  }
0x55: {  	_ =	shalt  }
0x56: {  	_ =	shalt  }
0x57: {  	_ =	shalt  }
0x58: {  	_ =	shalt  }
0x59: {  	_ =	shalt  }
0x5a: {  	_ =	shalt  }
0x5b: {  	_ =	shalt  }
0x5c: {  	_ =	shalt  }
0x5d: {  	_ =	shalt  }
0x5e: {  	_ =	shalt  }
0x5f: {  	_ =	shalt  }
0x60: {  	_ =	shalt  }
0x61: {  	_ =	shalt  }
0x62: {  	_ =	shalt  }
0x63: {  	_ =	shalt  }
0x64: {  	_ =	shalt  }
0x65: {  	_ =	shalt  }
0x66: {  	_ =	shalt  }
0x67: {  	_ =	shalt  }
0x68: {  	_ =	shalt  }
0x69: {  	_ =	shalt  }
0x6a: {  	_ =	shalt  }
0x6b: {  	_ =	shalt  }
0x6c: {  	_ =	shalt  }
0x6d: {  	_ =	shalt  }
0x6e: {  	_ =	shalt  }
0x6f: {  	_ =	shalt  }
0x70: {  	_ =	shalt  }
0x71: {  	_ =	shalt  }
0x72: {  	_ =	shalt  }
0x73: {  	_ =	shalt  }
0x74: {  	_ =	shalt  }
0x75: {  	_ =	shalt  }
0x76: {  	_ =	shalt  }
0x77: {  	_ =	shalt  }
0x78: {  	_ =	shalt  }
0x79: {  	_ =	shalt  }
0x7a: {  	_ =	shalt  }
0x7b: {  	_ =	shalt  }
0x7c: {  	_ =	shalt  }
0x7d: {  	_ =	shalt  }
0x7e: {  	_ =	shalt  }
0x7f: {  	_ =	shalt  }
0x80: {  	_ =	shalt  }
0x81: {  	_ =	shalt  }
0x82: {  	_ =	shalt  }
0x83: {  	_ =	shalt  }
0x84: {  	_ =	shalt  }
0x85: {  	_ =	shalt  }
0x86: {  	_ =	shalt  }
0x87: {  	_ =	shalt  }
.Lfunc_end0:
.L_simem_size_0:
called_computation_lowered:
.L_overlay_start_0:
0x88: {  	s2 =	sld [smem:$0x3FD9]  }
0x89: {  	s3 =	sld [smem:$0x3FFE];
	_ =	sdelay $0x1  }
0x8a: {  	s1 =	srdreg.scid  }
0x8b: {  	s0 =	sand.u32 $0x1, s1  }
0x8c: {  	s15 =	sshll.u32 s0, $0xA;
	s2 =	sadd.s32 s3, s2  }
0x8d: {  	s2 =	sadd.s32 s2, s15  }
0x8e: {  	[smem:$0x3FBD] =	sst s2  }
0x8f: {  	_ = 	snop  }
0x90: {  	s2 =	sld [smem:$0x3FD0];
	_ =	sdelay $0x2  }
0x91: {  	s16 =	simm.s32 $0xB;
	s4 =	simm.s32 $0x10  }
0x92: {  	[smem:s4], [sflag:s16] =	dma.local [hbm:s2], $0x1  }
0x93: {  	_ =	swait.eq [sflag:s16], $0x1  }
0x94: {  	[sflag:s16] =	ssyncset.done $0x0  }
0x95: {  	[sflag:s16] =	ssyncadd.s32 $0xFFFFFFFF  }
0x96: {  	s17 =	sld [smem:$0x11];
	(tm) =	ssettm $0x1  }
0x97: {  	s18 =	sld [smem:$0x3FFB];
	_ =	sdelay $0x3  }
0x98: {  	_ =	strace s18  }
0x99: {  	s2 =	sld [smem:$0x3FFC];
	_ =	sdelay $0x3  }
0x9a: {  	_ =	strace s2  }
0x9b: {  	s2 =	sld [smem:$0x3FFD];
	_ =	sdelay $0x3  }
0x9c: {  	_ =	strace s2  }
0x9d: {  	_ =	strace $0x8FFFFFFF  }
0x9e: {  	s19 =	sld [smem:$0x3FDB];
	_ =	sdelay $0x1  }
0x9f: {  	s20 =	simm.s32 $_scs_section_size  }
0xa0: {  	s5 =	simm.s32 $_size__tile_overlayer_lowered;
	s6 =	simm.s32 $_tile_overlayer_lowered  }
0xa1: {  	s7 =	simm.s32 $0x1BFF;
	s21 =	sshll.u32 s6, $0x1;
	s4 =	sadd.s32 s20, s19  }
0xa2: {  	s22 =	simm.s32 $0x0;
	s5 =	sshll.u32 s5, $0x1;
	s6 =	sadd.s32 s21, s4  }
0xa3: {  	[timem:s22], [sflag:s7] =	dma.local [hbm:s6], s5  }
0xa4: {  	_ =	swait.ge [sflag:s7], s5  }
0xa5: {  	s5 =	ssub.s32 $0x0, s5;
	[sflag:s7] =	ssyncset.done $0x0  }
0xa6: {  	[sflag:s7] =	ssyncadd.s32 s5;
	_ =	sdelay $0x1  }
0xa7: {  	s23 =	simm.s32 $0x1B8B  }
0xa8: {  	_ =	swait.ge [sflag:s23], $0x1  }
0xa9: {  	[sflag:s23] =	ssyncset.done $0x0  }
0xaa: {  	[sflag:s23] =	ssyncadd.s32 $0xFFFFFFFF  }
0xab: {  	s5 =	sld [smem:$0x0]  }
0xac: {  	s6 =	sand.u32 $0xFFFFFFFE, s1  }
0xad: {  	p0 =	sne.s32 s1, s6  }
0xae: {  	s6 =	sshll.u32 @p0 s6, $0xE  }
0xaf: {  	s6 =	sadd.s32 @p0 $0x11B8D, s6;
	s7 =	sshll.u32 @p0 s5, $0x11  }
0xb0: {  	s6 =	sor.u32 @p0 s7, s6  }
0xb1: {  	[sflag:s6] =	ssyncadd.remote.s32 @p0 $0x1;
	_ =	sdelay $0x1  }
0xb2: {  	s6 =	simm.s32 @p0 $0x1B8D  }
0xb3: {  	_ =	swait.eq @p0 [sflag:s6], $0x1  }
0xb4: {  	[sflag:s6] =	ssyncadd.s32 @p0 $0xFFFFFFFF  }
0xb5: {  	s7 =	sshll.u32 @!p0 s1, $0xE  }
0xb6: {  	s7 =	sor.u32 @!p0 $0x4000, s7;
	s6 =	simm.s32 @!p0 $0x1B8D  }
0xb7: {  	s5 =	sshll.u32 @!p0 s5, $0x11;
	s7 =	sadd.s32 @!p0 $0x11B8D, s7;
	_ =	swait.eq @!p0 [sflag:s6], $0x1  }
0xb8: {  	s5 =	sor.u32 @!p0 s5, s7;
	[sflag:s6] =	ssyncadd.s32 @!p0 $0xFFFFFFFF  }
0xb9: {  	s25 =	simm.s32 $0x1B8E;
	s24 =	sld [smem:$0x3FFE];
	[sflag:s5] =	ssyncadd.remote.s32 @!p0 $0x1  }
0xba: {  	s26 =	simm.s32 $execute0_lowered;
	[smem:$0x3FD2] =	sst s25  }
0xbb: {  	s6 =	sshll.u32 s26, $0x1;
	_ =	strace $0x80000049;
	[dreg:$0x1] =	wrdreg $0xFFFFFFFF  }
0xbc: {  	s28 =	simm.s32 $_size_execute0_lowered;
	s4 =	sadd.s32 s4, s6;
	[dreg:$0x0] =	wrdreg $0x0  }
0xbd: {  	s6 =	sshll.u32 s28, $0x1;
	[dreg:$0x2] =	wrdreg s4  }
0xbe: {  	[dreg:$0x3] =	wrdreg s6  }
0xbf: {  	[dreg:$0x4] =	wrdreg $0xC0  }
0xc0: {  	_ =	task [dreg:s22], $0x5FFFF  }
0xc1: {  	[dreg:$0x1] =	wrdreg $0xFFFFFFFF  }
0xc2: {  	[dreg:$0x0] =	wrdreg $0x60  }
0xc3: {  	[dreg:$0x2] =	wrdreg s24  }
0xc4: {  	[dreg:$0x3] =	wrdreg s17  }
0xc5: {  	[dreg:$0x4] =	wrdreg $0x9  }
0xc6: {  	_ =	task.clear_ibuf [dreg:s22], $0x5FFFF;
	_ =	strace $0x90000049  }
0xc7: {  	s29 =	simm.s32 $0x9;
	_ =	strace $0x8000004B  }
0xc8: {  	_ =	swait.ge [sflag:s29], $0x1  }
0xc9: {  	[sflag:s29] =	ssyncadd.s32 $0xFFFFFFFF  }
0xca: {  	_ =	strace $0x9000004B  }
0xcb: {  	_ =	sfence  }
0xcc: {  	s30 =	sld [smem:$0x0];
	_ =	sdelay $0x2  }
0xcd: {  	s31 =	sshll.u32 s1, $0xD;
	s1 =	sshrl.u32 s1, $0x2  }
0xce: {  	s4 =	sand.u32 $0x4000, s31;
	s1 =	sadd.s32 s1, s30  }
0xcf: {  	s0 =	sor.u32 s4, s0;
	s1 =	sshll.u32 s1, $0x11  }
0xd0: {  	s0 =	sor.u32 s1, s0  }
0xd1: {  	s0 =	sadd.s32 $0x8F2B, s0  }
0xd2: {  	[sflag:s0] =	ssyncadd.remote.s32 $0x1  }
0xd3: {  	_ =	sfence.sel $0xFFFF  }
0xd4: {  	[dreg:$0x0] =	wrdreg $0xFFFFFFFF;
	(pc) =	sbr.abs _section_cstart, $3  }
0xd5: {  	[dreg:$0x1] =	wrdreg $0xFFFFFFFF  }
0xd6: {  	_ =	task.clear_ibuf [dreg:s22], $0x2FFFF;
	_ =	strace $0x9FFFFFFF  }
0xd7: {  	(tm) =	ssettm $0x7FFFFFFF  }
tec
execute0_lowered:
.L_overlay_start_1:
0x0: {  	(tag) =	ssettag $0x1  }
0x1: {  	s3 =	rddreg [dreg:$0x0];
	s1 =	srdreg.scid  }
0x2: {  	s0 =	stileid.u32;
	s6 =	rddreg [dreg:$0x1]  }
0x3: {  	s2 =	simm.s32 $0x0;
	s9 =	simm.s32 $0x1900;
	s10 =	simm.s32 $0x80  }
0x4: {  	s11 =	simm.s32 $0x1;
	s4 =	sand.u32 $0x1, s1;
	s5 =	sshll.u32 s0, $0x1  }
0x5: {  	s12 =	simm.s32 $0x3200;
	s13 =	simm.s32 $0xFA00;
	s5 =	sor.u32 s4, s5  }
0x6: {  	s1 =	rddreg [dreg:$0x2];
	s4 =	ssub.s32 $0x2, s4;
	s7 =	smul.u32 $0x320, s5  }
0x7: {  	s14 =	simm.s32 $0x0;
	[smem:$0x7FF] =	sst s2;
	s8 =	sshrl.u32 s4, $0x1  }
0x8: {  	_ =	strace $0x8000004A;
	s8 =	ssub.s32 s4, s8;
	s5 =	sadd.s32 s7, s3  }
0x9: {  	v0 =	vlaneseq.u32;
	s3 =	sadd.s32 $0x21A00, s3;
	s6 =	sadd.s32 s6, s7;
	s7 =	smax.u32 s8, $0x1  }
0xa: {  	v0 =	vmul.u32 $0x8, v0;
	s8 =	simm.s32 $0x2;
	s4 =	sadd.s32 $0x15200, s5;
	s5 =	sadd.s32 $0x1B600, s5  }
.LBB2_1:
0xb: {  	[tilespmem:s2], [sflag:$0x2] =	stream.linear.gather [hbm4b:s4+s2], $0x1900, $0x38;
	[tilespmem:$0x11300] =	vst v63  }
0xc: {  	_ =	swait.ge [sflag:s8], $0x1900  }
0xd: {  	[sflag:s8] =	ssyncset.done $0x0  }
0xe: {  	[sflag:s8] =	ssyncadd.s32 $0xFFFFE700  }
0xf: {  	[tilespmem:s9], [sflag:$0x2] =	stream.linear.gather [hbm4b:s5+s2], $0x1900, $0x38;
	[tilespmem:$0x11300] =	vst v63  }
0x10: {  	_ =	swait.ge [sflag:s8], $0x1900  }
0x11: {  	[sflag:s8] =	ssyncset.done $0x0  }
0x12: {  	s15 =	simm.s32 $0x3200;
	s16 =	simm.s32 $0x0;
	[sflag:s8] =	ssyncadd.s32 $0xFFFFE700  }
.LBB2_2:
0x13: {  	p0 =	sne.s32 s16, $0x6200  }
.Ltmp0:
0x14: {  	_ = 	snop;
	(pc) =	sbr.rel @p0 .LBB2_2-.Ltmp0, $4  }
0x15: {  	_ = 	snop  }
0x16: {  	s17 =	sshra.s32 s16, $0x2  }
0x17: {  	[tilespmem:s15], [sflag:$0x1] =	stream.indirect.gather [hbm4b:s3+s10], $0x8, s17, s10, $0xb8;
	[tilespmem:$0x11300] =	vst v63  }
0x18: {  	s16 =	sadd.s32 $0x200, s16;
	s15 =	sadd.s32 $0x400, s15  }
0x19: {  	s15 =	simm.s32 $0x32  }
.LBB2_4:
0x1a: {  	p0 =	sne.s32 s15, $0x1  }
.Ltmp1:
0x1b: {  	_ = 	snop;
	(pc) =	sbr.rel @p0 .LBB2_4-.Ltmp1, $4  }
0x1c: {  	_ = 	snop  }
0x1d: {  	_ =	swait.ge [sflag:s11], $0x400  }
0x1e: {  	[sflag:s11] =	ssyncset.done $0x0  }
0x1f: {  	s15 =	sadd.s32 $0xFFFFFFFF, s15;
	[sflag:s11] =	ssyncadd.s32 $0xFFFFFC00  }
0x20: {  	s15 =	simm.s32 $0x0  }
0x21: {  	s16 =	sand.u32 $0x1FF0, s15  }
0x22: {  	v1 =	vld [tilespmem:s16+$0x1900];
	_ =	sdelay $0x2  }
0x23: {  	v2 =	vmov s15  }
0x24: {  	v2 =	vshll.u32 v2, $0x3  }
0x25: {  	v2 =	vor.u32 v0, v2;
	v1 =	vand.u32 $0x7, v1  }
0x26: {  	v1 =	vor.u32 v2, v1;
	_ =	sdelay $0x4  }
0x27: {  	v1 =	vld.idx.msk [tilespmem:v1+s12+$0x0], $0xffff;
	_ =	sdelay $0x4  }
0x28: {  	v1 =	vmul.f32 $5.000000000e-01, v1;
	_ =	sdelay $0x1  }
0x29: {  	v1 =	vadd.f32 $5.000000000e-01, v1  }
0x2a: {  	s15 =	simm.s32 $0xFA00;
	s16 =	simm.s32 $0x10  }
0x2b: {  	s17 =	simm.s32 $0x20;
	s18 =	sand.u32 $0x1FF0, s16;
	[tilespmem:s15+$0x0] =	vst v1  }
.LBB2_6:
0x2c: {  	p0 =	sne.s32 s17, $0x18F0;
	v1 =	vld [tilespmem:s18+$0x1900];
	_ =	sdelay $0x2  }
0x2d: {  	v2 =	vmov s16;
	s16 =	smov.u32 s17  }
0x2e: {  	v2 =	vshll.u32 v2, $0x3  }
0x2f: {  	v2 =	vor.u32 v0, v2;
	v1 =	vand.u32 $0x7, v1  }
0x30: {  	v1 =	vor.u32 v2, v1;
	_ =	sdelay $0x4  }
0x31: {  	v1 =	vld.idx.msk [tilespmem:v1+s12+$0x0], $0xffff;
	_ =	sdelay $0x5  }
.Ltmp2:
0x32: {  	v1 =	vmul.f32 $5.000000000e-01, v1;
	(pc) =	sbr.rel @p0 .LBB2_6-.Ltmp2, $4  }
0x33: {  	_ = 	snop  }
0x34: {  	v1 =	vadd.f32 $5.000000000e-01, v1  }
0x35: {  	s15 =	sadd.s32 $0x10, s15  }
0x36: {  	s17 =	sadd.s32 $0x10, s17;
	s18 =	sand.u32 $0x1FF0, s16;
	[tilespmem:s15+$0x0] =	vst v1  }
0x37: {  	v1 =	vld [tilespmem:s18+$0x1900];
	_ =	sdelay $0x2  }
0x38: {  	v2 =	vmov s16  }
0x39: {  	v2 =	vshll.u32 v2, $0x3  }
0x3a: {  	v2 =	vor.u32 v0, v2;
	v1 =	vand.u32 $0x7, v1  }
0x3b: {  	v1 =	vor.u32 v2, v1;
	_ =	sdelay $0x4  }
0x3c: {  	v1 =	vld.idx.msk [tilespmem:v1+s12+$0x0], $0xffff;
	_ =	sdelay $0x4  }
0x3d: {  	v1 =	vmul.f32 $5.000000000e-01, v1;
	_ =	sdelay $0x1  }
0x3e: {  	s14 =	sadd.s32 $0x1, s14;
	v1 =	vadd.f32 $5.000000000e-01, v1  }
0x3f: {  	s15 =	sadd.s32 $0x10, s15;
	p0 =	sne.s32 s14, s7  }
.Ltmp3:
0x40: {  	[tilespmem:s15+$0x0] =	vst v1;
	(pc) =	sbr.rel @p0 .LBB2_1-.Ltmp3, $4  }
0x41: {  	[hbm4b:s6+s2] =	stream.linear.scatter [tilespmem:s13], [sflag:$0x2], $0x1900, $0x38;
	[tilespmem:$0x11300] =	vst v63  }
0x42: {  	_ =	swait.ge [sflag:s8], $0x1900  }
0x43: {  	[sflag:s8] =	ssyncset.done $0x0  }
0x44: {  	[sflag:s8] =	ssyncadd.s32 $0xFFFFE700  }
0x45: {  	_ =	sfence.sel $0x180000  }
0x46: {  	[bflag:$0x0] =	sbarrier.arrive $0xFFFF  }
0x47: {  	p0 =	sne.s32 s0, $0x0;
	_ =	strace $0x9000004A  }
0x48: {  	s0 =	sadd.s32 @!p0 $0x100000, s1;
	[bflag:$0x2] =	sbarrier.arrive $0xFFFF  }
0x49: {  	[sflag:s0] =	ssyncadd.tile.s32 @!p0 $0x1;
	_ =	shalt  }
.Lfunc_end2:
_tile_overlayer_lowered:
.L_overlay_start_2:
0x4a: {  	(tag) =	ssettag $0x2  }
0x4b: {  	s0 =	rddreg [dreg:$0x0];
	s2 =	stileid.u32  }
0x4c: {  	s1 =	rddreg [dreg:$0x1];
	p0 =	sne.s32 s2, $0x0  }
0x4d: {  	s3 =	rddreg [dreg:$0x2];
	[bflag:$0x3] =	sbarrier.arrive $0xFFFF;
	s2 =	simm.s32 @!p0 $0x1C02  }
0x4e: {  	[timem:s3], [sflag:s2] =	dma.local @!p0 [hbm:s0], s1  }
0x4f: {  	s0 =	simm.s32 @!p0 $0x2  }
0x50: {  	_ =	swait.ge @!p0 [sflag:s0], s1  }
0x51: {  	s1 =	ssub.s32 @!p0 $0x0, s1;
	[sflag:s0] =	ssyncset.done @!p0 $0x0  }
0x52: {  	[sflag:s0] =	ssyncadd.s32 @!p0 s1  }
0x53: {  	[bflag:$0x3] =	sbarrier.arrive $0xFFFF  }
0x54: {  	_ =	shalt  }

// kernel: kernel.9.cloned.1.call-start
scs
__scs_entry_jumppad:
0x0: {  	(pc) =	sbr.rel $0x88, $3  }
0x1: {  	(tag) =	ssettag $0x0;
	lr =	simm.s32 $0x1  }
0x2: {  	[smem:$0x3F96] =	sst lr;
	_ =	strace $0xD0000000  }
0x3: {  	_ = 	snop  }
0x4: {  	_ = 	snop  }
0x5: {  	_ = 	snop  }
0x6: {  	_ = 	snop  }
0x7: {  	_ = 	snop  }
__scs_overlays_trampoline_lowered:
0x8: {  	[smem:$0x3FA5] =	sst s0  }
0x9: {  	[smem:$0x3FA6] =	sst s1  }
0xa: {  	[smem:$0x3FA7] =	sst s2  }
0xb: {  	[smem:$0x3FA8] =	sst s3  }
0xc: {  	[smem:$0x3FA9] =	sst s4  }
0xd: {  	[smem:$0x3FAA] =	sst s5  }
0xe: {  	[smem:$0x3FAB] =	sst s6  }
0xf: {  	[smem:$0x3FAC] =	sst s7  }
0x10: {  	[smem:$0x3FAD] =	sst s8  }
0x11: {  	[smem:$0x3FAE] =	sst s9;
	s0 =	simm.s32 @!p0 $0x0  }
0x12: {  	s1 =	sld [smem:$0x3F94];
	s0 =	simm.s32 @p0 $0x1  }
0x13: {  	[smem:$0x3FAF] =	sst s0;
	s0 =	simm.s32 @!p1 $0x0  }
0x14: {  	s2 =	sld [smem:$0x3F93];
	s0 =	simm.s32 @p1 $0x1  }
0x15: {  	[smem:$0x3FB0] =	sst s0;
	s0 =	simm.s32 @!p2 $0x0  }
0x16: {  	s3 =	sld [smem:$0x3FDB];
	s0 =	simm.s32 @p2 $0x1  }
0x17: {  	s4 =	simm.s32 $0x1BF5;
	[smem:$0x3FB2] =	sst s0  }
0x18: {  	s0 =	sld [smem:$0x3F95];
	_ =	swait.ge [sflag:s4], $0x0  }
0x19: {  	s7 =	sld [smem:$0x3F96]  }
0x1a: {  	s8 =	sadd.s32 $0xFFFFE003, lr  }
0x1b: {  	s9 =	sadd.s32 $0xFFFFFEF7, lr;
	s5 =	simm.s32 $0xFFFFFFFF;
	p2 =	slt.u32 s8, $0xFFFFF086  }
0x1c: {  	p1 =	slt.u32 s9, $0xF7A;
	s5 =	simm.s32 @!p2 $0x0  }
0x1d: {  	s5 =	simm.s32 @p1 $0x1;
	p0 =	seq.s32 s7, s2  }
0x1e: {  	s7 =	smul.u32 @!p0 $0xF7A, s2;
	p2 =	seq.s32 @!p0 s5, $0x0  }
0x1f: {  	s9 =	smul.u32 $0xF7A, s1;
	s8 =	simm.s32 @!p0 $0x1BF5;
	p2 =	por !p2, p0  }
0x20: {  	[sflag:s8] =	ssyncset.s32 @!p0 $0xFFFFF086;
	s6 =	sadd.s32 @!p0 s3, s7;
	s7 =	simm.s32 @!p0 $0x108  }
0x21: {  	s3 =	sadd.s32 s3, s9;
	s6 =	sadd.s32 @!p0 $0x88, s6;
	s7 =	simm.s32 @p2 $0x1082  }
0x22: {  	[simem:s7], [sflag:s8] =	dma.local @!p0 [hbm:s6], $0xF7A  }
0x23: {  	s9 =	sor.u32 $0xD0000000, s2;
	s6 =	simm.s32 $0x108;
	_ =	swait.ge @!p0 [sflag:s8], $0x0  }
0x24: {  	s3 =	sadd.s32 $0x88, s3;
	s6 =	simm.s32 @!p1 $0x1082;
	[sflag:s4] =	ssyncset.s32 $0xFFFFF086  }
0x25: {  	[simem:s6], [sflag:s4] =	dma.local [hbm:s3], $0xF7A  }
0x26: {  	[smem:$0x3F96] =	sst s1;
	(tag) =	ssettag s2;
	_ =	strace s9  }
0x27: {  	s1 =	sld [smem:$0x3FA6]  }
0x28: {  	s2 =	sld [smem:$0x3FA7]  }
0x29: {  	s4 =	sld [smem:$0x3FA9]  }
0x2a: {  	p0 =	seq.s32 s5, $0x0;
	s5 =	sld [smem:$0x3FAA]  }
0x2b: {  	s6 =	sld [smem:$0x3FAB]  }
0x2c: {  	s7 =	sld [smem:$0x3FAC]  }
0x2d: {  	s3 =	simm.s32 $0x108;
	s8 =	sld [smem:$0x3FAD]  }
0x2e: {  	s3 =	simm.s32 @!p0 $0x1082;
	s9 =	sld [smem:$0x3FAE]  }
0x2f: {  	lr =	sadd.s32 s0, s3;
	s0 =	sld [smem:$0x3FA5]  }
0x30: {  	s3 =	sld [smem:$0x3FA8]  }
0x31: {  	[smem:$0x3FB1] =	sst s10  }
0x32: {  	s10 =	sld [smem:$0x3FAF];
	_ =	sdelay $0x3  }
0x33: {  	p0 =	seq.s32 s10, $0x1;
	s10 =	sld [smem:$0x3FB1];
	_ =	sdelay $0x3  }
0x34: {  	[smem:$0x3FB1] =	sst s10  }
0x35: {  	s10 =	sld [smem:$0x3FB0];
	_ =	sdelay $0x3  }
0x36: {  	p1 =	seq.s32 s10, $0x1;
	s10 =	sld [smem:$0x3FB1];
	_ =	sdelay $0x3  }
0x37: {  	[smem:$0x3FB1] =	sst s10  }
0x38: {  	s10 =	sld [smem:$0x3FB2]  }
0x39: {  	_ = 	snop;
	(pc) =	sbr.ind lr, $3  }
0x3a: {  	_ = 	snop  }
0x3b: {  	_ = 	snop  }
0x3c: {  	p2 =	seq.s32 s10, $0x1;
	s10 =	sld [smem:$0x3FB1]  }
0x3d: {  	_ =	shalt  }
0x3e: {  	_ =	shalt  }
0x3f: {  	_ =	shalt  }
0x40: {  	_ =	shalt  }
0x41: {  	_ =	shalt  }
0x42: {  	_ =	shalt  }
0x43: {  	_ =	shalt  }
0x44: {  	_ =	shalt  }
0x45: {  	_ =	shalt  }
0x46: {  	_ =	shalt  }
0x47: {  	_ =	shalt  }
0x48: {  	_ =	shalt  }
0x49: {  	_ =	shalt  }
0x4a: {  	_ =	shalt  }
0x4b: {  	_ =	shalt  }
0x4c: {  	_ =	shalt  }
0x4d: {  	_ =	shalt  }
0x4e: {  	_ =	shalt  }
0x4f: {  	_ =	shalt  }
0x50: {  	_ =	shalt  }
0x51: {  	_ =	shalt  }
0x52: {  	_ =	shalt  }
0x53: {  	_ =	shalt  }
0x54: {  	_ =	shalt  }
0x55: {  	_ =	shalt  }
0x56: {  	_ =	shalt  }
0x57: {  	_ =	shalt  }
0x58: {  	_ =	shalt  }
0x59: {  	_ =	shalt  }
0x5a: {  	_ =	shalt  }
0x5b: {  	_ =	shalt  }
0x5c: {  	_ =	shalt  }
0x5d: {  	_ =	shalt  }
0x5e: {  	_ =	shalt  }
0x5f: {  	_ =	shalt  }
0x60: {  	_ =	shalt  }
0x61: {  	_ =	shalt  }
0x62: {  	_ =	shalt  }
0x63: {  	_ =	shalt  }
0x64: {  	_ =	shalt  }
0x65: {  	_ =	shalt  }
0x66: {  	_ =	shalt  }
0x67: {  	_ =	shalt  }
0x68: {  	_ =	shalt  }
0x69: {  	_ =	shalt  }
0x6a: {  	_ =	shalt  }
0x6b: {  	_ =	shalt  }
0x6c: {  	_ =	shalt  }
0x6d: {  	_ =	shalt  }
0x6e: {  	_ =	shalt  }
0x6f: {  	_ =	shalt  }
0x70: {  	_ =	shalt  }
0x71: {  	_ =	shalt  }
0x72: {  	_ =	shalt  }
0x73: {  	_ =	shalt  }
0x74: {  	_ =	shalt  }
0x75: {  	_ =	shalt  }
0x76: {  	_ =	shalt  }
0x77: {  	_ =	shalt  }
0x78: {  	_ =	shalt  }
0x79: {  	_ =	shalt  }
0x7a: {  	_ =	shalt  }
0x7b: {  	_ =	shalt  }
0x7c: {  	_ =	shalt  }
0x7d: {  	_ =	shalt  }
0x7e: {  	_ =	shalt  }
0x7f: {  	_ =	shalt  }
0x80: {  	_ =	shalt  }
0x81: {  	_ =	shalt  }
0x82: {  	_ =	shalt  }
0x83: {  	_ =	shalt  }
0x84: {  	_ =	shalt  }
0x85: {  	_ =	shalt  }
0x86: {  	_ =	shalt  }
0x87: {  	_ =	shalt  }
.Lfunc_end0:
.L_simem_size_0:
called_computation.1_lowered:
.L_overlay_start_0:
0x88: {  	s2 =	sld [smem:$0x3FD9]  }
0x89: {  	s3 =	sld [smem:$0x3FFE];
	_ =	sdelay $0x1  }
0x8a: {  	s1 =	srdreg.scid  }
0x8b: {  	s0 =	sand.u32 $0x1, s1  }
0x8c: {  	s14 =	sshll.u32 s0, $0xA;
	s2 =	sadd.s32 s3, s2  }
0x8d: {  	s2 =	sadd.s32 s2, s14  }
0x8e: {  	[smem:$0x3FBD] =	sst s2  }
0x8f: {  	_ = 	snop  }
0x90: {  	s2 =	sld [smem:$0x3FD0];
	_ =	sdelay $0x2  }
0x91: {  	s15 =	simm.s32 $0xB;
	s4 =	simm.s32 $0x10  }
0x92: {  	[smem:s4], [sflag:s15] =	dma.local [hbm:s2], $0x1  }
0x93: {  	_ =	swait.eq [sflag:s15], $0x1  }
0x94: {  	[sflag:s15] =	ssyncset.done $0x0  }
0x95: {  	[sflag:s15] =	ssyncadd.s32 $0xFFFFFFFF  }
0x96: {  	s16 =	sld [smem:$0x10];
	(tm) =	ssettm $0x1  }
0x97: {  	s17 =	sld [smem:$0x3FFB];
	_ =	sdelay $0x3  }
0x98: {  	_ =	strace s17  }
0x99: {  	s3 =	sld [smem:$0x3FFC];
	_ =	sdelay $0x3  }
0x9a: {  	_ =	strace s3  }
0x9b: {  	s3 =	sld [smem:$0x3FFD];
	_ =	sdelay $0x3  }
0x9c: {  	_ =	strace s3  }
0x9d: {  	_ =	strace $0x8FFFFFFF  }
0x9e: {  	s18 =	sld [smem:$0x3FDB];
	_ =	sdelay $0x1  }
0x9f: {  	s19 =	simm.s32 $_scs_section_size  }
0xa0: {  	s5 =	simm.s32 $_size__tile_overlayer_lowered;
	s6 =	simm.s32 $_tile_overlayer_lowered  }
0xa1: {  	s22 =	simm.s32 $0x1BFF;
	s21 =	sshll.u32 s6, $0x1;
	s3 =	sadd.s32 s19, s18  }
0xa2: {  	s7 =	simm.s32 $0x0;
	s20 =	sshll.u32 s5, $0x1;
	s5 =	sadd.s32 s21, s3  }
0xa3: {  	[timem:s7], [sflag:s22] =	dma.local [hbm:s5], s20  }
0xa4: {  	_ =	swait.ge [sflag:s22], s20  }
0xa5: {  	s4 =	ssub.s32 $0x0, s20;
	[sflag:s22] =	ssyncset.done $0x0  }
0xa6: {  	[sflag:s22] =	ssyncadd.s32 s4;
	_ =	sdelay $0x1  }
0xa7: {  	s23 =	simm.s32 $0x1B8B  }
0xa8: {  	_ =	swait.ge [sflag:s23], $0x1  }
0xa9: {  	[sflag:s23] =	ssyncset.done $0x0  }
0xaa: {  	s25 =	simm.s32 $0x1B8E;
	s24 =	sld [smem:$0x3FFE];
	[sflag:s23] =	ssyncadd.s32 $0xFFFFFFFF  }
0xab: {  	s26 =	simm.s32 $execute0_lowered;
	[smem:$0x3FD2] =	sst s25  }
0xac: {  	s5 =	sshll.u32 s26, $0x1;
	_ =	strace $0x80000046;
	[dreg:$0x1] =	wrdreg $0xFFFFFFFF  }
0xad: {  	s28 =	simm.s32 $_size_execute0_lowered;
	s3 =	sadd.s32 s3, s5;
	[dreg:$0x0] =	wrdreg $0x0  }
0xae: {  	s5 =	sshll.u32 s28, $0x1;
	[dreg:$0x2] =	wrdreg s3  }
0xaf: {  	[dreg:$0x3] =	wrdreg s5  }
0xb0: {  	[dreg:$0x4] =	wrdreg $0xC0  }
0xb1: {  	_ =	task [dreg:s7], $0x5FFFF  }
0xb2: {  	[dreg:$0x1] =	wrdreg $0xFFFFFFFF  }
0xb3: {  	[dreg:$0x0] =	wrdreg $0x60  }
0xb4: {  	[dreg:$0x2] =	wrdreg s24  }
0xb5: {  	[dreg:$0x3] =	wrdreg s16  }
0xb6: {  	[dreg:$0x4] =	wrdreg $0xA  }
0xb7: {  	_ =	task.clear_ibuf [dreg:s7], $0x5FFFF;
	_ =	strace $0x90000046  }
0xb8: {  	s29 =	simm.s32 $0xA;
	_ =	strace $0x80000048  }
0xb9: {  	_ =	swait.ge [sflag:s29], $0x1  }
0xba: {  	[sflag:s29] =	ssyncadd.s32 $0xFFFFFFFF  }
0xbb: {  	_ =	strace $0x90000048  }
0xbc: {  	_ =	sfence  }
0xbd: {  	s30 =	sld [smem:$0x0];
	_ =	sdelay $0x2  }
0xbe: {  	s31 =	sshll.u32 s1, $0xD;
	s1 =	sshrl.u32 s1, $0x2  }
0xbf: {  	s3 =	sand.u32 $0x4000, s31;
	s1 =	sadd.s32 s1, s30  }
0xc0: {  	s0 =	sor.u32 s3, s0;
	s1 =	sshll.u32 s1, $0x11  }
0xc1: {  	s0 =	sor.u32 s1, s0  }
0xc2: {  	s0 =	sadd.s32 $0x8F2B, s0  }
0xc3: {  	[sflag:s0] =	ssyncadd.remote.s32 $0x1  }
0xc4: {  	_ =	sfence.sel $0xFFFF  }
0xc5: {  	[dreg:$0x0] =	wrdreg $0xFFFFFFFF;
	(pc) =	sbr.abs _section_cstart, $3  }
0xc6: {  	[dreg:$0x1] =	wrdreg $0xFFFFFFFF  }
0xc7: {  	_ =	task.clear_ibuf [dreg:s7], $0x2FFFF;
	_ =	strace $0x9FFFFFFF  }
0xc8: {  	(tm) =	ssettm $0x7FFFFFFF  }
0xc9: {  	_ =	shalt  }
tec
execute0_lowered:
.L_overlay_start_1:
0x0: {  	(tag) =	ssettag $0x1  }
0x1: {  	s0 =	srdreg.scid;
	s1 =	rddreg [dreg:$0x0]  }
0x2: {  	s2 =	stileid.u32;
	s5 =	rddreg [dreg:$0x1]  }
0x3: {  	s9 =	simm.s32 $0x3;
	s10 =	simm.s32 $0x64;
	s11 =	simm.s32 $0x1A00  }
0x4: {  	s13 =	simm.s32 $0x3300;
	s15 =	simm.s32 $0x4C00;
	s17 =	simm.s32 $0x6500  }
0x5: {  	s19 =	simm.s32 $0x7E00;
	s21 =	simm.s32 $0x9700;
	s23 =	simm.s32 $0xB000  }
0x6: {  	s25 =	simm.s32 $0xC900;
	s0 =	sand.u32 $0x1, s0;
	s2 =	sshll.u32 s2, $0x1  }
0x7: {  	s26 =	simm.s32 $0x1;
	s28 =	simm.s32 $0x2;
	s6 =	sor.u32 s0, s2  }
0x8: {  	s2 =	simm.s32 $0x0;
	s0 =	ssub.s32 $0x2, s0;
	s3 =	smul.u32 $0x340, s6  }
0x9: {  	[smem:$0x7FF] =	sst s2;
	s4 =	smul.u32 $0x320, s6;
	s31 =	sshrl.u32 s0, $0x1  }
0xa: {  	v0 =	vlaneseq.u32;
	s6 =	sshll.u32 s6, $0xA;
	_ =	strace $0x80000047;
	s0 =	ssub.s32 s0, s31  }
0xb: {  	v9 =	vmul.u32 $0x40, v0;
	s5 =	sadd.s32 s5, s6;
	s7 =	sadd.s32 s3, s1;
	s3 =	sadd.s32 $0x18F400, s1  }
0xc: {  	s1 =	sadd.s32 s4, s1;
	s8 =	smax.u32 s0, $0x1;
	s4 =	sadd.s32 $0x2200, s7  }
0xd: {  	[tilespmem:$0x1FFF0] =	vst v9;
	s6 =	sadd.s32 $0x8A00, s1;
	s7 =	sadd.s32 $0xEE00, s1;
	s1 =	simm.s32 $0x0  }
.LBB2_1:
0xe: {  	[tilespmem:s2], [sflag:$0x3] =	stream.linear.gather [hbm4b:s4+s2], $0x1A00, $0x38;
	[tilespmem:$0x13400] =	vst v63  }
0xf: {  	_ =	swait.ge [sflag:s9], $0x1A00  }
0x10: {  	[sflag:s9] =	ssyncset.done $0x0  }
0x11: {  	[sflag:s9] =	ssyncadd.s32 $0xFFFFE600  }
0x12: {  	[tilespmem:s11], [sflag:$0x1] =	stream.indirect.gather [hbm4b:s3+s10], $0x40, s2, s10, $0xb8;
	[tilespmem:$0x13400] =	vst v63  }
0x13: {  	s0 =	simm.s32 $0x68  }
0x14: {  	[tilespmem:s13], [sflag:$0x1] =	stream.indirect.gather [hbm4b:s3+s10], $0x40, s0, s10, $0xb8;
	[tilespmem:$0x13400] =	vst v63  }
0x15: {  	s20 =	simm.s32 $0xD0  }
0x16: {  	[tilespmem:s15], [sflag:$0x1] =	stream.indirect.gather [hbm4b:s3+s10], $0x40, s20, s10, $0xb8;
	[tilespmem:$0x13400] =	vst v63  }
0x17: {  	s22 =	simm.s32 $0x138  }
0x18: {  	[tilespmem:s17], [sflag:$0x1] =	stream.indirect.gather [hbm4b:s3+s10], $0x40, s22, s10, $0xb8;
	[tilespmem:$0x13400] =	vst v63  }
0x19: {  	s24 =	simm.s32 $0x1A0  }
0x1a: {  	[tilespmem:s19], [sflag:$0x2] =	stream.indirect.gather [hbm4b:s3+s10], $0x40, s24, s10, $0xb8;
	[tilespmem:$0x13400] =	vst v63  }
0x1b: {  	s29 =	simm.s32 $0x208;
	s30 =	simm.s32 $0x270  }
0x1c: {  	[tilespmem:s21], [sflag:$0x2] =	stream.indirect.gather [hbm4b:s3+s10], $0x40, s29, s10, $0xb8;
	[tilespmem:$0x13400] =	vst v63  }
0x1d: {  	s31 =	simm.s32 $0x2D8;
	s12 =	simm.s32 $0xFC90;
	s14 =	simm.s32 $0xFB00  }
0x1e: {  	[tilespmem:s23], [sflag:$0x2] =	stream.indirect.gather [hbm4b:s3+s10], $0x40, s30, s10, $0xb8;
	[tilespmem:$0x13400] =	vst v63  }
0x1f: {  	s16 =	simm.s32 $0xE200;
	s18 =	simm.s32 $0x0;
	s0 =	simm.s32 $0xE390  }
0x20: {  	[tilespmem:s25], [sflag:$0x2] =	stream.indirect.gather [hbm4b:s3+s10], $0x40, s31, s10, $0xb8;
	[tilespmem:$0x13400] =	vst v63  }
.LBB2_2:
0x21: {  	_ =	swait.ge [sflag:s26], $0x6400  }
0x22: {  	[sflag:s26] =	ssyncset.done $0x0  }
0x23: {  	s20 =	simm.s32 $0x0;
	[sflag:s26] =	ssyncadd.s32 $0xFFFF9C00  }
0x24: {  	v2 =	vld [tilespmem:s20+$0x1A40]  }
0x25: {  	v3 =	vld [tilespmem:s20+$0x1A50]  }
0x26: {  	v4 =	vld [tilespmem:s20+$0x1A60]  }
0x27: {  	v5 =	vld [tilespmem:s20+$0x1A70]  }
0x28: {  	v8 =	vld [tilespmem:s20+$0x26C0]  }
0x29: {  	v9 =	vld [tilespmem:s20+$0x26D0]  }
0x2a: {  	v11 =	vld [tilespmem:s20+$0x26E0]  }
0x2b: {  	v12 =	vld [tilespmem:s20+$0x26F0]  }
0x2c: {  	v14 =	vld [tilespmem:s20+$0x3340]  }
0x2d: {  	v15 =	vld [tilespmem:s20+$0x3350]  }
0x2e: {  	v16 =	vld [tilespmem:s20+$0x3360]  }
0x2f: {  	v17 =	vld [tilespmem:s20+$0x3370]  }
0x30: {  	v18 =	vld [tilespmem:s20+$0x3FC0]  }
0x31: {  	v19 =	vld [tilespmem:s20+$0x3FD0]  }
0x32: {  	v20 =	vld [tilespmem:s20+$0x3FE0]  }
0x33: {  	v21 =	vld [tilespmem:s20+$0x3FF0]  }
0x34: {  	v22 =	vld [tilespmem:s20+$0x4C40]  }
0x35: {  	v24 =	vld [tilespmem:s20+$0x4C50]  }
0x36: {  	v25 =	vld [tilespmem:s20+$0x4C60]  }
0x37: {  	v27 =	vld [tilespmem:s20+$0x4C70]  }
0x38: {  	v28 =	vld [tilespmem:s20+$0x58C0]  }
0x39: {  	v29 =	vld [tilespmem:s20+$0x58D0]  }
0x3a: {  	v30 =	vld [tilespmem:s20+$0x58E0]  }
0x3b: {  	v34 =	vld [tilespmem:s20+$0x58F0]  }
0x3c: {  	v13 =	vld [tilespmem:s20+$0x6540]  }
0x3d: {  	v10 =	vld [tilespmem:s20+$0x6550]  }
0x3e: {  	v23 =	vld [tilespmem:s20+$0x1A00]  }
0x3f: {  	v26 =	vld [tilespmem:s20+$0x1A10]  }
0x40: {  	v31 =	vld [tilespmem:s20+$0x1A20]  }
0x41: {  	v32 =	vld [tilespmem:s20+$0x1A30]  }
0x42: {  	v36 =	vld [tilespmem:s20+$0x26A0]  }
0x43: {  	v37 =	vld [tilespmem:s20+$0x26B0]  }
0x44: {  	v39 =	vld [tilespmem:s20+$0x3310]  }
0x45: {  	v51 =	vld [tilespmem:s20+$0x3F90]  }
0x46: {  	v62 =	vimm.f32 $0.0e+00;
	v7 =	vld [tilespmem:s20+$0x6560]  }
0x47: {  	v33 =	vld [tilespmem:s20+$0x2680];
	v23 =	vadd.f32 v23, v62;
	v26 =	vadd.f32 v26, v62  }
0x48: {  	v35 =	vld [tilespmem:s20+$0x2690];
	v31 =	vadd.f32 v31, v62;
	v32 =	vadd.f32 v32, v62  }
0x49: {  	v6 =	vld [tilespmem:s20+$0x6570];
	v48 =	vadd.f32 v36, v62;
	v49 =	vadd.f32 v37, v62  }
0x4a: {  	v47 =	vld [tilespmem:s20+$0x3330];
	v52 =	vadd.f32 v39, v62;
	v56 =	vadd.f32 v51, v62  }
0x4b: {  	v53 =	vld [tilespmem:s20+$0x3FB0];
	v60 =	vadd.f32 v2, v23;
	v63 =	vadd.f32 v3, v26  }
0x4c: {  	v38 =	vld [tilespmem:s20+$0x3300];
	v0 =	vadd.f32 v4, v31;
	v46 =	vadd.f32 v5, v32  }
0x4d: {  	v23 =	vld [tilespmem:s20+$0x3320];
	v26 =	vadd.f32 v33, v62;
	v31 =	vadd.f32 v35, v62  }
0x4e: {  	v57 =	vld [tilespmem:s20+$0x4C30];
	v11 =	vadd.f32 v11, v48;
	v12 =	vadd.f32 v12, v49  }
0x4f: {  	v50 =	vld [tilespmem:s20+$0x3F80];
	v32 =	vadd.f32 v47, v62;
	v15 =	vadd.f32 v15, v52  }
0x50: {  	v35 =	vadd.f32 v53, v62;
	v8 =	vadd.f32 v8, v26;
	v26 =	vld [tilespmem:s20+$0x3FA0]  }
0x51: {  	v54 =	vld [tilespmem:s20+$0x4C00];
	v9 =	vadd.f32 v9, v31;
	v31 =	vadd.f32 v38, v62  }
0x52: {  	v55 =	vld [tilespmem:s20+$0x4C10];
	v19 =	vadd.f32 v19, v56;
	v23 =	vadd.f32 v23, v62  }
0x53: {  	v33 =	vadd.f32 v57, v62;
	v14 =	vadd.f32 v14, v31;
	v31 =	vld [tilespmem:s20+$0x4C20]  }
0x54: {  	v58 =	vld [tilespmem:s20+$0x5880];
	v16 =	vadd.f32 v16, v23;
	v23 =	vadd.f32 v50, v62  }
0x55: {  	v40 =	vld [tilespmem:s20+$0x5890];
	v17 =	vadd.f32 v17, v32;
	v26 =	vadd.f32 v26, v62  }
0x56: {  	v59 =	vld [tilespmem:s20+$0x58A0];
	v21 =	vadd.f32 v21, v35;
	v18 =	vadd.f32 v18, v23  }
0x57: {  	v61 =	vld [tilespmem:s20+$0x58B0];
	v20 =	vadd.f32 v20, v26;
	v23 =	vadd.f32 v54, v62  }
0x58: {  	v41 =	vld [tilespmem:s20+$0x6500];
	v26 =	vadd.f32 v55, v62;
	v31 =	vadd.f32 v31, v62  }
0x59: {  	v43 =	vld [tilespmem:s20+$0x6510];
	v27 =	vadd.f32 v27, v33;
	v23 =	vadd.f32 v22, v23  }
0x5a: {  	v44 =	vld [tilespmem:s20+$0x6520];
	v24 =	vadd.f32 v24, v26;
	v26 =	vadd.f32 v25, v31  }
0x5b: {  	v45 =	vld [tilespmem:s20+$0x6530];
	v22 =	vadd.f32 v58, v62;
	v25 =	vadd.f32 v40, v62  }
0x5c: {  	v42 =	vld [tilespmem:s20+$0x71A0];
	v35 =	vadd.f32 v61, v62;
	v31 =	vadd.f32 v59, v62  }
0x5d: {  	v37 =	vld [tilespmem:s20+$0x71C0];
	v33 =	vadd.f32 v28, v22;
	v32 =	vadd.f32 v29, v25  }
0x5e: {  	v39 =	vld [tilespmem:s20+$0x7180];
	v36 =	vimm.f32 $0.0e+00;
	v31 =	vadd.f32 v30, v31;
	v29 =	vadd.f32 v34, v35  }
0x5f: {  	[tilespmem:$0x1FFD0] =	vst v0;
	v38 =	vld [tilespmem:s20+$0x71D0];
	v34 =	vimm.f32 $0.0e+00;
	v35 =	vimm.f32 $0.0e+00;
	v30 =	vimm.f32 $0.0e+00  }
0x60: {  	s22 =	simm.s32 $0x200;
	[tilespmem:$0x1FFE0] =	vst v46;
	v40 =	vld [tilespmem:s20+$0x7190];
	v28 =	vimm.f32 $0.0e+00;
	v25 =	vimm.f32 $0.0e+00;
	v22 =	vimm.f32 $0.0e+00  }
.LBB2_3:
0x61: {  	v58 =	vld [tilespmem:s20+$0x71B0]  }
0x62: {  	v59 =	vld [tilespmem:s20+$0x71E0];
	v34 =	vadd.f32 v43, v34  }
0x63: {  	v5 =	vld [tilespmem:$0x1FFD0]  }
0x64: {  	v34 =	vadd.f32 v10, v34;
	v10 =	vld [tilespmem:s20+$0x71F0];
	s20 =	sshra.s32 s22, $0x2  }
0x65: {  	v36 =	vadd.f32 v44, v36;
	v35 =	vadd.f32 v45, v35;
	v44 =	vld [tilespmem:s20+$0x1A40]  }
0x66: {  	v1 =	vadd.f32 v41, v62;
	v45 =	vld [tilespmem:s20+$0x1A50]  }
0x67: {  	v35 =	vadd.f32 v6, v35;
	v6 =	vadd.f32 v39, v30;
	v39 =	vld [tilespmem:s20+$0x1A60]  }
0x68: {  	v36 =	vadd.f32 v7, v36;
	v7 =	vadd.f32 v40, v28;
	v40 =	vld [tilespmem:s20+$0x1A70]  }
0x69: {  	v41 =	vld [tilespmem:s20+$0x26C0]  }
0x6a: {  	v62 =	vadd.f32 v13, v1;
	v13 =	vadd.f32 v42, v25;
	v42 =	vld [tilespmem:s20+$0x26D0]  }
0x6b: {  	v43 =	vld [tilespmem:s20+$0x26E0]  }
0x6c: {  	v46 =	vld [tilespmem:s20+$0x26F0]  }
0x6d: {  	v47 =	vld [tilespmem:s20+$0x3340]  }
0x6e: {  	v48 =	vld [tilespmem:s20+$0x3350]  }
0x6f: {  	v49 =	vld [tilespmem:s20+$0x3360]  }
0x70: {  	v50 =	vld [tilespmem:s20+$0x3370]  }
0x71: {  	v51 =	vld [tilespmem:s20+$0x3FC0]  }
0x72: {  	v52 =	vld [tilespmem:s20+$0x3FD0]  }
0x73: {  	v53 =	vld [tilespmem:s20+$0x3FE0]  }
0x74: {  	v54 =	vld [tilespmem:s20+$0x3FF0]  }
0x75: {  	v55 =	vld [tilespmem:s20+$0x4C40]  }
0x76: {  	v56 =	vld [tilespmem:s20+$0x4C50]  }
0x77: {  	v57 =	vld [tilespmem:s20+$0x4C60]  }
0x78: {  	v22 =	vadd.f32 v58, v22;
	v58 =	vld [tilespmem:s20+$0x4C70]  }
0x79: {  	v0 =	vld [tilespmem:s20+$0x58C0]  }
0x7a: {  	v61 =	vld [tilespmem:s20+$0x58D0]  }
0x7b: {  	v4 =	vmov v63;
	v63 =	vld [tilespmem:s20+$0x1A00]  }
0x7c: {  	v1 =	vld [tilespmem:s20+$0x1A20]  }
0x7d: {  	v2 =	vld [tilespmem:s20+$0x1A30]  }
0x7e: {  	v3 =	vld [tilespmem:s20+$0x2680]  }
0x7f: {  	v30 =	vadd.f32 v37, v6;
	v37 =	vld [tilespmem:s20+$0x58E0]  }
0x80: {  	v28 =	vadd.f32 v38, v7;
	v38 =	vld [tilespmem:s20+$0x58F0]  }
0x81: {  	v25 =	vadd.f32 v59, v13;
	v13 =	vld [tilespmem:s20+$0x6540]  }
0x82: {  	v7 =	vld [tilespmem:s20+$0x6560]  }
0x83: {  	v6 =	vld [tilespmem:s20+$0x6570]  }
0x84: {  	v59 =	vld [tilespmem:s20+$0x2690]  }
0x85: {  	v22 =	vadd.f32 v10, v22;
	v10 =	vld [tilespmem:s20+$0x6550]  }
0x86: {  	[tilespmem:$0x1FF90] =	vst v0;
	v0 =	vld [tilespmem:s20+$0x1A10]  }
0x87: {  	[tilespmem:$0x1FFA0] =	vst v61;
	v61 =	vld [tilespmem:s20+$0x26A0]  }
0x88: {  	v1 =	vadd.f32 v1, v5;
	v5 =	vld [tilespmem:$0x1FFE0]  }
0x89: {  	v63 =	vadd.f32 v63, v60;
	v60 =	vld [tilespmem:s20+$0x3310]  }
0x8a: {  	[tilespmem:$0x1FFB0] =	vst v37;
	v37 =	vld [tilespmem:s20+$0x71C0]  }
0x8b: {  	[tilespmem:$0x1FFC0] =	vst v38;
	v38 =	vld [tilespmem:s20+$0x71D0];
	v59 =	vadd.f32 v59, v9  }
0x8c: {  	v1 =	vadd.f32 v39, v1;
	v39 =	vld [tilespmem:s20+$0x3F80]  }
0x8d: {  	v9 =	vadd.f32 v42, v59;
	v42 =	vld [tilespmem:s20+$0x71A0]  }
0x8e: {  	v0 =	vadd.f32 v0, v4;
	v4 =	vld [tilespmem:s20+$0x26B0]  }
0x8f: {  	[tilespmem:$0x1FFD0] =	vst v1;
	v1 =	vadd.f32 v3, v8;
	v2 =	vadd.f32 v2, v5;
	v5 =	vld [tilespmem:s20+$0x3300]  }
0x90: {  	v11 =	vadd.f32 v61, v11;
	v61 =	vld [tilespmem:s20+$0x4C00]  }
0x91: {  	v8 =	vadd.f32 v41, v1;
	v1 =	vld [tilespmem:s20+$0x3FA0]  }
0x92: {  	v44 =	vadd.f32 v44, v63;
	v41 =	vld [tilespmem:s20+$0x6500]  }
0x93: {  	v63 =	vadd.f32 v45, v0;
	v0 =	vld [tilespmem:s20+$0x3320];
	v45 =	vadd.f32 v40, v2  }
0x94: {  	v40 =	vld [tilespmem:s20+$0x3F90]  }
0x95: {  	[tilespmem:$0x1FFE0] =	vst v45;
	v45 =	vld [tilespmem:s20+$0x3330];
	v4 =	vadd.f32 v4, v12  }
0x96: {  	v11 =	vadd.f32 v43, v11;
	v59 =	vadd.f32 v5, v14;
	v5 =	vld [tilespmem:s20+$0x3FB0]  }
0x97: {  	v12 =	vadd.f32 v46, v4;
	v4 =	vadd.f32 v60, v15;
	v46 =	vld [tilespmem:s20+$0x4C20]  }
0x98: {  	v1 =	vadd.f32 v1, v20;
	v14 =	vadd.f32 v47, v59;
	v59 =	vld [tilespmem:$0x1FFB0]  }
0x99: {  	v0 =	vadd.f32 v0, v16;
	v15 =	vadd.f32 v48, v4;
	v4 =	vld [tilespmem:s20+$0x4C30]  }
0x9a: {  	v20 =	vadd.f32 v53, v1;
	v53 =	vadd.f32 v61, v23;
	v61 =	vld [tilespmem:$0x1FFC0]  }
0x9b: {  	v3 =	vadd.f32 v45, v17;
	v45 =	vld [tilespmem:s20+$0x4C10];
	v48 =	vadd.f32 v40, v19  }
0x9c: {  	v16 =	vadd.f32 v49, v0;
	v49 =	vld [tilespmem:s20+$0x5880];
	v5 =	vadd.f32 v5, v21  }
0x9d: {  	v47 =	vadd.f32 v39, v18;
	v19 =	vadd.f32 v52, v48;
	v52 =	vld [tilespmem:s20+$0x58A0]  }
0x9e: {  	v21 =	vadd.f32 v54, v5;
	v5 =	vld [tilespmem:s20+$0x58B0];
	v4 =	vadd.f32 v4, v27  }
0x9f: {  	v18 =	vadd.f32 v51, v47;
	v17 =	vadd.f32 v50, v3;
	v50 =	vld [tilespmem:s20+$0x5890]  }
0xa0: {  	v2 =	vadd.f32 v46, v26;
	v27 =	vadd.f32 v58, v4;
	v4 =	vld [tilespmem:$0x1FF90]  }
0xa1: {  	p0 =	sne.s32 s22, $0x3000;
	v23 =	vadd.f32 v55, v53;
	v54 =	vadd.f32 v45, v24;
	v58 =	vld [tilespmem:$0x1FFA0]  }
.Ltmp0:
0xa2: {  	v43 =	vld [tilespmem:s20+$0x6510];
	v26 =	vadd.f32 v57, v2;
	v55 =	vadd.f32 v49, v33;
	(pc) =	sbr.rel @p0 .LBB2_3-.Ltmp0, $4  }
0xa3: {  	v60 =	vmov v44;
	v44 =	vld [tilespmem:s20+$0x6520];
	v0 =	vadd.f32 v52, v31;
	v57 =	vadd.f32 v5, v29  }
0xa4: {  	v39 =	vld [tilespmem:s20+$0x7180];
	v24 =	vadd.f32 v56, v54;
	v56 =	vadd.f32 v50, v32  }
0xa5: {  	v40 =	vld [tilespmem:s20+$0x7190];
	v31 =	vadd.f32 v59, v0;
	v29 =	vadd.f32 v61, v57  }
0xa6: {  	s22 =	sadd.s32 $0x200, s22;
	v45 =	vld [tilespmem:s20+$0x6530];
	v33 =	vadd.f32 v4, v55;
	v32 =	vadd.f32 v58, v56  }
0xa7: {  	v0 =	vld [tilespmem:s20+$0x71B0];
	s22 =	sshll.u32 s18, $0xA  }
0xa8: {  	v1 =	vld [tilespmem:s20+$0x71E0];
	s31 =	sand.u32 $0x3FFFFC00, s22  }
0xa9: {  	v2 =	vld [tilespmem:s20+$0x71F0];
	[tilespmem:s31+$0x11400] =	vst v60  }
0xaa: {  	[tilespmem:s31+$0x11410] =	vst v63  }
0xab: {  	[tilespmem:s31+$0x11440] =	vst v8  }
0xac: {  	[tilespmem:s31+$0x11450] =	vst v9  }
0xad: {  	[tilespmem:s31+$0x11460] =	vst v11  }
0xae: {  	[tilespmem:s31+$0x11470] =	vst v12  }
0xaf: {  	[tilespmem:s31+$0x11480] =	vst v14  }
0xb0: {  	[tilespmem:s31+$0x11490] =	vst v15  }
0xb1: {  	[tilespmem:s31+$0x114A0] =	vst v16  }
0xb2: {  	[tilespmem:s31+$0x114B0] =	vst v17  }
0xb3: {  	v3 =	vld [tilespmem:$0x1FFD0];
	[tilespmem:s31+$0x114C0] =	vst v18  }
0xb4: {  	[tilespmem:s31+$0x114D0] =	vst v19  }
0xb5: {  	[tilespmem:s31+$0x114E0] =	vst v20  }
0xb6: {  	[tilespmem:s31+$0x114F0] =	vst v21  }
0xb7: {  	[tilespmem:s31+$0x11500] =	vst v23  }
0xb8: {  	[tilespmem:s31+$0x11420] =	vst v3;
	v3 =	vld [tilespmem:$0x1FFE0]  }
0xb9: {  	[tilespmem:s31+$0x11510] =	vst v24  }
0xba: {  	[tilespmem:s31+$0x11520] =	vst v26  }
0xbb: {  	[tilespmem:s31+$0x11530] =	vst v27  }
0xbc: {  	v4 =	vadd.f32 v43, v34;
	[tilespmem:s31+$0x11540] =	vst v33  }
0xbd: {  	[tilespmem:s31+$0x11430] =	vst v3;
	v3 =	vadd.f32 v41, v62  }
0xbe: {  	[tilespmem:s31+$0x11550] =	vst v32;
	v4 =	vadd.f32 v10, v4;
	v9 =	vld [tilespmem:$0x1FFF0]  }
0xbf: {  	v5 =	vadd.f32 v44, v36;
	[tilespmem:s31+$0x11560] =	vst v31;
	v3 =	vadd.f32 v13, v3  }
0xc0: {  	s24 =	simm.s32 $0x0;
	v8 =	vadd.f32 v45, v35;
	[tilespmem:s31+$0x11590] =	vst v4  }
0xc1: {  	v5 =	vadd.f32 v7, v5;
	v4 =	vadd.f32 v42, v25;
	[tilespmem:s31+$0x11580] =	vst v3;
	v3 =	vmov s24  }
0xc2: {  	[tilespmem:s31+$0x11570] =	vst v29;
	v0 =	vadd.f32 v0, v22;
	v6 =	vadd.f32 v6, v8;
	v3 =	vshll.u32 v3, $0x6  }
0xc3: {  	[tilespmem:s31+$0x115A0] =	vst v5;
	v8 =	vadd.f32 v40, v28;
	v1 =	vadd.f32 v1, v4;
	v3 =	vor.u32 v9, v3  }
0xc4: {  	v0 =	vadd.f32 v2, v0;
	[tilespmem:s31+$0x115B0] =	vst v6;
	v62 =	vadd.f32 v39, v30;
	v63 =	vor.u32 $0x32, v3  }
0xc5: {  	v5 =	vadd.f32 v38, v8;
	[tilespmem:s31+$0x115E0] =	vst v1;
	v3 =	vor.u32 $0x33, v3  }
0xc6: {  	[tilespmem:s31+$0x115F0] =	vst v0;
	v7 =	vadd.f32 v37, v62  }
0xc7: {  	s30 =	simm.s32 $0x10;
	[tilespmem:s31+$0x115D0] =	vst v5  }
0xc8: {  	v0 =	vmov s30;
	[tilespmem:s31+$0x115C0] =	vst v7  }
0xc9: {  	v0 =	vshll.u32 v0, $0x6;
	v1 =	vld.idx.msk [tilespmem:v63+s11+$0x0], $0xffff  }
0xca: {  	v0 =	vor.u32 v9, v0;
	v2 =	vld.idx.msk [tilespmem:v3+s11+$0x0], $0xffff  }
0xcb: {  	v3 =	vor.u32 $0x32, v0  }
0xcc: {  	v0 =	vor.u32 $0x33, v0;
	_ =	sdelay $0x1  }
0xcd: {  	[tilespmem:s16+$0x0] =	vst v1  }
0xce: {  	s31 =	simm.s32 $0x20;
	[tilespmem:s14+$0x0] =	vst v2  }
0xcf: {  	v2 =	vmov s31;
	v1 =	vld.idx.msk [tilespmem:v3+s11+$0x0], $0xffff  }
0xd0: {  	s29 =	simm.s32 $0x30;
	s20 =	smov.u32 s14;
	s24 =	smov.u32 s16;
	v3 =	vshll.u32 v2, $0x6;
	v2 =	vld.idx.msk [tilespmem:v0+s11+$0x0], $0xffff  }
.LBB2_5:
0xd1: {  	p0 =	sne.s32 s29, $0x180;
	v0 =	vor.u32 v9, v3  }
0xd2: {  	v3 =	vor.u32 $0x32, v0  }
0xd3: {  	v0 =	vor.u32 $0x33, v0  }
.Ltmp1:
0xd4: {  	s24 =	sadd.s32 $0x10, s24;
	(pc) =	sbr.rel @p0 .LBB2_5-.Ltmp1, $4  }
0xd5: {  	s20 =	sadd.s32 $0x10, s20;
	[tilespmem:s24+$0x0] =	vst v1  }
0xd6: {  	[tilespmem:s20+$0x0] =	vst v2  }
0xd7: {  	v2 =	vmov s29;
	v1 =	vld.idx.msk [tilespmem:v3+s11+$0x0], $0xffff  }
0xd8: {  	s29 =	sadd.s32 $0x10, s29;
	v3 =	vshll.u32 v2, $0x6;
	v2 =	vld.idx.msk [tilespmem:v0+s11+$0x0], $0xffff  }
0xd9: {  	v0 =	vor.u32 v9, v3  }
0xda: {  	v3 =	vor.u32 $0x32, v0  }
0xdb: {  	v0 =	vor.u32 $0x33, v0  }
0xdc: {  	s24 =	sadd.s32 $0x10, s24  }
0xdd: {  	s29 =	sadd.s32 $0x10, s20;
	[tilespmem:s24+$0x0] =	vst v1  }
0xde: {  	[tilespmem:s29+$0x0] =	vst v2  }
0xdf: {  	v1 =	vld.idx.msk [tilespmem:v3+s11+$0x0], $0xffff  }
0xe0: {  	s20 =	sshll.u32 s18, $0x3;
	v0 =	vld.idx.msk [tilespmem:v0+s11+$0x0], $0xffff  }
0xe1: {  	s30 =	sadd.s32 $0x8, s20  }
0xe2: {  	s30 =	sand.u32 $0x38, s30  }
0xe3: {  	s31 =	sadd.s32 $0x9, s20;
	s24 =	sadd.s32 $0x10, s24;
	s30 =	smul.u32 $0x1A0, s30  }
0xe4: {  	[tilespmem:s24+$0x0] =	vst v1;
	s24 =	sadd.s32 $0x10, s29;
	s29 =	sand.u32 $0x39, s31  }
0xe5: {  	s30 =	sshrl.u32 s30, $0x2;
	[tilespmem:s24+$0x0] =	vst v0;
	s29 =	smul.u32 $0x1A0, s29  }
0xe6: {  	[tilespmem:s11], [sflag:$0x1] =	stream.indirect.gather [hbm4b:s3+s10], $0x40, s30, s10, $0xb8;
	[tilespmem:$0x13400] =	vst v63  }
0xe7: {  	s30 =	sadd.s32 $0xA, s20  }
0xe8: {  	s31 =	sshrl.u32 s29, $0x2;
	s24 =	sand.u32 $0x3A, s30  }
0xe9: {  	[tilespmem:s13], [sflag:$0x1] =	stream.indirect.gather [hbm4b:s3+s10], $0x40, s31, s10, $0xb8;
	[tilespmem:$0x13400] =	vst v63  }
0xea: {  	s29 =	sadd.s32 $0xB, s20;
	s24 =	smul.u32 $0x1A0, s24  }
0xeb: {  	s29 =	sand.u32 $0x3B, s29  }
0xec: {  	s29 =	smul.u32 $0x1A0, s29;
	s24 =	sshrl.u32 s24, $0x2  }
0xed: {  	[tilespmem:s15], [sflag:$0x1] =	stream.indirect.gather [hbm4b:s3+s10], $0x40, s24, s10, $0xb8;
	[tilespmem:$0x13400] =	vst v63  }
0xee: {  	s31 =	sshrl.u32 s29, $0x2  }
0xef: {  	[tilespmem:s17], [sflag:$0x1] =	stream.indirect.gather [hbm4b:s3+s10], $0x40, s31, s10, $0xb8;
	[tilespmem:$0x13400] =	vst v63  }
0xf0: {  	_ =	swait.ge [sflag:s28], $0x6400  }
0xf1: {  	[sflag:s28] =	ssyncset.done $0x0  }
0xf2: {  	s24 =	simm.s32 $0x0;
	[sflag:s28] =	ssyncadd.s32 $0xFFFF9C00  }
0xf3: {  	v40 =	vld [tilespmem:s24+$0x7E40]  }
0xf4: {  	v41 =	vld [tilespmem:s24+$0x7E50]  }
0xf5: {  	v4 =	vld [tilespmem:s24+$0x7E60]  }
0xf6: {  	v5 =	vld [tilespmem:s24+$0x7E70]  }
0xf7: {  	v8 =	vld [tilespmem:s24+$0x8AC0]  }
0xf8: {  	v9 =	vld [tilespmem:s24+$0x8AD0]  }
0xf9: {  	v11 =	vld [tilespmem:s24+$0x8AE0]  }
0xfa: {  	v12 =	vld [tilespmem:s24+$0x8AF0]  }
0xfb: {  	v14 =	vld [tilespmem:s24+$0x9740]  }
0xfc: {  	v15 =	vld [tilespmem:s24+$0x9750]  }
0xfd: {  	v16 =	vld [tilespmem:s24+$0x9760]  }
0xfe: {  	v17 =	vld [tilespmem:s24+$0x9770]  }
0xff: {  	v18 =	vld [tilespmem:s24+$0xA3C0]  }
0x100: {  	v19 =	vld [tilespmem:s24+$0xA3D0]  }
0x101: {  	v20 =	vld [tilespmem:s24+$0xA3E0]  }
0x102: {  	v21 =	vld [tilespmem:s24+$0xA3F0]  }
0x103: {  	v22 =	vld [tilespmem:s24+$0xB040]  }
0x104: {  	v24 =	vld [tilespmem:s24+$0xB050]  }
0x105: {  	v25 =	vld [tilespmem:s24+$0xB060]  }
0x106: {  	v27 =	vld [tilespmem:s24+$0xB070]  }
0x107: {  	v28 =	vld [tilespmem:s24+$0xBCC0]  }
0x108: {  	v29 =	vld [tilespmem:s24+$0xBCD0]  }
0x109: {  	v30 =	vld [tilespmem:s24+$0xBCE0]  }
0x10a: {  	v34 =	vld [tilespmem:s24+$0xBCF0]  }
0x10b: {  	v13 =	vld [tilespmem:s24+$0xC940]  }
0x10c: {  	v10 =	vld [tilespmem:s24+$0xC950]  }
0x10d: {  	v42 =	vld [tilespmem:s24+$0x7E00]  }
0x10e: {  	v23 =	vld [tilespmem:s24+$0x7E10]  }
0x10f: {  	v26 =	vld [tilespmem:s24+$0x7E20]  }
0x110: {  	v31 =	vld [tilespmem:s24+$0x7E30]  }
0x111: {  	v35 =	vld [tilespmem:s24+$0x8AA0]  }
0x112: {  	v36 =	vld [tilespmem:s24+$0x8AB0]  }
0x113: {  	v38 =	vld [tilespmem:s24+$0x9710]  }
0x114: {  	v43 =	vld [tilespmem:s24+$0x9720]  }
0x115: {  	v48 =	vld [tilespmem:s24+$0xA380]  }
0x116: {  	v46 =	vimm.f32 $0.0e+00;
	v60 =	vld [tilespmem:s24+$0xBCB0]  }
0x117: {  	v7 =	vld [tilespmem:s24+$0xC960];
	v2 =	vadd.f32 v42, v46;
	v23 =	vadd.f32 v23, v46  }
0x118: {  	v32 =	vld [tilespmem:s24+$0x8A80];
	v26 =	vadd.f32 v26, v46;
	v31 =	vadd.f32 v31, v46  }
0x119: {  	v33 =	vld [tilespmem:s24+$0x8A90];
	v45 =	vadd.f32 v35, v46;
	v47 =	vadd.f32 v36, v46  }
0x11a: {  	v6 =	vld [tilespmem:s24+$0xC970];
	v50 =	vadd.f32 v38, v46;
	v0 =	vadd.f32 v43, v46  }
0x11b: {  	v37 =	vld [tilespmem:s24+$0x9700];
	v54 =	vadd.f32 v48, v46;
	v62 =	vadd.f32 v60, v46  }
0x11c: {  	v51 =	vld [tilespmem:s24+$0xA3B0];
	v59 =	vadd.f32 v40, v2;
	v63 =	vadd.f32 v41, v23  }
0x11d: {  	v55 =	vld [tilespmem:s24+$0xB030];
	v44 =	vadd.f32 v4, v26;
	v61 =	vadd.f32 v5, v31  }
0x11e: {  	v49 =	vld [tilespmem:s24+$0xA390];
	v23 =	vadd.f32 v32, v46;
	v26 =	vadd.f32 v33, v46  }
0x11f: {  	v58 =	vld [tilespmem:s24+$0xBCA0];
	v11 =	vadd.f32 v11, v45;
	v12 =	vadd.f32 v12, v47  }
0x120: {  	v31 =	vld [tilespmem:s24+$0x9730];
	v15 =	vadd.f32 v15, v50;
	v16 =	vadd.f32 v16, v0  }
0x121: {  	v33 =	vadd.f32 v51, v46;
	v8 =	vadd.f32 v8, v23;
	v23 =	vld [tilespmem:s24+$0xA3A0]  }
0x122: {  	v52 =	vld [tilespmem:s24+$0xB000];
	v18 =	vadd.f32 v18, v54;
	v32 =	vadd.f32 v55, v46  }
0x123: {  	v53 =	vld [tilespmem:s24+$0xB010];
	v9 =	vadd.f32 v9, v26;
	v26 =	vadd.f32 v37, v46  }
0x124: {  	v56 =	vld [tilespmem:s24+$0xBC80];
	v0 =	vadd.f32 v58, v46;
	v21 =	vadd.f32 v21, v33  }
0x125: {  	v14 =	vadd.f32 v14, v26;
	v26 =	vld [tilespmem:s24+$0xB020];
	v31 =	vadd.f32 v31, v46  }
0x126: {  	v57 =	vld [tilespmem:s24+$0xBC90];
	v27 =	vadd.f32 v27, v32;
	v23 =	vadd.f32 v23, v46  }
0x127: {  	v39 =	vld [tilespmem:s24+$0xD580];
	v17 =	vadd.f32 v17, v31;
	v31 =	vadd.f32 v49, v46  }
0x128: {  	v38 =	vld [tilespmem:s24+$0xD5D0];
	v20 =	vadd.f32 v20, v23;
	v23 =	vadd.f32 v52, v46  }
0x129: {  	v43 =	vld [tilespmem:s24+$0xC910];
	v19 =	vadd.f32 v19, v31;
	v31 =	vadd.f32 v53, v46  }
0x12a: {  	v42 =	vld [tilespmem:s24+$0xD5A0];
	v26 =	vadd.f32 v26, v46;
	v23 =	vadd.f32 v22, v23  }
0x12b: {  	v36 =	vimm.f32 $0.0e+00;
	v41 =	vld [tilespmem:s24+$0xC900];
	v24 =	vadd.f32 v24, v31;
	v22 =	vadd.f32 v56, v46  }
0x12c: {  	v35 =	vimm.f32 $0.0e+00;
	v45 =	vld [tilespmem:s24+$0xC930];
	v26 =	vadd.f32 v25, v26;
	v25 =	vadd.f32 v57, v46  }
0x12d: {  	v40 =	vld [tilespmem:s24+$0xD590];
	v31 =	vadd.f32 v30, v0;
	v30 =	vimm.f32 $0.0e+00;
	v33 =	vadd.f32 v28, v22  }
0x12e: {  	v37 =	vld [tilespmem:s24+$0xD5C0];
	v32 =	vadd.f32 v29, v25;
	v29 =	vadd.f32 v34, v62;
	v34 =	vimm.f32 $0.0e+00  }
0x12f: {  	s29 =	simm.s32 $0x200;
	[tilespmem:$0x1FF80] =	vst v44;
	v44 =	vld [tilespmem:s24+$0xC920];
	v28 =	vimm.f32 $0.0e+00;
	v25 =	vimm.f32 $0.0e+00;
	v22 =	vimm.f32 $0.0e+00  }
.LBB2_7:
0x130: {  	v57 =	vld [tilespmem:s24+$0xD5B0]  }
0x131: {  	v58 =	vld [tilespmem:s24+$0xD5E0]  }
0x132: {  	v60 =	vld [tilespmem:s24+$0xD5F0]  }
0x133: {  	s24 =	sshra.s32 s29, $0x2;
	v5 =	vld [tilespmem:$0x1FF80]  }
0x134: {  	v47 =	vld [tilespmem:s24+$0x9750]  }
0x135: {  	v48 =	vld [tilespmem:s24+$0x9760]  }
0x136: {  	v49 =	vld [tilespmem:s24+$0x9770]  }
0x137: {  	v50 =	vld [tilespmem:s24+$0xA3C0]  }
0x138: {  	v51 =	vld [tilespmem:s24+$0xA3D0]  }
0x139: {  	v52 =	vld [tilespmem:s24+$0xA3E0]  }
0x13a: {  	v53 =	vld [tilespmem:s24+$0xA3F0]  }
0x13b: {  	v54 =	vld [tilespmem:s24+$0xB040]  }
0x13c: {  	v55 =	vld [tilespmem:s24+$0xB050]  }
0x13d: {  	v56 =	vld [tilespmem:s24+$0xB060]  }
0x13e: {  	v1 =	vld [tilespmem:s24+$0xBCC0]  }
0x13f: {  	v62 =	vld [tilespmem:s24+$0xBCD0]  }
0x140: {  	v4 =	vmov v63;
	v63 =	vld [tilespmem:s24+$0x7E10]  }
0x141: {  	v2 =	vld [tilespmem:s24+$0x7E30]  }
0x142: {  	v3 =	vld [tilespmem:s24+$0x8A80]  }
0x143: {  	v36 =	vadd.f32 v44, v36;
	v44 =	vld [tilespmem:s24+$0x7E40]  }
0x144: {  	v35 =	vadd.f32 v45, v35;
	v45 =	vld [tilespmem:s24+$0x7E50]  }
0x145: {  	v0 =	vadd.f32 v41, v46;
	v41 =	vld [tilespmem:s24+$0x8AC0]  }
0x146: {  	v34 =	vadd.f32 v43, v34;
	v43 =	vld [tilespmem:s24+$0x8AF0]  }
0x147: {  	v46 =	vld [tilespmem:s24+$0x9740]  }
0x148: {  	v35 =	vadd.f32 v6, v35;
	v6 =	vadd.f32 v39, v30;
	v39 =	vld [tilespmem:s24+$0x7E60]  }
0x149: {  	v36 =	vadd.f32 v7, v36;
	v7 =	vadd.f32 v40, v28;
	v40 =	vld [tilespmem:s24+$0x7E70]  }
0x14a: {  	v34 =	vadd.f32 v10, v34;
	v10 =	vadd.f32 v42, v25;
	v42 =	vld [tilespmem:s24+$0x8AE0]  }
0x14b: {  	v0 =	vadd.f32 v13, v0;
	v13 =	vadd.f32 v57, v22;
	v57 =	vld [tilespmem:s24+$0xB070]  }
0x14c: {  	[tilespmem:$0x1FF50] =	vst v62;
	v62 =	vld [tilespmem:s24+$0x7E00]  }
0x14d: {  	[tilespmem:$0x1FF40] =	vst v1;
	v1 =	vld [tilespmem:s24+$0x7E20]  }
0x14e: {  	v63 =	vadd.f32 v63, v4;
	v4 =	vld [tilespmem:s24+$0x8AB0]  }
0x14f: {  	[tilespmem:$0x1FF30] =	vst v0;
	v0 =	vld [tilespmem:s24+$0x8AD0]  }
0x150: {  	v30 =	vadd.f32 v37, v6;
	v37 =	vld [tilespmem:s24+$0xBCE0]  }
0x151: {  	v28 =	vadd.f32 v38, v7;
	v38 =	vld [tilespmem:s24+$0xBCF0]  }
0x152: {  	v22 =	vadd.f32 v60, v13;
	v13 =	vld [tilespmem:s24+$0xC940]  }
0x153: {  	v25 =	vadd.f32 v58, v10;
	v10 =	vld [tilespmem:s24+$0xC950]  }
0x154: {  	v7 =	vld [tilespmem:s24+$0xC960]  }
0x155: {  	v6 =	vld [tilespmem:s24+$0xC970]  }
0x156: {  	v58 =	vld [tilespmem:s24+$0x8A90]  }
0x157: {  	v60 =	vld [tilespmem:s24+$0x8AA0]  }
0x158: {  	v63 =	vadd.f32 v45, v63;
	v45 =	vadd.f32 v3, v8;
	v3 =	vld [tilespmem:s24+$0x9730]  }
0x159: {  	v2 =	vadd.f32 v2, v61;
	v1 =	vadd.f32 v1, v5;
	v5 =	vld [tilespmem:s24+$0x9700]  }
0x15a: {  	v62 =	vadd.f32 v62, v59;
	v59 =	vld [tilespmem:s24+$0x9710]  }
0x15b: {  	v61 =	vadd.f32 v40, v2;
	v40 =	vld [tilespmem:s24+$0xA390]  }
0x15c: {  	v8 =	vadd.f32 v41, v45;
	v41 =	vld [tilespmem:s24+$0xC900]  }
0x15d: {  	[tilespmem:$0x1FF60] =	vst v37;
	v37 =	vld [tilespmem:s24+$0xD5C0]  }
0x15e: {  	[tilespmem:$0x1FF70] =	vst v38;
	v38 =	vld [tilespmem:s24+$0xD5D0]  }
0x15f: {  	v4 =	vadd.f32 v4, v12;
	v62 =	vadd.f32 v44, v62;
	v44 =	vld [tilespmem:s24+$0x9720]  }
0x160: {  	v1 =	vadd.f32 v39, v1;
	v39 =	vld [tilespmem:s24+$0xA380]  }
0x161: {  	v12 =	vadd.f32 v43, v4;
	v4 =	vld [tilespmem:s24+$0xA3B0]  }
0x162: {  	v58 =	vadd.f32 v58, v9;
	v11 =	vadd.f32 v60, v11;
	v60 =	vld [tilespmem:s24+$0xB000]  }
0x163: {  	v43 =	vld [tilespmem:s24+$0xC910]  }
0x164: {  	v9 =	vadd.f32 v0, v58;
	v0 =	vld [tilespmem:s24+$0xA3A0]  }
0x165: {  	v3 =	vadd.f32 v3, v17;
	v58 =	vld [tilespmem:$0x1FF50]  }
0x166: {  	v11 =	vadd.f32 v42, v11;
	v42 =	vld [tilespmem:s24+$0xD5A0];
	v45 =	vadd.f32 v5, v14  }
0x167: {  	v2 =	vadd.f32 v59, v15;
	v59 =	vmov v62;
	v62 =	vld [tilespmem:s24+$0xB010];
	v5 =	vadd.f32 v44, v16  }
0x168: {  	v17 =	vadd.f32 v49, v3;
	v49 =	vld [tilespmem:s24+$0xBC90];
	v14 =	vadd.f32 v46, v45  }
0x169: {  	v4 =	vadd.f32 v4, v21;
	v16 =	vadd.f32 v48, v5;
	v5 =	vld [tilespmem:s24+$0xB030]  }
0x16a: {  	v15 =	vadd.f32 v47, v2;
	v44 =	vld [tilespmem:s24+$0xB020];
	v45 =	vadd.f32 v39, v18  }
0x16b: {  	v47 =	vadd.f32 v40, v19;
	v21 =	vadd.f32 v53, v4;
	v4 =	vld [tilespmem:s24+$0xBCB0]  }
0x16c: {  	v0 =	vadd.f32 v0, v20;
	v48 =	vld [tilespmem:s24+$0xBC80];
	v18 =	vadd.f32 v50, v45  }
0x16d: {  	v19 =	vadd.f32 v51, v47;
	v51 =	vld [tilespmem:s24+$0xBCA0];
	v53 =	vadd.f32 v62, v24  }
0x16e: {  	v62 =	vld [tilespmem:$0x1FF70];
	v20 =	vadd.f32 v52, v0;
	v5 =	vadd.f32 v5, v27  }
0x16f: {  	[tilespmem:$0x1FF80] =	vst v1;
	v52 =	vadd.f32 v60, v23;
	v60 =	vld [tilespmem:$0x1FF60];
	v1 =	vadd.f32 v44, v26  }
0x170: {  	p0 =	sne.s32 s29, $0x3000;
	v27 =	vadd.f32 v57, v5;
	v57 =	vadd.f32 v4, v29;
	v4 =	vld [tilespmem:$0x1FF40]  }
.Ltmp2:
0x171: {  	v46 =	vld [tilespmem:$0x1FF30];
	v24 =	vadd.f32 v55, v53;
	v26 =	vadd.f32 v56, v1;
	(pc) =	sbr.rel @p0 .LBB2_7-.Ltmp2, $4  }
0x172: {  	v39 =	vld [tilespmem:s24+$0xD580];
	v56 =	vadd.f32 v49, v32;
	v2 =	vadd.f32 v51, v31  }
0x173: {  	v40 =	vld [tilespmem:s24+$0xD590];
	v23 =	vadd.f32 v54, v52;
	v55 =	vadd.f32 v48, v33  }
0x174: {  	v45 =	vld [tilespmem:s24+$0xC930];
	v32 =	vadd.f32 v58, v56;
	v31 =	vadd.f32 v60, v2  }
0x175: {  	s29 =	sadd.s32 $0x200, s29;
	v44 =	vld [tilespmem:s24+$0xC920];
	v29 =	vadd.f32 v62, v57;
	v33 =	vadd.f32 v4, v55  }
0x176: {  	v0 =	vld [tilespmem:s24+$0xD5B0];
	s22 =	sor.u32 $0x200, s22  }
0x177: {  	v1 =	vld [tilespmem:s24+$0xD5E0];
	s22 =	sand.u32 $0x3FFFFE00, s22  }
0x178: {  	v2 =	vld [tilespmem:s24+$0xD5F0];
	[tilespmem:s22+$0x11400] =	vst v59  }
0x179: {  	[tilespmem:s22+$0x11410] =	vst v63  }
0x17a: {  	[tilespmem:s22+$0x11430] =	vst v61  }
0x17b: {  	[tilespmem:s22+$0x11440] =	vst v8  }
0x17c: {  	[tilespmem:s22+$0x11450] =	vst v9  }
0x17d: {  	[tilespmem:s22+$0x11460] =	vst v11  }
0x17e: {  	[tilespmem:s22+$0x11470] =	vst v12  }
0x17f: {  	[tilespmem:s22+$0x11480] =	vst v14  }
0x180: {  	[tilespmem:s22+$0x11490] =	vst v15  }
0x181: {  	[tilespmem:s22+$0x114A0] =	vst v16  }
0x182: {  	[tilespmem:s22+$0x114B0] =	vst v17  }
0x183: {  	[tilespmem:s22+$0x114C0] =	vst v18  }
0x184: {  	[tilespmem:s22+$0x114D0] =	vst v19  }
0x185: {  	[tilespmem:s22+$0x114E0] =	vst v20  }
0x186: {  	[tilespmem:s22+$0x114F0] =	vst v21  }
0x187: {  	v3 =	vld [tilespmem:$0x1FF80];
	[tilespmem:s22+$0x11500] =	vst v23  }
0x188: {  	[tilespmem:s22+$0x11510] =	vst v24  }
0x189: {  	[tilespmem:s22+$0x11520] =	vst v26  }
0x18a: {  	[tilespmem:s22+$0x11530] =	vst v27  }
0x18b: {  	[tilespmem:s22+$0x11540] =	vst v33  }
0x18c: {  	[tilespmem:s22+$0x11420] =	vst v3;
	v3 =	vadd.f32 v41, v46  }
0x18d: {  	v4 =	vadd.f32 v43, v34;
	[tilespmem:s22+$0x11550] =	vst v32;
	v9 =	vld [tilespmem:$0x1FFF0]  }
0x18e: {  	[tilespmem:s22+$0x11560] =	vst v31;
	v8 =	vadd.f32 v45, v35;
	v3 =	vadd.f32 v13, v3  }
0x18f: {  	s31 =	simm.s32 $0x0;
	v4 =	vadd.f32 v10, v4;
	[tilespmem:s22+$0x11570] =	vst v29;
	v5 =	vadd.f32 v44, v36  }
0x190: {  	v62 =	vadd.f32 v39, v30;
	v6 =	vadd.f32 v6, v8;
	[tilespmem:s22+$0x11580] =	vst v3;
	v3 =	vmov s31  }
0x191: {  	[tilespmem:s22+$0x11590] =	vst v4;
	v4 =	vadd.f32 v42, v25;
	v5 =	vadd.f32 v7, v5;
	v3 =	vshll.u32 v3, $0x6  }
0x192: {  	v0 =	vadd.f32 v0, v22;
	v7 =	vadd.f32 v37, v62;
	[tilespmem:s22+$0x115B0] =	vst v6;
	v3 =	vor.u32 v9, v3  }
0x193: {  	v8 =	vadd.f32 v40, v28;
	v1 =	vadd.f32 v1, v4;
	[tilespmem:s22+$0x115A0] =	vst v5;
	v63 =	vor.u32 $0x32, v3  }
0x194: {  	v0 =	vadd.f32 v2, v0;
	[tilespmem:s22+$0x115C0] =	vst v7;
	v3 =	vor.u32 $0x33, v3  }
0x195: {  	v5 =	vadd.f32 v38, v8;
	[tilespmem:s22+$0x115E0] =	vst v1  }
0x196: {  	s30 =	simm.s32 $0x10;
	[tilespmem:s22+$0x115F0] =	vst v0  }
0x197: {  	v0 =	vmov s30;
	[tilespmem:s22+$0x115D0] =	vst v5  }
0x198: {  	v0 =	vshll.u32 v0, $0x6;
	v1 =	vld.idx.msk [tilespmem:v63+s19+$0x0], $0xffff  }
0x199: {  	v0 =	vor.u32 v9, v0;
	v2 =	vld.idx.msk [tilespmem:v3+s19+$0x0], $0xffff  }
0x19a: {  	v3 =	vor.u32 $0x32, v0  }
0x19b: {  	v0 =	vor.u32 $0x33, v0;
	_ =	sdelay $0x1  }
0x19c: {  	[tilespmem:s0+$0x0] =	vst v1  }
0x19d: {  	s31 =	simm.s32 $0x20;
	[tilespmem:s12+$0x0] =	vst v2  }
0x19e: {  	v2 =	vmov s31;
	v1 =	vld.idx.msk [tilespmem:v3+s19+$0x0], $0xffff  }
0x19f: {  	s29 =	simm.s32 $0x30;
	s24 =	smov.u32 s0;
	s22 =	smov.u32 s12;
	v3 =	vshll.u32 v2, $0x6;
	v2 =	vld.idx.msk [tilespmem:v0+s19+$0x0], $0xffff  }
.LBB2_9:
0x1a0: {  	p0 =	sne.s32 s29, $0x180;
	v0 =	vor.u32 v9, v3  }
0x1a1: {  	v3 =	vor.u32 $0x32, v0  }
0x1a2: {  	v0 =	vor.u32 $0x33, v0  }
.Ltmp3:
0x1a3: {  	s24 =	sadd.s32 $0x10, s24;
	(pc) =	sbr.rel @p0 .LBB2_9-.Ltmp3, $4  }
0x1a4: {  	s22 =	sadd.s32 $0x10, s22;
	[tilespmem:s24+$0x0] =	vst v1  }
0x1a5: {  	[tilespmem:s22+$0x0] =	vst v2  }
0x1a6: {  	v2 =	vmov s29;
	v1 =	vld.idx.msk [tilespmem:v3+s19+$0x0], $0xffff  }
0x1a7: {  	s29 =	sadd.s32 $0x10, s29;
	v3 =	vshll.u32 v2, $0x6;
	v2 =	vld.idx.msk [tilespmem:v0+s19+$0x0], $0xffff  }
0x1a8: {  	v0 =	vor.u32 v9, v3  }
0x1a9: {  	v3 =	vor.u32 $0x32, v0  }
0x1aa: {  	v0 =	vor.u32 $0x33, v0  }
0x1ab: {  	s24 =	sadd.s32 $0x10, s24  }
0x1ac: {  	s22 =	sadd.s32 $0x10, s22;
	[tilespmem:s24+$0x0] =	vst v1  }
0x1ad: {  	[tilespmem:s22+$0x0] =	vst v2  }
0x1ae: {  	v1 =	vld.idx.msk [tilespmem:v3+s19+$0x0], $0xffff  }
0x1af: {  	v0 =	vld.idx.msk [tilespmem:v0+s19+$0x0], $0xffff  }
0x1b0: {  	s29 =	sadd.s32 $0xC, s20  }
0x1b1: {  	s30 =	sadd.s32 $0xD, s20;
	s18 =	sadd.s32 $0x1, s18;
	s29 =	sand.u32 $0x3C, s29  }
0x1b2: {  	s30 =	sand.u32 $0x3D, s30;
	s29 =	smul.u32 $0x1A0, s29;
	s24 =	sadd.s32 $0x10, s24  }
0x1b3: {  	s22 =	sadd.s32 $0x10, s22;
	[tilespmem:s24+$0x0] =	vst v1;
	s24 =	smul.u32 $0x1A0, s30;
	s30 =	sadd.s32 $0xE, s20  }
0x1b4: {  	p0 =	sne.s32 s18, $0x8;
	s31 =	sshrl.u32 s29, $0x2;
	[tilespmem:s22+$0x0] =	vst v0;
	s22 =	sand.u32 $0x3E, s30  }
0x1b5: {  	[tilespmem:s19], [sflag:$0x2] =	stream.indirect.gather [hbm4b:s3+s10], $0x40, s31, s10, $0xb8;
	[tilespmem:$0x13400] =	vst v63  }
0x1b6: {  	s29 =	sshrl.u32 s24, $0x2;
	s22 =	smul.u32 $0x1A0, s22;
	s31 =	sadd.s32 $0xF, s20  }
0x1b7: {  	[tilespmem:s21], [sflag:$0x2] =	stream.indirect.gather [hbm4b:s3+s10], $0x40, s29, s10, $0xb8;
	[tilespmem:$0x13400] =	vst v63  }
.Ltmp4:
0x1b8: {  	s16 =	sadd.s32 $0x320, s16;
	s20 =	sand.u32 $0x3F, s31;
	(pc) =	sbr.rel @p0 .LBB2_2-.Ltmp4, $4  }
0x1b9: {  	s14 =	sadd.s32 $0x320, s14;
	s22 =	sshrl.u32 s22, $0x2;
	s20 =	smul.u32 $0x1A0, s20  }
0x1ba: {  	[tilespmem:s23], [sflag:$0x2] =	stream.indirect.gather [hbm4b:s3+s10], $0x40, s22, s10, $0xb8;
	[tilespmem:$0x13400] =	vst v63  }
0x1bb: {  	s0 =	sadd.s32 $0x320, s0;
	s12 =	sadd.s32 $0x320, s12;
	s20 =	sshrl.u32 s20, $0x2  }
0x1bc: {  	[tilespmem:s25], [sflag:$0x2] =	stream.indirect.gather [hbm4b:s3+s10], $0x40, s20, s10, $0xb8;
	[tilespmem:$0x13400] =	vst v63  }
0x1bd: {  	_ =	swait.ge [sflag:s26], $0x6400  }
0x1be: {  	[sflag:s26] =	ssyncset.done $0x0  }
0x1bf: {  	[sflag:s26] =	ssyncadd.s32 $0xFFFF9C00  }
0x1c0: {  	_ =	swait.ge [sflag:s28], $0x6400  }
0x1c1: {  	[sflag:s28] =	ssyncset.done $0x0  }
0x1c2: {  	s0 =	simm.s32 $0x11400;
	[sflag:s28] =	ssyncadd.s32 $0xFFFF9C00  }
0x1c3: {  	[hbm4b:s5+s2] =	stream.linear.scatter [tilespmem:s0], [sflag:$0x3], $0x2000, $0x38;
	[tilespmem:$0x13400] =	vst v63  }
0x1c4: {  	_ =	swait.ge [sflag:s9], $0x2000  }
0x1c5: {  	[sflag:s9] =	ssyncset.done $0x0  }
0x1c6: {  	s30 =	simm.s32 $0xE200;
	[sflag:s9] =	ssyncadd.s32 $0xFFFFE000  }
0x1c7: {  	[hbm4b:s6+s2] =	stream.linear.scatter [tilespmem:s30], [sflag:$0x3], $0x1900, $0x38;
	[tilespmem:$0x13400] =	vst v63  }
0x1c8: {  	s1 =	sadd.s32 $0x1, s1;
	_ =	swait.ge [sflag:s9], $0x1900  }
0x1c9: {  	p0 =	sne.s32 s1, s8;
	[sflag:s9] =	ssyncset.done $0x0  }
.Ltmp5:
0x1ca: {  	s31 =	simm.s32 $0xFB00;
	[sflag:s9] =	ssyncadd.s32 $0xFFFFE700;
	(pc) =	sbr.rel @p0 .LBB2_1-.Ltmp5, $4  }
0x1cb: {  	[hbm4b:s7+s2] =	stream.linear.scatter [tilespmem:s31], [sflag:$0x3], $0x1900, $0x38;
	[tilespmem:$0x13400] =	vst v63  }
0x1cc: {  	_ =	swait.ge [sflag:s9], $0x1900  }
0x1cd: {  	[sflag:s9] =	ssyncset.done $0x0  }
0x1ce: {  	[sflag:s9] =	ssyncadd.s32 $0xFFFFE700  }
0x1cf: {  	_ =	sfence.sel $0x180000  }
0x1d0: {  	[bflag:$0x0] =	sbarrier.arrive $0xFFFF  }
0x1d1: {  	_ =	strace $0x90000047  }
0x1d2: {  	s0 =	stileid.u32;
	[bflag:$0x2] =	sbarrier.arrive $0xFFFF  }
0x1d3: {  	p0 =	sne.s32 s0, $0x0;
	s0 =	rddreg [dreg:$0x2]  }
0x1d4: {  	s0 =	sadd.s32 @!p0 $0x100000, s0  }
0x1d5: {  	[sflag:s0] =	ssyncadd.tile.s32 @!p0 $0x1;
	_ =	shalt  }
.Lfunc_end2:
_tile_overlayer_lowered:
.L_overlay_start_2:
0x1d6: {  	(tag) =	ssettag $0x2  }
0x1d7: {  	s0 =	rddreg [dreg:$0x0];
	s2 =	stileid.u32  }
0x1d8: {  	s1 =	rddreg [dreg:$0x1];
	p0 =	sne.s32 s2, $0x0  }
0x1d9: {  	s3 =	rddreg [dreg:$0x2];
	[bflag:$0x3] =	sbarrier.arrive $0xFFFF;
	s2 =	simm.s32 @!p0 $0x1C03  }
0x1da: {  	[timem:s3], [sflag:s2] =	dma.local @!p0 [hbm:s0], s1  }
0x1db: {  	s0 =	simm.s32 @!p0 $0x3  }
0x1dc: {  	_ =	swait.ge @!p0 [sflag:s0], s1  }
0x1dd: {  	s1 =	ssub.s32 @!p0 $0x0, s1;
	[sflag:s0] =	ssyncset.done @!p0 $0x0  }
0x1de: {  	[sflag:s0] =	ssyncadd.s32 @!p0 s1  }
0x1df: {  	[bflag:$0x3] =	sbarrier.arrive $0xFFFF  }
0x1e0: {  	_ =	shalt  }

</sc_bundles>
